<compile_context>
chip_gen: v7x
topology: tpu7x:2x2x1
jax: 0.10.2.dev20260603
libtpu: 0.0.44.dev20260713+nightly
codegen_flags: <defaults>
</compile_context>

<pallas_src>
import functools

import jax
import jax.numpy as jnp
from jax import lax
from jax.experimental import pallas as pl
from jax.experimental.pallas import tpu as pltpu
from jax.experimental.pallas import tpu_sc as plsc

_NUM_BINS = 15
_N = 8_000_000
_NC = 2
_NS = 16
_NW = _NC * _NS
_PER_TILE = _N // _NW
_CHUNK = 30_000
_CHUNKS = [30_000] * 8 + [10_000]
_STARTS = [sum(_CHUNKS[:i]) for i in range(len(_CHUNKS))]
_NCHUNKS = len(_CHUNKS)
_UNROLL = 8
_ACC_W = 32


@functools.partial(
    pl.kernel,
    out_type=[
        jax.ShapeDtypeStruct((_NW, 16 * _ACC_W), jnp.float32),
        jax.ShapeDtypeStruct((_NW, 16 * _ACC_W), jnp.float32),
    ],
    mesh=plsc.VectorSubcoreMesh(core_axis_name="c", subcore_axis_name="s"),
    compiler_params=pltpu.CompilerParams(needs_layout_passes=False),
    scratch_types=[
        pltpu.VMEM((_CHUNK,), jnp.float32),
        pltpu.VMEM((_CHUNK,), jnp.float32),
        pltpu.VMEM((_CHUNK,), jnp.int32),
        pltpu.VMEM((_CHUNK,), jnp.int32),
        pltpu.VMEM((16 * _ACC_W,), jnp.float32),
        pltpu.VMEM((16 * _ACC_W,), jnp.float32),
        pltpu.SemaphoreType.DMA,
        pltpu.SemaphoreType.DMA,
        pltpu.SemaphoreType.DMA,
        pltpu.SemaphoreType.DMA,
    ],
)
def _ece_partials(probs_hbm, labels_hbm, cnt_out, conf_out,
                  pb0, pb1, lb0, lb1, cnt_v, conf_v,
                  ps0, ps1, ls0, ls1):
    wid = lax.axis_index("s") * _NC + lax.axis_index("c")
    base = wid * _PER_TILE
    pbufs = (pb0, pb1)
    lbufs = (lb0, lb1)
    psem = (ps0, ps1)
    lsem = (ls0, ls1)

    zeros16 = jnp.zeros((16,), jnp.float32)
    for part in range(_ACC_W):
        cnt_v[pl.ds(part * 16, 16)] = zeros16
        conf_v[pl.ds(part * 16, 16)] = zeros16

    lane = lax.broadcasted_iota(jnp.int32, (16,), 0)
    ones = jnp.ones((16,), jnp.float32)

    def start_fetch(k):
        buf = k % 2
        start = pl.multiple_of(base + _STARTS[k], 16)
        size = _CHUNKS[k]
        cp = pltpu.make_async_copy(
            probs_hbm.at[pl.ds(start, size)],
            pbufs[buf].at[pl.ds(0, size)], psem[buf])
        cl = pltpu.make_async_copy(
            labels_hbm.at[pl.ds(start, size)],
            lbufs[buf].at[pl.ds(0, size)], lsem[buf])
        cp.start()
        cl.start()
        return cp, cl

    pending = start_fetch(0)

    for k in range(_NCHUNKS):
        buf = k % 2
        cp, cl = pending
        cp.wait()
        cl.wait()
        if k + 1 < _NCHUNKS:
            pending = start_fetch(k + 1)

        @plsc.parallel_loop(0, _CHUNKS[k] // 16, step=1, unroll=_UNROLL)
        def body(i):
            o = i * 16
            p = pbufs[buf][pl.ds(o, 16)]
            l = lbufs[buf][pl.ds(o, 16)]
            ji = (p * jnp.float32(_NUM_BINS)).astype(jnp.int32)
            cidx = (ji << 4) | (l << 8) | lane
            valid = p > 0.0
            plsc.addupdate_scatter(cnt_v, [cidx], ones, mask=valid)
            plsc.addupdate_scatter(conf_v, [cidx], p, mask=valid)

    pltpu.sync_copy(cnt_v, cnt_out.at[wid])
    pltpu.sync_copy(conf_v, conf_out.at[wid])


@jax.jit
def kernel(probs, labels):
    labels = labels.astype(jnp.int32)
    cnt_p, conf_p = _ece_partials(probs, labels)
    cnt2 = cnt_p.reshape(_NW, _ACC_W, 16).sum(axis=(0, 2))
    conf2 = conf_p.reshape(_NW, _ACC_W, 16).sum(axis=(0, 2))
    nb = _NUM_BINS
    cnt_b = cnt2[:nb] + cnt2[16:16 + nb]
    acc_b = cnt2[16:16 + nb]
    conf_b = conf2[:nb] + conf2[16:16 + nb]
    denom = jnp.maximum(cnt_b, 1.0)
    contrib = (cnt_b / _N) * jnp.abs(acc_b / denom - conf_b / denom)
    return jnp.sum(jnp.where(cnt_b > 0, contrib, 0.0))

# --- scband reference (transcript-rebuilt; emitter-appended) ---
"""Pipeline reference for scband-eceloss-16947940950786 (READ-ONLY COPY).

The authoritative reference and input builder live on the scoring server;
editing this copy changes nothing except your own understanding.
"""

import jax, jax.numpy as jnp
import numpy as np

NUM_BINS = 15
N = 8000000


def setup_inputs(seed: int = 0) -> dict:
    key = jax.random.key(seed)
    k1, k2 = jax.random.split(key)
    probs = jax.random.uniform(k1, (N,), dtype=jnp.float32)
    labels = jax.random.randint(k2, (N,), 0, 2, dtype=jnp.int64)
    return {"probs": probs, "labels": labels}


def reference(probs, labels):
    num_bins = NUM_BINS
    bins = jnp.linspace(0.0, 1.0, num_bins + 1, dtype=probs.dtype)
    bin_lowers = bins[:-1]
    bin_uppers = bins[1:]
    n = probs.shape[0]
    labels_f = labels.astype(jnp.float32)
    ece = jnp.asarray(0.0, dtype=probs.dtype)
    for i in range(num_bins):
        bin_lower = bin_lowers[i]
        bin_upper = bin_uppers[i]
        in_bin = (probs > bin_lower) & (probs <= bin_upper)
        bin_count = jnp.sum(in_bin)
        denom = jnp.maximum(bin_count, 1).astype(probs.dtype)
        avg_confidence = jnp.sum(jnp.where(in_bin, probs, 0.0)) / denom
        avg_accuracy = jnp.sum(jnp.where(in_bin, labels_f, 0.0)) / denom
        contrib = (bin_count.astype(probs.dtype) / n) * jnp.abs(avg_accuracy - avg_confidence)
        ece = ece + jnp.where(bin_count > 0, contrib, 0.0)
    return ece

if __name__ == "__main__":
    import jax
    _d = setup_inputs()
    print(jax.jit(kernel)(*tuple(_d.values())))

</pallas_src>

<mosaic_0001>
#map = affine_map<(d0, d1) -> (0)>
#map1 = affine_map<(d0, d1) -> (0, 0)>
module attributes {stable_mosaic.version = 14 : i64} {
  func.func @_ece_partials(%arg0: i32, %arg1: i32, %arg2: memref<8000000xf32, #tpu.memory_space<hbm>>, %arg3: memref<8000000xi32, #tpu.memory_space<hbm>>, %arg4: memref<32x512xf32, #tpu.memory_space<hbm>>, %arg5: memref<32x512xf32, #tpu.memory_space<hbm>>, %arg6: memref<30000xf32, #tpu.memory_space<vmem>>, %arg7: memref<30000xf32, #tpu.memory_space<vmem>>, %arg8: memref<30000xi32, #tpu.memory_space<vmem>>, %arg9: memref<30000xi32, #tpu.memory_space<vmem>>, %arg10: memref<512xf32, #tpu.memory_space<vmem>>, %arg11: memref<512xf32, #tpu.memory_space<vmem>>, %arg12: memref<!tpu.dma_semaphore, #tpu.memory_space<semaphore_mem>>, %arg13: memref<!tpu.dma_semaphore, #tpu.memory_space<semaphore_mem>>, %arg14: memref<!tpu.dma_semaphore, #tpu.memory_space<semaphore_mem>>, %arg15: memref<!tpu.dma_semaphore, #tpu.memory_space<semaphore_mem>>) attributes {dimension_semantics = [#tpu.dimension_semantics<core_parallel>, #tpu.dimension_semantics<subcore_parallel>], iteration_bounds = array<i64: 2, 16>, scalar_prefetch = 0 : i64, scratch_operands = 10 : i64, tpu.core_type = #tpu.core_type<sc_vector_subcore>, window_params = [{transform_indices = #map}, {transform_indices = #map}, {transform_indices = #map1}, {transform_indices = #map1}]} {
    %mul3A = arith.constant 2 : i32
    %mul3A_0 = arith.muli %arg1, %mul3A : i32
    %add3A = arith.addi %mul3A_0, %arg0 : i32
    %mul3A_1 = arith.constant 250000 : i32
    %mul3A_2 = arith.muli %add3A, %mul3A_1 : i32
    %broadcast_in_dim3A = arith.constant 0.000000e+00 : f32
    %broadcast_in_dim3A_3 = vector.broadcast %broadcast_in_dim3A : f32 to vector<16xf32>
    %swap3A = arith.constant 0 : index
    %swap3A_4 = tpu.vector_load %arg10[%swap3A] {strides = array<i32>} : memref<512xf32, #tpu.memory_space<vmem>>, vector<16xf32>,
    tpu.vector_store %arg10[%swap3A], %broadcast_in_dim3A_3 {strides = array<i32>} : memref<512xf32, #tpu.memory_space<vmem>>, vector<16xf32>,
    %swap3A_5 = arith.constant 0 : index
    %swap3A_6 = tpu.vector_load %arg11[%swap3A_5] {strides = array<i32>} : memref<512xf32, #tpu.memory_space<vmem>>, vector<16xf32>,
    tpu.vector_store %arg11[%swap3A_5], %broadcast_in_dim3A_3 {strides = array<i32>} : memref<512xf32, #tpu.memory_space<vmem>>, vector<16xf32>,
    %swap3A_7 = arith.constant 16 : index
    %swap3A_8 = tpu.vector_load %arg10[%swap3A_7] {strides = array<i32>} : memref<512xf32, #tpu.memory_space<vmem>>, vector<16xf32>,
    tpu.vector_store %arg10[%swap3A_7], %broadcast_in_dim3A_3 {strides = array<i32>} : memref<512xf32, #tpu.memory_space<vmem>>, vector<16xf32>,
    %swap3A_9 = arith.constant 16 : index
    %swap3A_10 = tpu.vector_load %arg11[%swap3A_9] {strides = array<i32>} : memref<512xf32, #tpu.memory_space<vmem>>, vector<16xf32>,
    tpu.vector_store %arg11[%swap3A_9], %broadcast_in_dim3A_3 {strides = array<i32>} : memref<512xf32, #tpu.memory_space<vmem>>, vector<16xf32>,
    %swap3A_11 = arith.constant 32 : index
    %swap3A_12 = tpu.vector_load %arg10[%swap3A_11] {strides = array<i32>} : memref<512xf32, #tpu.memory_space<vmem>>, vector<16xf32>,
    tpu.vector_store %arg10[%swap3A_11], %broadcast_in_dim3A_3 {strides = array<i32>} : memref<512xf32, #tpu.memory_space<vmem>>, vector<16xf32>,
    %swap3A_13 = arith.constant 32 : index
    %swap3A_14 = tpu.vector_load %arg11[%swap3A_13] {strides = array<i32>} : memref<512xf32, #tpu.memory_space<vmem>>, vector<16xf32>,
    tpu.vector_store %arg11[%swap3A_13], %broadcast_in_dim3A_3 {strides = array<i32>} : memref<512xf32, #tpu.memory_space<vmem>>, vector<16xf32>,
    %swap3A_15 = arith.constant 48 : index
    %swap3A_16 = tpu.vector_load %arg10[%swap3A_15] {strides = array<i32>} : memref<512xf32, #tpu.memory_space<vmem>>, vector<16xf32>,
    tpu.vector_store %arg10[%swap3A_15], %broadcast_in_dim3A_3 {strides = array<i32>} : memref<512xf32, #tpu.memory_space<vmem>>, vector<16xf32>,
    %swap3A_17 = arith.constant 48 : index
    %swap3A_18 = tpu.vector_load %arg11[%swap3A_17] {strides = array<i32>} : memref<512xf32, #tpu.memory_space<vmem>>, vector<16xf32>,
    tpu.vector_store %arg11[%swap3A_17], %broadcast_in_dim3A_3 {strides = array<i32>} : memref<512xf32, #tpu.memory_space<vmem>>, vector<16xf32>,
    %swap3A_19 = arith.constant 64 : index
    %swap3A_20 = tpu.vector_load %arg10[%swap3A_19] {strides = array<i32>} : memref<512xf32, #tpu.memory_space<vmem>>, vector<16xf32>,
    tpu.vector_store %arg10[%swap3A_19], %broadcast_in_dim3A_3 {strides = array<i32>} : memref<512xf32, #tpu.memory_space<vmem>>, vector<16xf32>,
    %swap3A_21 = arith.constant 64 : index
    %swap3A_22 = tpu.vector_load %arg11[%swap3A_21] {strides = array<i32>} : memref<512xf32, #tpu.memory_space<vmem>>, vector<16xf32>,
    tpu.vector_store %arg11[%swap3A_21], %broadcast_in_dim3A_3 {strides = array<i32>} : memref<512xf32, #tpu.memory_space<vmem>>, vector<16xf32>,
    %swap3A_23 = arith.constant 80 : index
    %swap3A_24 = tpu.vector_load %arg10[%swap3A_23] {strides = array<i32>} : memref<512xf32, #tpu.memory_space<vmem>>, vector<16xf32>,
    tpu.vector_store %arg10[%swap3A_23], %broadcast_in_dim3A_3 {strides = array<i32>} : memref<512xf32, #tpu.memory_space<vmem>>, vector<16xf32>,
    %swap3A_25 = arith.constant 80 : index
    %swap3A_26 = tpu.vector_load %arg11[%swap3A_25] {strides = array<i32>} : memref<512xf32, #tpu.memory_space<vmem>>, vector<16xf32>,
    tpu.vector_store %arg11[%swap3A_25], %broadcast_in_dim3A_3 {strides = array<i32>} : memref<512xf32, #tpu.memory_space<vmem>>, vector<16xf32>,
    %swap3A_27 = arith.constant 96 : index
    %swap3A_28 = tpu.vector_load %arg10[%swap3A_27] {strides = array<i32>} : memref<512xf32, #tpu.memory_space<vmem>>, vector<16xf32>,
    tpu.vector_store %arg10[%swap3A_27], %broadcast_in_dim3A_3 {strides = array<i32>} : memref<512xf32, #tpu.memory_space<vmem>>, vector<16xf32>,
    %swap3A_29 = arith.constant 96 : index
    %swap3A_30 = tpu.vector_load %arg11[%swap3A_29] {strides = array<i32>} : memref<512xf32, #tpu.memory_space<vmem>>, vector<16xf32>,
    tpu.vector_store %arg11[%swap3A_29], %broadcast_in_dim3A_3 {strides = array<i32>} : memref<512xf32, #tpu.memory_space<vmem>>, vector<16xf32>,
    %swap3A_31 = arith.constant 112 : index
    %swap3A_32 = tpu.vector_load %arg10[%swap3A_31] {strides = array<i32>} : memref<512xf32, #tpu.memory_space<vmem>>, vector<16xf32>,
    tpu.vector_store %arg10[%swap3A_31], %broadcast_in_dim3A_3 {strides = array<i32>} : memref<512xf32, #tpu.memory_space<vmem>>, vector<16xf32>,
    %swap3A_33 = arith.constant 112 : index
    %swap3A_34 = tpu.vector_load %arg11[%swap3A_33] {strides = array<i32>} : memref<512xf32, #tpu.memory_space<vmem>>, vector<16xf32>,
    tpu.vector_store %arg11[%swap3A_33], %broadcast_in_dim3A_3 {strides = array<i32>} : memref<512xf32, #tpu.memory_space<vmem>>, vector<16xf32>,
    %swap3A_35 = arith.constant 128 : index
    %swap3A_36 = tpu.vector_load %arg10[%swap3A_35] {strides = array<i32>} : memref<512xf32, #tpu.memory_space<vmem>>, vector<16xf32>,
    tpu.vector_store %arg10[%swap3A_35], %broadcast_in_dim3A_3 {strides = array<i32>} : memref<512xf32, #tpu.memory_space<vmem>>, vector<16xf32>,
    %swap3A_37 = arith.constant 128 : index
    %swap3A_38 = tpu.vector_load %arg11[%swap3A_37] {strides = array<i32>} : memref<512xf32, #tpu.memory_space<vmem>>, vector<16xf32>,
    tpu.vector_store %arg11[%swap3A_37], %broadcast_in_dim3A_3 {strides = array<i32>} : memref<512xf32, #tpu.memory_space<vmem>>, vector<16xf32>,
    %swap3A_39 = arith.constant 144 : index
    %swap3A_40 = tpu.vector_load %arg10[%swap3A_39] {strides = array<i32>} : memref<512xf32, #tpu.memory_space<vmem>>, vector<16xf32>,
    tpu.vector_store %arg10[%swap3A_39], %broadcast_in_dim3A_3 {strides = array<i32>} : memref<512xf32, #tpu.memory_space<vmem>>, vector<16xf32>,
    %swap3A_41 = arith.constant 144 : index
    %swap3A_42 = tpu.vector_load %arg11[%swap3A_41] {strides = array<i32>} : memref<512xf32, #tpu.memory_space<vmem>>, vector<16xf32>,
    tpu.vector_store %arg11[%swap3A_41], %broadcast_in_dim3A_3 {strides = array<i32>} : memref<512xf32, #tpu.memory_space<vmem>>, vector<16xf32>,
    %swap3A_43 = arith.constant 160 : index
    %swap3A_44 = tpu.vector_load %arg10[%swap3A_43] {strides = array<i32>} : memref<512xf32, #tpu.memory_space<vmem>>, vector<16xf32>,
    tpu.vector_store %arg10[%swap3A_43], %broadcast_in_dim3A_3 {strides = array<i32>} : memref<512xf32, #tpu.memory_space<vmem>>, vector<16xf32>,
    %swap3A_45 = arith.constant 160 : index
    %swap3A_46 = tpu.vector_load %arg11[%swap3A_45] {strides = array<i32>} : memref<512xf32, #tpu.memory_space<vmem>>, vector<16xf32>,
    tpu.vector_store %arg11[%swap3A_45], %broadcast_in_dim3A_3 {strides = array<i32>} : memref<512xf32, #tpu.memory_space<vmem>>, vector<16xf32>,
    %swap3A_47 = arith.constant 176 : index
    %swap3A_48 = tpu.vector_load %arg10[%swap3A_47] {strides = array<i32>} : memref<512xf32, #tpu.memory_space<vmem>>, vector<16xf32>,
    tpu.vector_store %arg10[%swap3A_47], %broadcast_in_dim3A_3 {strides = array<i32>} : memref<512xf32, #tpu.memory_space<vmem>>, vector<16xf32>,
    %swap3A_49 = arith.constant 176 : index
    %swap3A_50 = tpu.vector_load %arg11[%swap3A_49] {strides = array<i32>} : memref<512xf32, #tpu.memory_space<vmem>>, vector<16xf32>,
    tpu.vector_store %arg11[%swap3A_49], %broadcast_in_dim3A_3 {strides = array<i32>} : memref<512xf32, #tpu.memory_space<vmem>>, vector<16xf32>,
    %swap3A_51 = arith.constant 192 : index
    %swap3A_52 = tpu.vector_load %arg10[%swap3A_51] {strides = array<i32>} : memref<512xf32, #tpu.memory_space<vmem>>, vector<16xf32>,
    tpu.vector_store %arg10[%swap3A_51], %broadcast_in_dim3A_3 {strides = array<i32>} : memref<512xf32, #tpu.memory_space<vmem>>, vector<16xf32>,
    %swap3A_53 = arith.constant 192 : index
    %swap3A_54 = tpu.vector_load %arg11[%swap3A_53] {strides = array<i32>} : memref<512xf32, #tpu.memory_space<vmem>>, vector<16xf32>,
    tpu.vector_store %arg11[%swap3A_53], %broadcast_in_dim3A_3 {strides = array<i32>} : memref<512xf32, #tpu.memory_space<vmem>>, vector<16xf32>,
    %swap3A_55 = arith.constant 208 : index
    %swap3A_56 = tpu.vector_load %arg10[%swap3A_55] {strides = array<i32>} : memref<512xf32, #tpu.memory_space<vmem>>, vector<16xf32>,
    tpu.vector_store %arg10[%swap3A_55], %broadcast_in_dim3A_3 {strides = array<i32>} : memref<512xf32, #tpu.memory_space<vmem>>, vector<16xf32>,
    %swap3A_57 = arith.constant 208 : index
    %swap3A_58 = tpu.vector_load %arg11[%swap3A_57] {strides = array<i32>} : memref<512xf32, #tpu.memory_space<vmem>>, vector<16xf32>,
    tpu.vector_store %arg11[%swap3A_57], %broadcast_in_dim3A_3 {strides = array<i32>} : memref<512xf32, #tpu.memory_space<vmem>>, vector<16xf32>,
    %swap3A_59 = arith.constant 224 : index
    %swap3A_60 = tpu.vector_load %arg10[%swap3A_59] {strides = array<i32>} : memref<512xf32, #tpu.memory_space<vmem>>, vector<16xf32>,
    tpu.vector_store %arg10[%swap3A_59], %broadcast_in_dim3A_3 {strides = array<i32>} : memref<512xf32, #tpu.memory_space<vmem>>, vector<16xf32>,
    %swap3A_61 = arith.constant 224 : index
    %swap3A_62 = tpu.vector_load %arg11[%swap3A_61] {strides = array<i32>} : memref<512xf32, #tpu.memory_space<vmem>>, vector<16xf32>,
    tpu.vector_store %arg11[%swap3A_61], %broadcast_in_dim3A_3 {strides = array<i32>} : memref<512xf32, #tpu.memory_space<vmem>>, vector<16xf32>,
    %swap3A_63 = arith.constant 240 : index
    %swap3A_64 = tpu.vector_load %arg10[%swap3A_63] {strides = array<i32>} : memref<512xf32, #tpu.memory_space<vmem>>, vector<16xf32>,
    tpu.vector_store %arg10[%swap3A_63], %broadcast_in_dim3A_3 {strides = array<i32>} : memref<512xf32, #tpu.memory_space<vmem>>, vector<16xf32>,
    %swap3A_65 = arith.constant 240 : index
    %swap3A_66 = tpu.vector_load %arg11[%swap3A_65] {strides = array<i32>} : memref<512xf32, #tpu.memory_space<vmem>>, vector<16xf32>,
    tpu.vector_store %arg11[%swap3A_65], %broadcast_in_dim3A_3 {strides = array<i32>} : memref<512xf32, #tpu.memory_space<vmem>>, vector<16xf32>,
    %swap3A_67 = arith.constant 256 : index
    %swap3A_68 = tpu.vector_load %arg10[%swap3A_67] {strides = array<i32>} : memref<512xf32, #tpu.memory_space<vmem>>, vector<16xf32>,
    tpu.vector_store %arg10[%swap3A_67], %broadcast_in_dim3A_3 {strides = array<i32>} : memref<512xf32, #tpu.memory_space<vmem>>, vector<16xf32>,
    %swap3A_69 = arith.constant 256 : index
    %swap3A_70 = tpu.vector_load %arg11[%swap3A_69] {strides = array<i32>} : memref<512xf32, #tpu.memory_space<vmem>>, vector<16xf32>,
    tpu.vector_store %arg11[%swap3A_69], %broadcast_in_dim3A_3 {strides = array<i32>} : memref<512xf32, #tpu.memory_space<vmem>>, vector<16xf32>,
    %swap3A_71 = arith.constant 272 : index
    %swap3A_72 = tpu.vector_load %arg10[%swap3A_71] {strides = array<i32>} : memref<512xf32, #tpu.memory_space<vmem>>, vector<16xf32>,
    tpu.vector_store %arg10[%swap3A_71], %broadcast_in_dim3A_3 {strides = array<i32>} : memref<512xf32, #tpu.memory_space<vmem>>, vector<16xf32>,
    %swap3A_73 = arith.constant 272 : index
    %swap3A_74 = tpu.vector_load %arg11[%swap3A_73] {strides = array<i32>} : memref<512xf32, #tpu.memory_space<vmem>>, vector<16xf32>,
    tpu.vector_store %arg11[%swap3A_73], %broadcast_in_dim3A_3 {strides = array<i32>} : memref<512xf32, #tpu.memory_space<vmem>>, vector<16xf32>,
    %swap3A_75 = arith.constant 288 : index
    %swap3A_76 = tpu.vector_load %arg10[%swap3A_75] {strides = array<i32>} : memref<512xf32, #tpu.memory_space<vmem>>, vector<16xf32>,
    tpu.vector_store %arg10[%swap3A_75], %broadcast_in_dim3A_3 {strides = array<i32>} : memref<512xf32, #tpu.memory_space<vmem>>, vector<16xf32>,
    %swap3A_77 = arith.constant 288 : index
    %swap3A_78 = tpu.vector_load %arg11[%swap3A_77] {strides = array<i32>} : memref<512xf32, #tpu.memory_space<vmem>>, vector<16xf32>,
    tpu.vector_store %arg11[%swap3A_77], %broadcast_in_dim3A_3 {strides = array<i32>} : memref<512xf32, #tpu.memory_space<vmem>>, vector<16xf32>,
    %swap3A_79 = arith.constant 304 : index
    %swap3A_80 = tpu.vector_load %arg10[%swap3A_79] {strides = array<i32>} : memref<512xf32, #tpu.memory_space<vmem>>, vector<16xf32>,
    tpu.vector_store %arg10[%swap3A_79], %broadcast_in_dim3A_3 {strides = array<i32>} : memref<512xf32, #tpu.memory_space<vmem>>, vector<16xf32>,
    %swap3A_81 = arith.constant 304 : index
    %swap3A_82 = tpu.vector_load %arg11[%swap3A_81] {strides = array<i32>} : memref<512xf32, #tpu.memory_space<vmem>>, vector<16xf32>,
    tpu.vector_store %arg11[%swap3A_81], %broadcast_in_dim3A_3 {strides = array<i32>} : memref<512xf32, #tpu.memory_space<vmem>>, vector<16xf32>,
    %swap3A_83 = arith.constant 320 : index
    %swap3A_84 = tpu.vector_load %arg10[%swap3A_83] {strides = array<i32>} : memref<512xf32, #tpu.memory_space<vmem>>, vector<16xf32>,
    tpu.vector_store %arg10[%swap3A_83], %broadcast_in_dim3A_3 {strides = array<i32>} : memref<512xf32, #tpu.memory_space<vmem>>, vector<16xf32>,
    %swap3A_85 = arith.constant 320 : index
    %swap3A_86 = tpu.vector_load %arg11[%swap3A_85] {strides = array<i32>} : memref<512xf32, #tpu.memory_space<vmem>>, vector<16xf32>,
    tpu.vector_store %arg11[%swap3A_85], %broadcast_in_dim3A_3 {strides = array<i32>} : memref<512xf32, #tpu.memory_space<vmem>>, vector<16xf32>,
    %swap3A_87 = arith.constant 336 : index
    %swap3A_88 = tpu.vector_load %arg10[%swap3A_87] {strides = array<i32>} : memref<512xf32, #tpu.memory_space<vmem>>, vector<16xf32>,
    tpu.vector_store %arg10[%swap3A_87], %broadcast_in_dim3A_3 {strides = array<i32>} : memref<512xf32, #tpu.memory_space<vmem>>, vector<16xf32>,
    %swap3A_89 = arith.constant 336 : index
    %swap3A_90 = tpu.vector_load %arg11[%swap3A_89] {strides = array<i32>} : memref<512xf32, #tpu.memory_space<vmem>>, vector<16xf32>,
    tpu.vector_store %arg11[%swap3A_89], %broadcast_in_dim3A_3 {strides = array<i32>} : memref<512xf32, #tpu.memory_space<vmem>>, vector<16xf32>,
    %swap3A_91 = arith.constant 352 : index
    %swap3A_92 = tpu.vector_load %arg10[%swap3A_91] {strides = array<i32>} : memref<512xf32, #tpu.memory_space<vmem>>, vector<16xf32>,
    tpu.vector_store %arg10[%swap3A_91], %broadcast_in_dim3A_3 {strides = array<i32>} : memref<512xf32, #tpu.memory_space<vmem>>, vector<16xf32>,
    %swap3A_93 = arith.constant 352 : index
    %swap3A_94 = tpu.vector_load %arg11[%swap3A_93] {strides = array<i32>} : memref<512xf32, #tpu.memory_space<vmem>>, vector<16xf32>,
    tpu.vector_store %arg11[%swap3A_93], %broadcast_in_dim3A_3 {strides = array<i32>} : memref<512xf32, #tpu.memory_space<vmem>>, vector<16xf32>,
    %swap3A_95 = arith.constant 368 : index
    %swap3A_96 = tpu.vector_load %arg10[%swap3A_95] {strides = array<i32>} : memref<512xf32, #tpu.memory_space<vmem>>, vector<16xf32>,
    tpu.vector_store %arg10[%swap3A_95], %broadcast_in_dim3A_3 {strides = array<i32>} : memref<512xf32, #tpu.memory_space<vmem>>, vector<16xf32>,
    %swap3A_97 = arith.constant 368 : index
    %swap3A_98 = tpu.vector_load %arg11[%swap3A_97] {strides = array<i32>} : memref<512xf32, #tpu.memory_space<vmem>>, vector<16xf32>,
    tpu.vector_store %arg11[%swap3A_97], %broadcast_in_dim3A_3 {strides = array<i32>} : memref<512xf32, #tpu.memory_space<vmem>>, vector<16xf32>,
    %swap3A_99 = arith.constant 384 : index
    %swap3A_100 = tpu.vector_load %arg10[%swap3A_99] {strides = array<i32>} : memref<512xf32, #tpu.memory_space<vmem>>, vector<16xf32>,
    tpu.vector_store %arg10[%swap3A_99], %broadcast_in_dim3A_3 {strides = array<i32>} : memref<512xf32, #tpu.memory_space<vmem>>, vector<16xf32>,
    %swap3A_101 = arith.constant 384 : index
    %swap3A_102 = tpu.vector_load %arg11[%swap3A_101] {strides = array<i32>} : memref<512xf32, #tpu.memory_space<vmem>>, vector<16xf32>,
    tpu.vector_store %arg11[%swap3A_101], %broadcast_in_dim3A_3 {strides = array<i32>} : memref<512xf32, #tpu.memory_space<vmem>>, vector<16xf32>,
    %swap3A_103 = arith.constant 400 : index
    %swap3A_104 = tpu.vector_load %arg10[%swap3A_103] {strides = array<i32>} : memref<512xf32, #tpu.memory_space<vmem>>, vector<16xf32>,
    tpu.vector_store %arg10[%swap3A_103], %broadcast_in_dim3A_3 {strides = array<i32>} : memref<512xf32, #tpu.memory_space<vmem>>, vector<16xf32>,
    %swap3A_105 = arith.constant 400 : index
    %swap3A_106 = tpu.vector_load %arg11[%swap3A_105] {strides = array<i32>} : memref<512xf32, #tpu.memory_space<vmem>>, vector<16xf32>,
    tpu.vector_store %arg11[%swap3A_105], %broadcast_in_dim3A_3 {strides = array<i32>} : memref<512xf32, #tpu.memory_space<vmem>>, vector<16xf32>,
    %swap3A_107 = arith.constant 416 : index
    %swap3A_108 = tpu.vector_load %arg10[%swap3A_107] {strides = array<i32>} : memref<512xf32, #tpu.memory_space<vmem>>, vector<16xf32>,
    tpu.vector_store %arg10[%swap3A_107], %broadcast_in_dim3A_3 {strides = array<i32>} : memref<512xf32, #tpu.memory_space<vmem>>, vector<16xf32>,
    %swap3A_109 = arith.constant 416 : index
    %swap3A_110 = tpu.vector_load %arg11[%swap3A_109] {strides = array<i32>} : memref<512xf32, #tpu.memory_space<vmem>>, vector<16xf32>,
    tpu.vector_store %arg11[%swap3A_109], %broadcast_in_dim3A_3 {strides = array<i32>} : memref<512xf32, #tpu.memory_space<vmem>>, vector<16xf32>,
    %swap3A_111 = arith.constant 432 : index
    %swap3A_112 = tpu.vector_load %arg10[%swap3A_111] {strides = array<i32>} : memref<512xf32, #tpu.memory_space<vmem>>, vector<16xf32>,
    tpu.vector_store %arg10[%swap3A_111], %broadcast_in_dim3A_3 {strides = array<i32>} : memref<512xf32, #tpu.memory_space<vmem>>, vector<16xf32>,
    %swap3A_113 = arith.constant 432 : index
    %swap3A_114 = tpu.vector_load %arg11[%swap3A_113] {strides = array<i32>} : memref<512xf32, #tpu.memory_space<vmem>>, vector<16xf32>,
    tpu.vector_store %arg11[%swap3A_113], %broadcast_in_dim3A_3 {strides = array<i32>} : memref<512xf32, #tpu.memory_space<vmem>>, vector<16xf32>,
    %swap3A_115 = arith.constant 448 : index
    %swap3A_116 = tpu.vector_load %arg10[%swap3A_115] {strides = array<i32>} : memref<512xf32, #tpu.memory_space<vmem>>, vector<16xf32>,
    tpu.vector_store %arg10[%swap3A_115], %broadcast_in_dim3A_3 {strides = array<i32>} : memref<512xf32, #tpu.memory_space<vmem>>, vector<16xf32>,
    %swap3A_117 = arith.constant 448 : index
    %swap3A_118 = tpu.vector_load %arg11[%swap3A_117] {strides = array<i32>} : memref<512xf32, #tpu.memory_space<vmem>>, vector<16xf32>,
    tpu.vector_store %arg11[%swap3A_117], %broadcast_in_dim3A_3 {strides = array<i32>} : memref<512xf32, #tpu.memory_space<vmem>>, vector<16xf32>,
    %swap3A_119 = arith.constant 464 : index
    %swap3A_120 = tpu.vector_load %arg10[%swap3A_119] {strides = array<i32>} : memref<512xf32, #tpu.memory_space<vmem>>, vector<16xf32>,
    tpu.vector_store %arg10[%swap3A_119], %broadcast_in_dim3A_3 {strides = array<i32>} : memref<512xf32, #tpu.memory_space<vmem>>, vector<16xf32>,
    %swap3A_121 = arith.constant 464 : index
    %swap3A_122 = tpu.vector_load %arg11[%swap3A_121] {strides = array<i32>} : memref<512xf32, #tpu.memory_space<vmem>>, vector<16xf32>,
    tpu.vector_store %arg11[%swap3A_121], %broadcast_in_dim3A_3 {strides = array<i32>} : memref<512xf32, #tpu.memory_space<vmem>>, vector<16xf32>,
    %swap3A_123 = arith.constant 480 : index
    %swap3A_124 = tpu.vector_load %arg10[%swap3A_123] {strides = array<i32>} : memref<512xf32, #tpu.memory_space<vmem>>, vector<16xf32>,
    tpu.vector_store %arg10[%swap3A_123], %broadcast_in_dim3A_3 {strides = array<i32>} : memref<512xf32, #tpu.memory_space<vmem>>, vector<16xf32>,
    %swap3A_125 = arith.constant 480 : index
    %swap3A_126 = tpu.vector_load %arg11[%swap3A_125] {strides = array<i32>} : memref<512xf32, #tpu.memory_space<vmem>>, vector<16xf32>,
    tpu.vector_store %arg11[%swap3A_125], %broadcast_in_dim3A_3 {strides = array<i32>} : memref<512xf32, #tpu.memory_space<vmem>>, vector<16xf32>,
    %swap3A_127 = arith.constant 496 : index
    %swap3A_128 = tpu.vector_load %arg10[%swap3A_127] {strides = array<i32>} : memref<512xf32, #tpu.memory_space<vmem>>, vector<16xf32>,
    tpu.vector_store %arg10[%swap3A_127], %broadcast_in_dim3A_3 {strides = array<i32>} : memref<512xf32, #tpu.memory_space<vmem>>, vector<16xf32>,
    %swap3A_129 = arith.constant 496 : index
    %swap3A_130 = tpu.vector_load %arg11[%swap3A_129] {strides = array<i32>} : memref<512xf32, #tpu.memory_space<vmem>>, vector<16xf32>,
    tpu.vector_store %arg11[%swap3A_129], %broadcast_in_dim3A_3 {strides = array<i32>} : memref<512xf32, #tpu.memory_space<vmem>>, vector<16xf32>,
    %iota3A = tpu.iota {dimensions = array<i32: 0>} : vector<16xi32>
    %broadcast_in_dim3A_131 = arith.constant 1.000000e+00 : f32
    %broadcast_in_dim3A_132 = vector.broadcast %broadcast_in_dim3A_131 : f32 to vector<16xf32>
    %add3A_133 = arith.constant 0 : i32
    %add3A_134 = arith.addi %mul3A_2, %add3A_133 : i32
    %multiple_of3A = tpu.assume_multiple %add3A_134, 16 : i32
    %dma_start3A = arith.constant 0 : i32
    %dma_start3A_135 = tpu.memref_slice %arg6[%dma_start3A] : memref<30000xf32, #tpu.memory_space<vmem>> -> memref<30000xf32, #tpu.memory_space<vmem>>
    %dma_start3A_136 = tpu.memref_slice %arg2[%multiple_of3A] : memref<8000000xf32, #tpu.memory_space<hbm>> -> memref<30000xf32, #tpu.memory_space<hbm>>
    %dma_start3A_137 = arith.constant 0 : i32
    %dma_start3A_138 = tpu.memref_slice %arg6[%dma_start3A_137] : memref<30000xf32, #tpu.memory_space<vmem>> -> memref<30000xf32, #tpu.memory_space<vmem>>
    %dma_start3A_139 = tpu.memref_slice %arg2[%multiple_of3A] : memref<8000000xf32, #tpu.memory_space<hbm>> -> memref<30000xf32, #tpu.memory_space<hbm>>
    tpu.enqueue_dma source(%dma_start3A_139 : memref<30000xf32, #tpu.memory_space<hbm>>) target(%dma_start3A_138 : memref<30000xf32, #tpu.memory_space<vmem>>) target_semaphore(%arg12 : memref<!tpu.dma_semaphore, #tpu.memory_space<semaphore_mem>>)
    %dma_start3A_140 = arith.constant 0 : i32
    %dma_start3A_141 = tpu.memref_slice %arg8[%dma_start3A_140] : memref<30000xi32, #tpu.memory_space<vmem>> -> memref<30000xi32, #tpu.memory_space<vmem>>
    %dma_start3A_142 = tpu.memref_slice %arg3[%multiple_of3A] : memref<8000000xi32, #tpu.memory_space<hbm>> -> memref<30000xi32, #tpu.memory_space<hbm>>
    %dma_start3A_143 = arith.constant 0 : i32
    %dma_start3A_144 = tpu.memref_slice %arg8[%dma_start3A_143] : memref<30000xi32, #tpu.memory_space<vmem>> -> memref<30000xi32, #tpu.memory_space<vmem>>
    %dma_start3A_145 = tpu.memref_slice %arg3[%multiple_of3A] : memref<8000000xi32, #tpu.memory_space<hbm>> -> memref<30000xi32, #tpu.memory_space<hbm>>
    tpu.enqueue_dma source(%dma_start3A_145 : memref<30000xi32, #tpu.memory_space<hbm>>) target(%dma_start3A_144 : memref<30000xi32, #tpu.memory_space<vmem>>) target_semaphore(%arg14 : memref<!tpu.dma_semaphore, #tpu.memory_space<semaphore_mem>>)
    %dma_wait3A = arith.constant 0 : i32
    %dma_wait3A_146 = tpu.memref_slice %arg6[%dma_wait3A] : memref<30000xf32, #tpu.memory_space<vmem>> -> memref<30000xf32, #tpu.memory_space<vmem>>
    %dma_wait3A_147 = tpu.memref_slice %arg2[%multiple_of3A] : memref<8000000xf32, #tpu.memory_space<hbm>> -> memref<30000xf32, #tpu.memory_space<hbm>>
    %dma_wait3A_148 = arith.constant 0 : i32
    %dma_wait3A_149 = tpu.memref_slice %arg6[%dma_wait3A_148] : memref<30000xf32, #tpu.memory_space<vmem>> -> memref<30000xf32, #tpu.memory_space<vmem>>
    %dma_wait3A_150 = tpu.memref_slice %arg2[%multiple_of3A] : memref<8000000xf32, #tpu.memory_space<hbm>> -> memref<30000xf32, #tpu.memory_space<hbm>>
    tpu.wait_dma2 semaphore(%arg12 : memref<!tpu.dma_semaphore, #tpu.memory_space<semaphore_mem>>) src(%dma_wait3A_150 : memref<30000xf32, #tpu.memory_space<hbm>>) dst(%dma_wait3A_149 : memref<30000xf32, #tpu.memory_space<vmem>>)
    %dma_wait3A_151 = arith.constant 0 : i32
    %dma_wait3A_152 = tpu.memref_slice %arg8[%dma_wait3A_151] : memref<30000xi32, #tpu.memory_space<vmem>> -> memref<30000xi32, #tpu.memory_space<vmem>>
    %dma_wait3A_153 = tpu.memref_slice %arg3[%multiple_of3A] : memref<8000000xi32, #tpu.memory_space<hbm>> -> memref<30000xi32, #tpu.memory_space<hbm>>
    %dma_wait3A_154 = arith.constant 0 : i32
    %dma_wait3A_155 = tpu.memref_slice %arg8[%dma_wait3A_154] : memref<30000xi32, #tpu.memory_space<vmem>> -> memref<30000xi32, #tpu.memory_space<vmem>>
    %dma_wait3A_156 = tpu.memref_slice %arg3[%multiple_of3A] : memref<8000000xi32, #tpu.memory_space<hbm>> -> memref<30000xi32, #tpu.memory_space<hbm>>
    tpu.wait_dma2 semaphore(%arg14 : memref<!tpu.dma_semaphore, #tpu.memory_space<semaphore_mem>>) src(%dma_wait3A_156 : memref<30000xi32, #tpu.memory_space<hbm>>) dst(%dma_wait3A_155 : memref<30000xi32, #tpu.memory_space<vmem>>)
    %add3A_157 = arith.constant 30000 : i32
    %add3A_158 = arith.addi %mul3A_2, %add3A_157 : i32
    %multiple_of3A_159 = tpu.assume_multiple %add3A_158, 16 : i32
    %dma_start3A_160 = arith.constant 0 : i32
    %dma_start3A_161 = tpu.memref_slice %arg7[%dma_start3A_160] : memref<30000xf32, #tpu.memory_space<vmem>> -> memref<30000xf32, #tpu.memory_space<vmem>>
    %dma_start3A_162 = tpu.memref_slice %arg2[%multiple_of3A_159] : memref<8000000xf32, #tpu.memory_space<hbm>> -> memref<30000xf32, #tpu.memory_space<hbm>>
    %dma_start3A_163 = arith.constant 0 : i32
    %dma_start3A_164 = tpu.memref_slice %arg7[%dma_start3A_163] : memref<30000xf32, #tpu.memory_space<vmem>> -> memref<30000xf32, #tpu.memory_space<vmem>>
    %dma_start3A_165 = tpu.memref_slice %arg2[%multiple_of3A_159] : memref<8000000xf32, #tpu.memory_space<hbm>> -> memref<30000xf32, #tpu.memory_space<hbm>>
    tpu.enqueue_dma source(%dma_start3A_165 : memref<30000xf32, #tpu.memory_space<hbm>>) target(%dma_start3A_164 : memref<30000xf32, #tpu.memory_space<vmem>>) target_semaphore(%arg13 : memref<!tpu.dma_semaphore, #tpu.memory_space<semaphore_mem>>)
    %dma_start3A_166 = arith.constant 0 : i32
    %dma_start3A_167 = tpu.memref_slice %arg9[%dma_start3A_166] : memref<30000xi32, #tpu.memory_space<vmem>> -> memref<30000xi32, #tpu.memory_space<vmem>>
    %dma_start3A_168 = tpu.memref_slice %arg3[%multiple_of3A_159] : memref<8000000xi32, #tpu.memory_space<hbm>> -> memref<30000xi32, #tpu.memory_space<hbm>>
    %dma_start3A_169 = arith.constant 0 : i32
    %dma_start3A_170 = tpu.memref_slice %arg9[%dma_start3A_169] : memref<30000xi32, #tpu.memory_space<vmem>> -> memref<30000xi32, #tpu.memory_space<vmem>>
    %dma_start3A_171 = tpu.memref_slice %arg3[%multiple_of3A_159] : memref<8000000xi32, #tpu.memory_space<hbm>> -> memref<30000xi32, #tpu.memory_space<hbm>>
    tpu.enqueue_dma source(%dma_start3A_171 : memref<30000xi32, #tpu.memory_space<hbm>>) target(%dma_start3A_170 : memref<30000xi32, #tpu.memory_space<vmem>>) target_semaphore(%arg15 : memref<!tpu.dma_semaphore, #tpu.memory_space<semaphore_mem>>)
    %parallel_loop3A = arith.constant 0 : i32
    %parallel_loop3A_172 = arith.constant 1875 : i32
    %parallel_loop3A_173 = arith.constant 1 : i32
    scf.for %parallel_loop3A_399 = %parallel_loop3A to %parallel_loop3A_172 step %parallel_loop3A_173  : i32 {
      %parallel_loop3A_400 = arith.constant 16 : i32
      %parallel_loop3A_401 = arith.muli %parallel_loop3A_399, %parallel_loop3A_400 : i32
      %parallel_loop3A_402 = arith.index_cast %parallel_loop3A_401 : i32 to index
      %parallel_loop3A_403 = tpu.vector_load %arg6[%parallel_loop3A_402] {strides = array<i32>} : memref<30000xf32, #tpu.memory_space<vmem>>, vector<16xf32>,
      %parallel_loop3A_404 = arith.index_cast %parallel_loop3A_401 : i32 to index
      %parallel_loop3A_405 = tpu.vector_load %arg8[%parallel_loop3A_404] {strides = array<i32>} : memref<30000xi32, #tpu.memory_space<vmem>>, vector<16xi32>,
      %parallel_loop3A_406 = arith.constant 1.500000e+01 : f32
      %parallel_loop3A_407 = vector.broadcast %parallel_loop3A_406 : f32 to vector<16xf32>
      %parallel_loop3A_408 = arith.mulf %parallel_loop3A_403, %parallel_loop3A_407 : vector<16xf32>
      %parallel_loop3A_409 = arith.fptosi %parallel_loop3A_408 : vector<16xf32> to vector<16xi32>
      %parallel_loop3A_410 = arith.constant 4 : i32
      %parallel_loop3A_411 = vector.broadcast %parallel_loop3A_410 : i32 to vector<16xi32>
      %parallel_loop3A_412 = arith.shli %parallel_loop3A_409, %parallel_loop3A_411 : vector<16xi32>
      %parallel_loop3A_413 = arith.constant 8 : i32
      %parallel_loop3A_414 = vector.broadcast %parallel_loop3A_413 : i32 to vector<16xi32>
      %parallel_loop3A_415 = arith.shli %parallel_loop3A_405, %parallel_loop3A_414 : vector<16xi32>
      %parallel_loop3A_416 = arith.ori %parallel_loop3A_412, %parallel_loop3A_415 : vector<16xi32>
      %parallel_loop3A_417 = arith.ori %parallel_loop3A_416, %iota3A : vector<16xi32>
      %parallel_loop3A_418 = arith.constant 0.000000e+00 : f32
      %parallel_loop3A_419 = vector.broadcast %parallel_loop3A_418 : f32 to vector<16xf32>
      %parallel_loop3A_420 = arith.cmpf ogt, %parallel_loop3A_403, %parallel_loop3A_419 : vector<16xf32>
      tpu.vector_store_idx %arg10[%parallel_loop3A_417], %broadcast_in_dim3A_132 masked %parallel_loop3A_420 {add = true} : memref<512xf32, #tpu.memory_space<vmem>>[vector<16xi32>], vector<16xf32>, vector<16xi1>
      tpu.vector_store_idx %arg11[%parallel_loop3A_417], %parallel_loop3A_403 masked %parallel_loop3A_420 {add = true} : memref<512xf32, #tpu.memory_space<vmem>>[vector<16xi32>], vector<16xf32>, vector<16xi1>
    } {sc.loop_unroll_factor = 8 : i64, sc.parallel_access}
    %dma_wait3A_174 = arith.constant 0 : i32
    %dma_wait3A_175 = tpu.memref_slice %arg7[%dma_wait3A_174] : memref<30000xf32, #tpu.memory_space<vmem>> -> memref<30000xf32, #tpu.memory_space<vmem>>
    %dma_wait3A_176 = tpu.memref_slice %arg2[%multiple_of3A_159] : memref<8000000xf32, #tpu.memory_space<hbm>> -> memref<30000xf32, #tpu.memory_space<hbm>>
    %dma_wait3A_177 = arith.constant 0 : i32
    %dma_wait3A_178 = tpu.memref_slice %arg7[%dma_wait3A_177] : memref<30000xf32, #tpu.memory_space<vmem>> -> memref<30000xf32, #tpu.memory_space<vmem>>
    %dma_wait3A_179 = tpu.memref_slice %arg2[%multiple_of3A_159] : memref<8000000xf32, #tpu.memory_space<hbm>> -> memref<30000xf32, #tpu.memory_space<hbm>>
    tpu.wait_dma2 semaphore(%arg13 : memref<!tpu.dma_semaphore, #tpu.memory_space<semaphore_mem>>) src(%dma_wait3A_179 : memref<30000xf32, #tpu.memory_space<hbm>>) dst(%dma_wait3A_178 : memref<30000xf32, #tpu.memory_space<vmem>>)
    %dma_wait3A_180 = arith.constant 0 : i32
    %dma_wait3A_181 = tpu.memref_slice %arg9[%dma_wait3A_180] : memref<30000xi32, #tpu.memory_space<vmem>> -> memref<30000xi32, #tpu.memory_space<vmem>>
    %dma_wait3A_182 = tpu.memref_slice %arg3[%multiple_of3A_159] : memref<8000000xi32, #tpu.memory_space<hbm>> -> memref<30000xi32, #tpu.memory_space<hbm>>
    %dma_wait3A_183 = arith.constant 0 : i32
    %dma_wait3A_184 = tpu.memref_slice %arg9[%dma_wait3A_183] : memref<30000xi32, #tpu.memory_space<vmem>> -> memref<30000xi32, #tpu.memory_space<vmem>>
    %dma_wait3A_185 = tpu.memref_slice %arg3[%multiple_of3A_159] : memref<8000000xi32, #tpu.memory_space<hbm>> -> memref<30000xi32, #tpu.memory_space<hbm>>
    tpu.wait_dma2 semaphore(%arg15 : memref<!tpu.dma_semaphore, #tpu.memory_space<semaphore_mem>>) src(%dma_wait3A_185 : memref<30000xi32, #tpu.memory_space<hbm>>) dst(%dma_wait3A_184 : memref<30000xi32, #tpu.memory_space<vmem>>)
    %add3A_186 = arith.constant 60000 : i32
    %add3A_187 = arith.addi %mul3A_2, %add3A_186 : i32
    %multiple_of3A_188 = tpu.assume_multiple %add3A_187, 16 : i32
    %dma_start3A_189 = arith.constant 0 : i32
    %dma_start3A_190 = tpu.memref_slice %arg6[%dma_start3A_189] : memref<30000xf32, #tpu.memory_space<vmem>> -> memref<30000xf32, #tpu.memory_space<vmem>>
    %dma_start3A_191 = tpu.memref_slice %arg2[%multiple_of3A_188] : memref<8000000xf32, #tpu.memory_space<hbm>> -> memref<30000xf32, #tpu.memory_space<hbm>>
    %dma_start3A_192 = arith.constant 0 : i32
    %dma_start3A_193 = tpu.memref_slice %arg6[%dma_start3A_192] : memref<30000xf32, #tpu.memory_space<vmem>> -> memref<30000xf32, #tpu.memory_space<vmem>>
    %dma_start3A_194 = tpu.memref_slice %arg2[%multiple_of3A_188] : memref<8000000xf32, #tpu.memory_space<hbm>> -> memref<30000xf32, #tpu.memory_space<hbm>>
    tpu.enqueue_dma source(%dma_start3A_194 : memref<30000xf32, #tpu.memory_space<hbm>>) target(%dma_start3A_193 : memref<30000xf32, #tpu.memory_space<vmem>>) target_semaphore(%arg12 : memref<!tpu.dma_semaphore, #tpu.memory_space<semaphore_mem>>)
    %dma_start3A_195 = arith.constant 0 : i32
    %dma_start3A_196 = tpu.memref_slice %arg8[%dma_start3A_195] : memref<30000xi32, #tpu.memory_space<vmem>> -> memref<30000xi32, #tpu.memory_space<vmem>>
    %dma_start3A_197 = tpu.memref_slice %arg3[%multiple_of3A_188] : memref<8000000xi32, #tpu.memory_space<hbm>> -> memref<30000xi32, #tpu.memory_space<hbm>>
    %dma_start3A_198 = arith.constant 0 : i32
    %dma_start3A_199 = tpu.memref_slice %arg8[%dma_start3A_198] : memref<30000xi32, #tpu.memory_space<vmem>> -> memref<30000xi32, #tpu.memory_space<vmem>>
    %dma_start3A_200 = tpu.memref_slice %arg3[%multiple_of3A_188] : memref<8000000xi32, #tpu.memory_space<hbm>> -> memref<30000xi32, #tpu.memory_space<hbm>>
    tpu.enqueue_dma source(%dma_start3A_200 : memref<30000xi32, #tpu.memory_space<hbm>>) target(%dma_start3A_199 : memref<30000xi32, #tpu.memory_space<vmem>>) target_semaphore(%arg14 : memref<!tpu.dma_semaphore, #tpu.memory_space<semaphore_mem>>)
    %parallel_loop3A_201 = arith.constant 0 : i32
    %parallel_loop3A_202 = arith.constant 1875 : i32
    %parallel_loop3A_203 = arith.constant 1 : i32
    scf.for %parallel_loop3A_399 = %parallel_loop3A_201 to %parallel_loop3A_202 step %parallel_loop3A_203  : i32 {
      %parallel_loop3A_400 = arith.constant 16 : i32
      %parallel_loop3A_401 = arith.muli %parallel_loop3A_399, %parallel_loop3A_400 : i32
      %parallel_loop3A_402 = arith.index_cast %parallel_loop3A_401 : i32 to index
      %parallel_loop3A_403 = tpu.vector_load %arg7[%parallel_loop3A_402] {strides = array<i32>} : memref<30000xf32, #tpu.memory_space<vmem>>, vector<16xf32>,
      %parallel_loop3A_404 = arith.index_cast %parallel_loop3A_401 : i32 to index
      %parallel_loop3A_405 = tpu.vector_load %arg9[%parallel_loop3A_404] {strides = array<i32>} : memref<30000xi32, #tpu.memory_space<vmem>>, vector<16xi32>,
      %parallel_loop3A_406 = arith.constant 1.500000e+01 : f32
      %parallel_loop3A_407 = vector.broadcast %parallel_loop3A_406 : f32 to vector<16xf32>
      %parallel_loop3A_408 = arith.mulf %parallel_loop3A_403, %parallel_loop3A_407 : vector<16xf32>
      %parallel_loop3A_409 = arith.fptosi %parallel_loop3A_408 : vector<16xf32> to vector<16xi32>
      %parallel_loop3A_410 = arith.constant 4 : i32
      %parallel_loop3A_411 = vector.broadcast %parallel_loop3A_410 : i32 to vector<16xi32>
      %parallel_loop3A_412 = arith.shli %parallel_loop3A_409, %parallel_loop3A_411 : vector<16xi32>
      %parallel_loop3A_413 = arith.constant 8 : i32
      %parallel_loop3A_414 = vector.broadcast %parallel_loop3A_413 : i32 to vector<16xi32>
      %parallel_loop3A_415 = arith.shli %parallel_loop3A_405, %parallel_loop3A_414 : vector<16xi32>
      %parallel_loop3A_416 = arith.ori %parallel_loop3A_412, %parallel_loop3A_415 : vector<16xi32>
      %parallel_loop3A_417 = arith.ori %parallel_loop3A_416, %iota3A : vector<16xi32>
      %parallel_loop3A_418 = arith.constant 0.000000e+00 : f32
      %parallel_loop3A_419 = vector.broadcast %parallel_loop3A_418 : f32 to vector<16xf32>
      %parallel_loop3A_420 = arith.cmpf ogt, %parallel_loop3A_403, %parallel_loop3A_419 : vector<16xf32>
      tpu.vector_store_idx %arg10[%parallel_loop3A_417], %broadcast_in_dim3A_132 masked %parallel_loop3A_420 {add = true} : memref<512xf32, #tpu.memory_space<vmem>>[vector<16xi32>], vector<16xf32>, vector<16xi1>
      tpu.vector_store_idx %arg11[%parallel_loop3A_417], %parallel_loop3A_403 masked %parallel_loop3A_420 {add = true} : memref<512xf32, #tpu.memory_space<vmem>>[vector<16xi32>], vector<16xf32>, vector<16xi1>
    } {sc.loop_unroll_factor = 8 : i64, sc.parallel_access}
    %dma_wait3A_204 = arith.constant 0 : i32
    %dma_wait3A_205 = tpu.memref_slice %arg6[%dma_wait3A_204] : memref<30000xf32, #tpu.memory_space<vmem>> -> memref<30000xf32, #tpu.memory_space<vmem>>
    %dma_wait3A_206 = tpu.memref_slice %arg2[%multiple_of3A_188] : memref<8000000xf32, #tpu.memory_space<hbm>> -> memref<30000xf32, #tpu.memory_space<hbm>>
    %dma_wait3A_207 = arith.constant 0 : i32
    %dma_wait3A_208 = tpu.memref_slice %arg6[%dma_wait3A_207] : memref<30000xf32, #tpu.memory_space<vmem>> -> memref<30000xf32, #tpu.memory_space<vmem>>
    %dma_wait3A_209 = tpu.memref_slice %arg2[%multiple_of3A_188] : memref<8000000xf32, #tpu.memory_space<hbm>> -> memref<30000xf32, #tpu.memory_space<hbm>>
    tpu.wait_dma2 semaphore(%arg12 : memref<!tpu.dma_semaphore, #tpu.memory_space<semaphore_mem>>) src(%dma_wait3A_209 : memref<30000xf32, #tpu.memory_space<hbm>>) dst(%dma_wait3A_208 : memref<30000xf32, #tpu.memory_space<vmem>>)
    %dma_wait3A_210 = arith.constant 0 : i32
    %dma_wait3A_211 = tpu.memref_slice %arg8[%dma_wait3A_210] : memref<30000xi32, #tpu.memory_space<vmem>> -> memref<30000xi32, #tpu.memory_space<vmem>>
    %dma_wait3A_212 = tpu.memref_slice %arg3[%multiple_of3A_188] : memref<8000000xi32, #tpu.memory_space<hbm>> -> memref<30000xi32, #tpu.memory_space<hbm>>
    %dma_wait3A_213 = arith.constant 0 : i32
    %dma_wait3A_214 = tpu.memref_slice %arg8[%dma_wait3A_213] : memref<30000xi32, #tpu.memory_space<vmem>> -> memref<30000xi32, #tpu.memory_space<vmem>>
    %dma_wait3A_215 = tpu.memref_slice %arg3[%multiple_of3A_188] : memref<8000000xi32, #tpu.memory_space<hbm>> -> memref<30000xi32, #tpu.memory_space<hbm>>
    tpu.wait_dma2 semaphore(%arg14 : memref<!tpu.dma_semaphore, #tpu.memory_space<semaphore_mem>>) src(%dma_wait3A_215 : memref<30000xi32, #tpu.memory_space<hbm>>) dst(%dma_wait3A_214 : memref<30000xi32, #tpu.memory_space<vmem>>)
    %add3A_216 = arith.constant 90000 : i32
    %add3A_217 = arith.addi %mul3A_2, %add3A_216 : i32
    %multiple_of3A_218 = tpu.assume_multiple %add3A_217, 16 : i32
    %dma_start3A_219 = arith.constant 0 : i32
    %dma_start3A_220 = tpu.memref_slice %arg7[%dma_start3A_219] : memref<30000xf32, #tpu.memory_space<vmem>> -> memref<30000xf32, #tpu.memory_space<vmem>>
    %dma_start3A_221 = tpu.memref_slice %arg2[%multiple_of3A_218] : memref<8000000xf32, #tpu.memory_space<hbm>> -> memref<30000xf32, #tpu.memory_space<hbm>>
    %dma_start3A_222 = arith.constant 0 : i32
    %dma_start3A_223 = tpu.memref_slice %arg7[%dma_start3A_222] : memref<30000xf32, #tpu.memory_space<vmem>> -> memref<30000xf32, #tpu.memory_space<vmem>>
    %dma_start3A_224 = tpu.memref_slice %arg2[%multiple_of3A_218] : memref<8000000xf32, #tpu.memory_space<hbm>> -> memref<30000xf32, #tpu.memory_space<hbm>>
    tpu.enqueue_dma source(%dma_start3A_224 : memref<30000xf32, #tpu.memory_space<hbm>>) target(%dma_start3A_223 : memref<30000xf32, #tpu.memory_space<vmem>>) target_semaphore(%arg13 : memref<!tpu.dma_semaphore, #tpu.memory_space<semaphore_mem>>)
    %dma_start3A_225 = arith.constant 0 : i32
    %dma_start3A_226 = tpu.memref_slice %arg9[%dma_start3A_225] : memref<30000xi32, #tpu.memory_space<vmem>> -> memref<30000xi32, #tpu.memory_space<vmem>>
    %dma_start3A_227 = tpu.memref_slice %arg3[%multiple_of3A_218] : memref<8000000xi32, #tpu.memory_space<hbm>> -> memref<30000xi32, #tpu.memory_space<hbm>>
    %dma_start3A_228 = arith.constant 0 : i32
    %dma_start3A_229 = tpu.memref_slice %arg9[%dma_start3A_228] : memref<30000xi32, #tpu.memory_space<vmem>> -> memref<30000xi32, #tpu.memory_space<vmem>>
    %dma_start3A_230 = tpu.memref_slice %arg3[%multiple_of3A_218] : memref<8000000xi32, #tpu.memory_space<hbm>> -> memref<30000xi32, #tpu.memory_space<hbm>>
    tpu.enqueue_dma source(%dma_start3A_230 : memref<30000xi32, #tpu.memory_space<hbm>>) target(%dma_start3A_229 : memref<30000xi32, #tpu.memory_space<vmem>>) target_semaphore(%arg15 : memref<!tpu.dma_semaphore, #tpu.memory_space<semaphore_mem>>)
    %parallel_loop3A_231 = arith.constant 0 : i32
    %parallel_loop3A_232 = arith.constant 1875 : i32
    %parallel_loop3A_233 = arith.constant 1 : i32
    scf.for %parallel_loop3A_399 = %parallel_loop3A_231 to %parallel_loop3A_232 step %parallel_loop3A_233  : i32 {
      %parallel_loop3A_400 = arith.constant 16 : i32
      %parallel_loop3A_401 = arith.muli %parallel_loop3A_399, %parallel_loop3A_400 : i32
      %parallel_loop3A_402 = arith.index_cast %parallel_loop3A_401 : i32 to index
      %parallel_loop3A_403 = tpu.vector_load %arg6[%parallel_loop3A_402] {strides = array<i32>} : memref<30000xf32, #tpu.memory_space<vmem>>, vector<16xf32>,
      %parallel_loop3A_404 = arith.index_cast %parallel_loop3A_401 : i32 to index
      %parallel_loop3A_405 = tpu.vector_load %arg8[%parallel_loop3A_404] {strides = array<i32>} : memref<30000xi32, #tpu.memory_space<vmem>>, vector<16xi32>,
      %parallel_loop3A_406 = arith.constant 1.500000e+01 : f32
      %parallel_loop3A_407 = vector.broadcast %parallel_loop3A_406 : f32 to vector<16xf32>
      %parallel_loop3A_408 = arith.mulf %parallel_loop3A_403, %parallel_loop3A_407 : vector<16xf32>
      %parallel_loop3A_409 = arith.fptosi %parallel_loop3A_408 : vector<16xf32> to vector<16xi32>
      %parallel_loop3A_410 = arith.constant 4 : i32
      %parallel_loop3A_411 = vector.broadcast %parallel_loop3A_410 : i32 to vector<16xi32>
      %parallel_loop3A_412 = arith.shli %parallel_loop3A_409, %parallel_loop3A_411 : vector<16xi32>
      %parallel_loop3A_413 = arith.constant 8 : i32
      %parallel_loop3A_414 = vector.broadcast %parallel_loop3A_413 : i32 to vector<16xi32>
      %parallel_loop3A_415 = arith.shli %parallel_loop3A_405, %parallel_loop3A_414 : vector<16xi32>
      %parallel_loop3A_416 = arith.ori %parallel_loop3A_412, %parallel_loop3A_415 : vector<16xi32>
      %parallel_loop3A_417 = arith.ori %parallel_loop3A_416, %iota3A : vector<16xi32>
      %parallel_loop3A_418 = arith.constant 0.000000e+00 : f32
      %parallel_loop3A_419 = vector.broadcast %parallel_loop3A_418 : f32 to vector<16xf32>
      %parallel_loop3A_420 = arith.cmpf ogt, %parallel_loop3A_403, %parallel_loop3A_419 : vector<16xf32>
      tpu.vector_store_idx %arg10[%parallel_loop3A_417], %broadcast_in_dim3A_132 masked %parallel_loop3A_420 {add = true} : memref<512xf32, #tpu.memory_space<vmem>>[vector<16xi32>], vector<16xf32>, vector<16xi1>
      tpu.vector_store_idx %arg11[%parallel_loop3A_417], %parallel_loop3A_403 masked %parallel_loop3A_420 {add = true} : memref<512xf32, #tpu.memory_space<vmem>>[vector<16xi32>], vector<16xf32>, vector<16xi1>
    } {sc.loop_unroll_factor = 8 : i64, sc.parallel_access}
    %dma_wait3A_234 = arith.constant 0 : i32
    %dma_wait3A_235 = tpu.memref_slice %arg7[%dma_wait3A_234] : memref<30000xf32, #tpu.memory_space<vmem>> -> memref<30000xf32, #tpu.memory_space<vmem>>
    %dma_wait3A_236 = tpu.memref_slice %arg2[%multiple_of3A_218] : memref<8000000xf32, #tpu.memory_space<hbm>> -> memref<30000xf32, #tpu.memory_space<hbm>>
    %dma_wait3A_237 = arith.constant 0 : i32
    %dma_wait3A_238 = tpu.memref_slice %arg7[%dma_wait3A_237] : memref<30000xf32, #tpu.memory_space<vmem>> -> memref<30000xf32, #tpu.memory_space<vmem>>
    %dma_wait3A_239 = tpu.memref_slice %arg2[%multiple_of3A_218] : memref<8000000xf32, #tpu.memory_space<hbm>> -> memref<30000xf32, #tpu.memory_space<hbm>>
    tpu.wait_dma2 semaphore(%arg13 : memref<!tpu.dma_semaphore, #tpu.memory_space<semaphore_mem>>) src(%dma_wait3A_239 : memref<30000xf32, #tpu.memory_space<hbm>>) dst(%dma_wait3A_238 : memref<30000xf32, #tpu.memory_space<vmem>>)
    %dma_wait3A_240 = arith.constant 0 : i32
    %dma_wait3A_241 = tpu.memref_slice %arg9[%dma_wait3A_240] : memref<30000xi32, #tpu.memory_space<vmem>> -> memref<30000xi32, #tpu.memory_space<vmem>>
    %dma_wait3A_242 = tpu.memref_slice %arg3[%multiple_of3A_218] : memref<8000000xi32, #tpu.memory_space<hbm>> -> memref<30000xi32, #tpu.memory_space<hbm>>
    %dma_wait3A_243 = arith.constant 0 : i32
    %dma_wait3A_244 = tpu.memref_slice %arg9[%dma_wait3A_243] : memref<30000xi32, #tpu.memory_space<vmem>> -> memref<30000xi32, #tpu.memory_space<vmem>>
    %dma_wait3A_245 = tpu.memref_slice %arg3[%multiple_of3A_218] : memref<8000000xi32, #tpu.memory_space<hbm>> -> memref<30000xi32, #tpu.memory_space<hbm>>
    tpu.wait_dma2 semaphore(%arg15 : memref<!tpu.dma_semaphore, #tpu.memory_space<semaphore_mem>>) src(%dma_wait3A_245 : memref<30000xi32, #tpu.memory_space<hbm>>) dst(%dma_wait3A_244 : memref<30000xi32, #tpu.memory_space<vmem>>)
    %add3A_246 = arith.constant 120000 : i32
    %add3A_247 = arith.addi %mul3A_2, %add3A_246 : i32
    %multiple_of3A_248 = tpu.assume_multiple %add3A_247, 16 : i32
    %dma_start3A_249 = arith.constant 0 : i32
    %dma_start3A_250 = tpu.memref_slice %arg6[%dma_start3A_249] : memref<30000xf32, #tpu.memory_space<vmem>> -> memref<30000xf32, #tpu.memory_space<vmem>>
    %dma_start3A_251 = tpu.memref_slice %arg2[%multiple_of3A_248] : memref<8000000xf32, #tpu.memory_space<hbm>> -> memref<30000xf32, #tpu.memory_space<hbm>>
    %dma_start3A_252 = arith.constant 0 : i32
    %dma_start3A_253 = tpu.memref_slice %arg6[%dma_start3A_252] : memref<30000xf32, #tpu.memory_space<vmem>> -> memref<30000xf32, #tpu.memory_space<vmem>>
    %dma_start3A_254 = tpu.memref_slice %arg2[%multiple_of3A_248] : memref<8000000xf32, #tpu.memory_space<hbm>> -> memref<30000xf32, #tpu.memory_space<hbm>>
    tpu.enqueue_dma source(%dma_start3A_254 : memref<30000xf32, #tpu.memory_space<hbm>>) target(%dma_start3A_253 : memref<30000xf32, #tpu.memory_space<vmem>>) target_semaphore(%arg12 : memref<!tpu.dma_semaphore, #tpu.memory_space<semaphore_mem>>)
    %dma_start3A_255 = arith.constant 0 : i32
    %dma_start3A_256 = tpu.memref_slice %arg8[%dma_start3A_255] : memref<30000xi32, #tpu.memory_space<vmem>> -> memref<30000xi32, #tpu.memory_space<vmem>>
    %dma_start3A_257 = tpu.memref_slice %arg3[%multiple_of3A_248] : memref<8000000xi32, #tpu.memory_space<hbm>> -> memref<30000xi32, #tpu.memory_space<hbm>>
    %dma_start3A_258 = arith.constant 0 : i32
    %dma_start3A_259 = tpu.memref_slice %arg8[%dma_start3A_258] : memref<30000xi32, #tpu.memory_space<vmem>> -> memref<30000xi32, #tpu.memory_space<vmem>>
    %dma_start3A_260 = tpu.memref_slice %arg3[%multiple_of3A_248] : memref<8000000xi32, #tpu.memory_space<hbm>> -> memref<30000xi32, #tpu.memory_space<hbm>>
    tpu.enqueue_dma source(%dma_start3A_260 : memref<30000xi32, #tpu.memory_space<hbm>>) target(%dma_start3A_259 : memref<30000xi32, #tpu.memory_space<vmem>>) target_semaphore(%arg14 : memref<!tpu.dma_semaphore, #tpu.memory_space<semaphore_mem>>)
    %parallel_loop3A_261 = arith.constant 0 : i32
    %parallel_loop3A_262 = arith.constant 1875 : i32
    %parallel_loop3A_263 = arith.constant 1 : i32
    scf.for %parallel_loop3A_399 = %parallel_loop3A_261 to %parallel_loop3A_262 step %parallel_loop3A_263  : i32 {
      %parallel_loop3A_400 = arith.constant 16 : i32
      %parallel_loop3A_401 = arith.muli %parallel_loop3A_399, %parallel_loop3A_400 : i32
      %parallel_loop3A_402 = arith.index_cast %parallel_loop3A_401 : i32 to index
      %parallel_loop3A_403 = tpu.vector_load %arg7[%parallel_loop3A_402] {strides = array<i32>} : memref<30000xf32, #tpu.memory_space<vmem>>, vector<16xf32>,
      %parallel_loop3A_404 = arith.index_cast %parallel_loop3A_401 : i32 to index
      %parallel_loop3A_405 = tpu.vector_load %arg9[%parallel_loop3A_404] {strides = array<i32>} : memref<30000xi32, #tpu.memory_space<vmem>>, vector<16xi32>,
      %parallel_loop3A_406 = arith.constant 1.500000e+01 : f32
      %parallel_loop3A_407 = vector.broadcast %parallel_loop3A_406 : f32 to vector<16xf32>
      %parallel_loop3A_408 = arith.mulf %parallel_loop3A_403, %parallel_loop3A_407 : vector<16xf32>
      %parallel_loop3A_409 = arith.fptosi %parallel_loop3A_408 : vector<16xf32> to vector<16xi32>
      %parallel_loop3A_410 = arith.constant 4 : i32
      %parallel_loop3A_411 = vector.broadcast %parallel_loop3A_410 : i32 to vector<16xi32>
      %parallel_loop3A_412 = arith.shli %parallel_loop3A_409, %parallel_loop3A_411 : vector<16xi32>
      %parallel_loop3A_413 = arith.constant 8 : i32
      %parallel_loop3A_414 = vector.broadcast %parallel_loop3A_413 : i32 to vector<16xi32>
      %parallel_loop3A_415 = arith.shli %parallel_loop3A_405, %parallel_loop3A_414 : vector<16xi32>
      %parallel_loop3A_416 = arith.ori %parallel_loop3A_412, %parallel_loop3A_415 : vector<16xi32>
      %parallel_loop3A_417 = arith.ori %parallel_loop3A_416, %iota3A : vector<16xi32>
      %parallel_loop3A_418 = arith.constant 0.000000e+00 : f32
      %parallel_loop3A_419 = vector.broadcast %parallel_loop3A_418 : f32 to vector<16xf32>
      %parallel_loop3A_420 = arith.cmpf ogt, %parallel_loop3A_403, %parallel_loop3A_419 : vector<16xf32>
      tpu.vector_store_idx %arg10[%parallel_loop3A_417], %broadcast_in_dim3A_132 masked %parallel_loop3A_420 {add = true} : memref<512xf32, #tpu.memory_space<vmem>>[vector<16xi32>], vector<16xf32>, vector<16xi1>
      tpu.vector_store_idx %arg11[%parallel_loop3A_417], %parallel_loop3A_403 masked %parallel_loop3A_420 {add = true} : memref<512xf32, #tpu.memory_space<vmem>>[vector<16xi32>], vector<16xf32>, vector<16xi1>
    } {sc.loop_unroll_factor = 8 : i64, sc.parallel_access}
    %dma_wait3A_264 = arith.constant 0 : i32
    %dma_wait3A_265 = tpu.memref_slice %arg6[%dma_wait3A_264] : memref<30000xf32, #tpu.memory_space<vmem>> -> memref<30000xf32, #tpu.memory_space<vmem>>
    %dma_wait3A_266 = tpu.memref_slice %arg2[%multiple_of3A_248] : memref<8000000xf32, #tpu.memory_space<hbm>> -> memref<30000xf32, #tpu.memory_space<hbm>>
    %dma_wait3A_267 = arith.constant 0 : i32
    %dma_wait3A_268 = tpu.memref_slice %arg6[%dma_wait3A_267] : memref<30000xf32, #tpu.memory_space<vmem>> -> memref<30000xf32, #tpu.memory_space<vmem>>
    %dma_wait3A_269 = tpu.memref_slice %arg2[%multiple_of3A_248] : memref<8000000xf32, #tpu.memory_space<hbm>> -> memref<30000xf32, #tpu.memory_space<hbm>>
    tpu.wait_dma2 semaphore(%arg12 : memref<!tpu.dma_semaphore, #tpu.memory_space<semaphore_mem>>) src(%dma_wait3A_269 : memref<30000xf32, #tpu.memory_space<hbm>>) dst(%dma_wait3A_268 : memref<30000xf32, #tpu.memory_space<vmem>>)
    %dma_wait3A_270 = arith.constant 0 : i32
    %dma_wait3A_271 = tpu.memref_slice %arg8[%dma_wait3A_270] : memref<30000xi32, #tpu.memory_space<vmem>> -> memref<30000xi32, #tpu.memory_space<vmem>>
    %dma_wait3A_272 = tpu.memref_slice %arg3[%multiple_of3A_248] : memref<8000000xi32, #tpu.memory_space<hbm>> -> memref<30000xi32, #tpu.memory_space<hbm>>
    %dma_wait3A_273 = arith.constant 0 : i32
    %dma_wait3A_274 = tpu.memref_slice %arg8[%dma_wait3A_273] : memref<30000xi32, #tpu.memory_space<vmem>> -> memref<30000xi32, #tpu.memory_space<vmem>>
    %dma_wait3A_275 = tpu.memref_slice %arg3[%multiple_of3A_248] : memref<8000000xi32, #tpu.memory_space<hbm>> -> memref<30000xi32, #tpu.memory_space<hbm>>
    tpu.wait_dma2 semaphore(%arg14 : memref<!tpu.dma_semaphore, #tpu.memory_space<semaphore_mem>>) src(%dma_wait3A_275 : memref<30000xi32, #tpu.memory_space<hbm>>) dst(%dma_wait3A_274 : memref<30000xi32, #tpu.memory_space<vmem>>)
    %add3A_276 = arith.constant 150000 : i32
    %add3A_277 = arith.addi %mul3A_2, %add3A_276 : i32
    %multiple_of3A_278 = tpu.assume_multiple %add3A_277, 16 : i32
    %dma_start3A_279 = arith.constant 0 : i32
    %dma_start3A_280 = tpu.memref_slice %arg7[%dma_start3A_279] : memref<30000xf32, #tpu.memory_space<vmem>> -> memref<30000xf32, #tpu.memory_space<vmem>>
    %dma_start3A_281 = tpu.memref_slice %arg2[%multiple_of3A_278] : memref<8000000xf32, #tpu.memory_space<hbm>> -> memref<30000xf32, #tpu.memory_space<hbm>>
    %dma_start3A_282 = arith.constant 0 : i32
    %dma_start3A_283 = tpu.memref_slice %arg7[%dma_start3A_282] : memref<30000xf32, #tpu.memory_space<vmem>> -> memref<30000xf32, #tpu.memory_space<vmem>>
    %dma_start3A_284 = tpu.memref_slice %arg2[%multiple_of3A_278] : memref<8000000xf32, #tpu.memory_space<hbm>> -> memref<30000xf32, #tpu.memory_space<hbm>>
    tpu.enqueue_dma source(%dma_start3A_284 : memref<30000xf32, #tpu.memory_space<hbm>>) target(%dma_start3A_283 : memref<30000xf32, #tpu.memory_space<vmem>>) target_semaphore(%arg13 : memref<!tpu.dma_semaphore, #tpu.memory_space<semaphore_mem>>)
    %dma_start3A_285 = arith.constant 0 : i32
    %dma_start3A_286 = tpu.memref_slice %arg9[%dma_start3A_285] : memref<30000xi32, #tpu.memory_space<vmem>> -> memref<30000xi32, #tpu.memory_space<vmem>>
    %dma_start3A_287 = tpu.memref_slice %arg3[%multiple_of3A_278] : memref<8000000xi32, #tpu.memory_space<hbm>> -> memref<30000xi32, #tpu.memory_space<hbm>>
    %dma_start3A_288 = arith.constant 0 : i32
    %dma_start3A_289 = tpu.memref_slice %arg9[%dma_start3A_288] : memref<30000xi32, #tpu.memory_space<vmem>> -> memref<30000xi32, #tpu.memory_space<vmem>>
    %dma_start3A_290 = tpu.memref_slice %arg3[%multiple_of3A_278] : memref<8000000xi32, #tpu.memory_space<hbm>> -> memref<30000xi32, #tpu.memory_space<hbm>>
    tpu.enqueue_dma source(%dma_start3A_290 : memref<30000xi32, #tpu.memory_space<hbm>>) target(%dma_start3A_289 : memref<30000xi32, #tpu.memory_space<vmem>>) target_semaphore(%arg15 : memref<!tpu.dma_semaphore, #tpu.memory_space<semaphore_mem>>)
    %parallel_loop3A_291 = arith.constant 0 : i32
    %parallel_loop3A_292 = arith.constant 1875 : i32
    %parallel_loop3A_293 = arith.constant 1 : i32
    scf.for %parallel_loop3A_399 = %parallel_loop3A_291 to %parallel_loop3A_292 step %parallel_loop3A_293  : i32 {
      %parallel_loop3A_400 = arith.constant 16 : i32
      %parallel_loop3A_401 = arith.muli %parallel_loop3A_399, %parallel_loop3A_400 : i32
      %parallel_loop3A_402 = arith.index_cast %parallel_loop3A_401 : i32 to index
      %parallel_loop3A_403 = tpu.vector_load %arg6[%parallel_loop3A_402] {strides = array<i32>} : memref<30000xf32, #tpu.memory_space<vmem>>, vector<16xf32>,
      %parallel_loop3A_404 = arith.index_cast %parallel_loop3A_401 : i32 to index
      %parallel_loop3A_405 = tpu.vector_load %arg8[%parallel_loop3A_404] {strides = array<i32>} : memref<30000xi32, #tpu.memory_space<vmem>>, vector<16xi32>,
      %parallel_loop3A_406 = arith.constant 1.500000e+01 : f32
      %parallel_loop3A_407 = vector.broadcast %parallel_loop3A_406 : f32 to vector<16xf32>
      %parallel_loop3A_408 = arith.mulf %parallel_loop3A_403, %parallel_loop3A_407 : vector<16xf32>
      %parallel_loop3A_409 = arith.fptosi %parallel_loop3A_408 : vector<16xf32> to vector<16xi32>
      %parallel_loop3A_410 = arith.constant 4 : i32
      %parallel_loop3A_411 = vector.broadcast %parallel_loop3A_410 : i32 to vector<16xi32>
      %parallel_loop3A_412 = arith.shli %parallel_loop3A_409, %parallel_loop3A_411 : vector<16xi32>
      %parallel_loop3A_413 = arith.constant 8 : i32
      %parallel_loop3A_414 = vector.broadcast %parallel_loop3A_413 : i32 to vector<16xi32>
      %parallel_loop3A_415 = arith.shli %parallel_loop3A_405, %parallel_loop3A_414 : vector<16xi32>
      %parallel_loop3A_416 = arith.ori %parallel_loop3A_412, %parallel_loop3A_415 : vector<16xi32>
      %parallel_loop3A_417 = arith.ori %parallel_loop3A_416, %iota3A : vector<16xi32>
      %parallel_loop3A_418 = arith.constant 0.000000e+00 : f32
      %parallel_loop3A_419 = vector.broadcast %parallel_loop3A_418 : f32 to vector<16xf32>
      %parallel_loop3A_420 = arith.cmpf ogt, %parallel_loop3A_403, %parallel_loop3A_419 : vector<16xf32>
      tpu.vector_store_idx %arg10[%parallel_loop3A_417], %broadcast_in_dim3A_132 masked %parallel_loop3A_420 {add = true} : memref<512xf32, #tpu.memory_space<vmem>>[vector<16xi32>], vector<16xf32>, vector<16xi1>
      tpu.vector_store_idx %arg11[%parallel_loop3A_417], %parallel_loop3A_403 masked %parallel_loop3A_420 {add = true} : memref<512xf32, #tpu.memory_space<vmem>>[vector<16xi32>], vector<16xf32>, vector<16xi1>
    } {sc.loop_unroll_factor = 8 : i64, sc.parallel_access}
    %dma_wait3A_294 = arith.constant 0 : i32
    %dma_wait3A_295 = tpu.memref_slice %arg7[%dma_wait3A_294] : memref<30000xf32, #tpu.memory_space<vmem>> -> memref<30000xf32, #tpu.memory_space<vmem>>
    %dma_wait3A_296 = tpu.memref_slice %arg2[%multiple_of3A_278] : memref<8000000xf32, #tpu.memory_space<hbm>> -> memref<30000xf32, #tpu.memory_space<hbm>>
    %dma_wait3A_297 = arith.constant 0 : i32
    %dma_wait3A_298 = tpu.memref_slice %arg7[%dma_wait3A_297] : memref<30000xf32, #tpu.memory_space<vmem>> -> memref<30000xf32, #tpu.memory_space<vmem>>
    %dma_wait3A_299 = tpu.memref_slice %arg2[%multiple_of3A_278] : memref<8000000xf32, #tpu.memory_space<hbm>> -> memref<30000xf32, #tpu.memory_space<hbm>>
    tpu.wait_dma2 semaphore(%arg13 : memref<!tpu.dma_semaphore, #tpu.memory_space<semaphore_mem>>) src(%dma_wait3A_299 : memref<30000xf32, #tpu.memory_space<hbm>>) dst(%dma_wait3A_298 : memref<30000xf32, #tpu.memory_space<vmem>>)
    %dma_wait3A_300 = arith.constant 0 : i32
    %dma_wait3A_301 = tpu.memref_slice %arg9[%dma_wait3A_300] : memref<30000xi32, #tpu.memory_space<vmem>> -> memref<30000xi32, #tpu.memory_space<vmem>>
    %dma_wait3A_302 = tpu.memref_slice %arg3[%multiple_of3A_278] : memref<8000000xi32, #tpu.memory_space<hbm>> -> memref<30000xi32, #tpu.memory_space<hbm>>
    %dma_wait3A_303 = arith.constant 0 : i32
    %dma_wait3A_304 = tpu.memref_slice %arg9[%dma_wait3A_303] : memref<30000xi32, #tpu.memory_space<vmem>> -> memref<30000xi32, #tpu.memory_space<vmem>>
    %dma_wait3A_305 = tpu.memref_slice %arg3[%multiple_of3A_278] : memref<8000000xi32, #tpu.memory_space<hbm>> -> memref<30000xi32, #tpu.memory_space<hbm>>
    tpu.wait_dma2 semaphore(%arg15 : memref<!tpu.dma_semaphore, #tpu.memory_space<semaphore_mem>>) src(%dma_wait3A_305 : memref<30000xi32, #tpu.memory_space<hbm>>) dst(%dma_wait3A_304 : memref<30000xi32, #tpu.memory_space<vmem>>)
    %add3A_306 = arith.constant 180000 : i32
    %add3A_307 = arith.addi %mul3A_2, %add3A_306 : i32
    %multiple_of3A_308 = tpu.assume_multiple %add3A_307, 16 : i32
    %dma_start3A_309 = arith.constant 0 : i32
    %dma_start3A_310 = tpu.memref_slice %arg6[%dma_start3A_309] : memref<30000xf32, #tpu.memory_space<vmem>> -> memref<30000xf32, #tpu.memory_space<vmem>>
    %dma_start3A_311 = tpu.memref_slice %arg2[%multiple_of3A_308] : memref<8000000xf32, #tpu.memory_space<hbm>> -> memref<30000xf32, #tpu.memory_space<hbm>>
    %dma_start3A_312 = arith.constant 0 : i32
    %dma_start3A_313 = tpu.memref_slice %arg6[%dma_start3A_312] : memref<30000xf32, #tpu.memory_space<vmem>> -> memref<30000xf32, #tpu.memory_space<vmem>>
    %dma_start3A_314 = tpu.memref_slice %arg2[%multiple_of3A_308] : memref<8000000xf32, #tpu.memory_space<hbm>> -> memref<30000xf32, #tpu.memory_space<hbm>>
    tpu.enqueue_dma source(%dma_start3A_314 : memref<30000xf32, #tpu.memory_space<hbm>>) target(%dma_start3A_313 : memref<30000xf32, #tpu.memory_space<vmem>>) target_semaphore(%arg12 : memref<!tpu.dma_semaphore, #tpu.memory_space<semaphore_mem>>)
    %dma_start3A_315 = arith.constant 0 : i32
    %dma_start3A_316 = tpu.memref_slice %arg8[%dma_start3A_315] : memref<30000xi32, #tpu.memory_space<vmem>> -> memref<30000xi32, #tpu.memory_space<vmem>>
    %dma_start3A_317 = tpu.memref_slice %arg3[%multiple_of3A_308] : memref<8000000xi32, #tpu.memory_space<hbm>> -> memref<30000xi32, #tpu.memory_space<hbm>>
    %dma_start3A_318 = arith.constant 0 : i32
    %dma_start3A_319 = tpu.memref_slice %arg8[%dma_start3A_318] : memref<30000xi32, #tpu.memory_space<vmem>> -> memref<30000xi32, #tpu.memory_space<vmem>>
    %dma_start3A_320 = tpu.memref_slice %arg3[%multiple_of3A_308] : memref<8000000xi32, #tpu.memory_space<hbm>> -> memref<30000xi32, #tpu.memory_space<hbm>>
    tpu.enqueue_dma source(%dma_start3A_320 : memref<30000xi32, #tpu.memory_space<hbm>>) target(%dma_start3A_319 : memref<30000xi32, #tpu.memory_space<vmem>>) target_semaphore(%arg14 : memref<!tpu.dma_semaphore, #tpu.memory_space<semaphore_mem>>)
    %parallel_loop3A_321 = arith.constant 0 : i32
    %parallel_loop3A_322 = arith.constant 1875 : i32
    %parallel_loop3A_323 = arith.constant 1 : i32
    scf.for %parallel_loop3A_399 = %parallel_loop3A_321 to %parallel_loop3A_322 step %parallel_loop3A_323  : i32 {
      %parallel_loop3A_400 = arith.constant 16 : i32
      %parallel_loop3A_401 = arith.muli %parallel_loop3A_399, %parallel_loop3A_400 : i32
      %parallel_loop3A_402 = arith.index_cast %parallel_loop3A_401 : i32 to index
      %parallel_loop3A_403 = tpu.vector_load %arg7[%parallel_loop3A_402] {strides = array<i32>} : memref<30000xf32, #tpu.memory_space<vmem>>, vector<16xf32>,
      %parallel_loop3A_404 = arith.index_cast %parallel_loop3A_401 : i32 to index
      %parallel_loop3A_405 = tpu.vector_load %arg9[%parallel_loop3A_404] {strides = array<i32>} : memref<30000xi32, #tpu.memory_space<vmem>>, vector<16xi32>,
      %parallel_loop3A_406 = arith.constant 1.500000e+01 : f32
      %parallel_loop3A_407 = vector.broadcast %parallel_loop3A_406 : f32 to vector<16xf32>
      %parallel_loop3A_408 = arith.mulf %parallel_loop3A_403, %parallel_loop3A_407 : vector<16xf32>
      %parallel_loop3A_409 = arith.fptosi %parallel_loop3A_408 : vector<16xf32> to vector<16xi32>
      %parallel_loop3A_410 = arith.constant 4 : i32
      %parallel_loop3A_411 = vector.broadcast %parallel_loop3A_410 : i32 to vector<16xi32>
      %parallel_loop3A_412 = arith.shli %parallel_loop3A_409, %parallel_loop3A_411 : vector<16xi32>
      %parallel_loop3A_413 = arith.constant 8 : i32
      %parallel_loop3A_414 = vector.broadcast %parallel_loop3A_413 : i32 to vector<16xi32>
      %parallel_loop3A_415 = arith.shli %parallel_loop3A_405, %parallel_loop3A_414 : vector<16xi32>
      %parallel_loop3A_416 = arith.ori %parallel_loop3A_412, %parallel_loop3A_415 : vector<16xi32>
      %parallel_loop3A_417 = arith.ori %parallel_loop3A_416, %iota3A : vector<16xi32>
      %parallel_loop3A_418 = arith.constant 0.000000e+00 : f32
      %parallel_loop3A_419 = vector.broadcast %parallel_loop3A_418 : f32 to vector<16xf32>
      %parallel_loop3A_420 = arith.cmpf ogt, %parallel_loop3A_403, %parallel_loop3A_419 : vector<16xf32>
      tpu.vector_store_idx %arg10[%parallel_loop3A_417], %broadcast_in_dim3A_132 masked %parallel_loop3A_420 {add = true} : memref<512xf32, #tpu.memory_space<vmem>>[vector<16xi32>], vector<16xf32>, vector<16xi1>
      tpu.vector_store_idx %arg11[%parallel_loop3A_417], %parallel_loop3A_403 masked %parallel_loop3A_420 {add = true} : memref<512xf32, #tpu.memory_space<vmem>>[vector<16xi32>], vector<16xf32>, vector<16xi1>
    } {sc.loop_unroll_factor = 8 : i64, sc.parallel_access}
    %dma_wait3A_324 = arith.constant 0 : i32
    %dma_wait3A_325 = tpu.memref_slice %arg6[%dma_wait3A_324] : memref<30000xf32, #tpu.memory_space<vmem>> -> memref<30000xf32, #tpu.memory_space<vmem>>
    %dma_wait3A_326 = tpu.memref_slice %arg2[%multiple_of3A_308] : memref<8000000xf32, #tpu.memory_space<hbm>> -> memref<30000xf32, #tpu.memory_space<hbm>>
    %dma_wait3A_327 = arith.constant 0 : i32
    %dma_wait3A_328 = tpu.memref_slice %arg6[%dma_wait3A_327] : memref<30000xf32, #tpu.memory_space<vmem>> -> memref<30000xf32, #tpu.memory_space<vmem>>
    %dma_wait3A_329 = tpu.memref_slice %arg2[%multiple_of3A_308] : memref<8000000xf32, #tpu.memory_space<hbm>> -> memref<30000xf32, #tpu.memory_space<hbm>>
    tpu.wait_dma2 semaphore(%arg12 : memref<!tpu.dma_semaphore, #tpu.memory_space<semaphore_mem>>) src(%dma_wait3A_329 : memref<30000xf32, #tpu.memory_space<hbm>>) dst(%dma_wait3A_328 : memref<30000xf32, #tpu.memory_space<vmem>>)
    %dma_wait3A_330 = arith.constant 0 : i32
    %dma_wait3A_331 = tpu.memref_slice %arg8[%dma_wait3A_330] : memref<30000xi32, #tpu.memory_space<vmem>> -> memref<30000xi32, #tpu.memory_space<vmem>>
    %dma_wait3A_332 = tpu.memref_slice %arg3[%multiple_of3A_308] : memref<8000000xi32, #tpu.memory_space<hbm>> -> memref<30000xi32, #tpu.memory_space<hbm>>
    %dma_wait3A_333 = arith.constant 0 : i32
    %dma_wait3A_334 = tpu.memref_slice %arg8[%dma_wait3A_333] : memref<30000xi32, #tpu.memory_space<vmem>> -> memref<30000xi32, #tpu.memory_space<vmem>>
    %dma_wait3A_335 = tpu.memref_slice %arg3[%multiple_of3A_308] : memref<8000000xi32, #tpu.memory_space<hbm>> -> memref<30000xi32, #tpu.memory_space<hbm>>
    tpu.wait_dma2 semaphore(%arg14 : memref<!tpu.dma_semaphore, #tpu.memory_space<semaphore_mem>>) src(%dma_wait3A_335 : memref<30000xi32, #tpu.memory_space<hbm>>) dst(%dma_wait3A_334 : memref<30000xi32, #tpu.memory_space<vmem>>)
    %add3A_336 = arith.constant 210000 : i32
    %add3A_337 = arith.addi %mul3A_2, %add3A_336 : i32
    %multiple_of3A_338 = tpu.assume_multiple %add3A_337, 16 : i32
    %dma_start3A_339 = arith.constant 0 : i32
    %dma_start3A_340 = tpu.memref_slice %arg7[%dma_start3A_339] : memref<30000xf32, #tpu.memory_space<vmem>> -> memref<30000xf32, #tpu.memory_space<vmem>>
    %dma_start3A_341 = tpu.memref_slice %arg2[%multiple_of3A_338] : memref<8000000xf32, #tpu.memory_space<hbm>> -> memref<30000xf32, #tpu.memory_space<hbm>>
    %dma_start3A_342 = arith.constant 0 : i32
    %dma_start3A_343 = tpu.memref_slice %arg7[%dma_start3A_342] : memref<30000xf32, #tpu.memory_space<vmem>> -> memref<30000xf32, #tpu.memory_space<vmem>>
    %dma_start3A_344 = tpu.memref_slice %arg2[%multiple_of3A_338] : memref<8000000xf32, #tpu.memory_space<hbm>> -> memref<30000xf32, #tpu.memory_space<hbm>>
    tpu.enqueue_dma source(%dma_start3A_344 : memref<30000xf32, #tpu.memory_space<hbm>>) target(%dma_start3A_343 : memref<30000xf32, #tpu.memory_space<vmem>>) target_semaphore(%arg13 : memref<!tpu.dma_semaphore, #tpu.memory_space<semaphore_mem>>)
    %dma_start3A_345 = arith.constant 0 : i32
    %dma_start3A_346 = tpu.memref_slice %arg9[%dma_start3A_345] : memref<30000xi32, #tpu.memory_space<vmem>> -> memref<30000xi32, #tpu.memory_space<vmem>>
    %dma_start3A_347 = tpu.memref_slice %arg3[%multiple_of3A_338] : memref<8000000xi32, #tpu.memory_space<hbm>> -> memref<30000xi32, #tpu.memory_space<hbm>>
    %dma_start3A_348 = arith.constant 0 : i32
    %dma_start3A_349 = tpu.memref_slice %arg9[%dma_start3A_348] : memref<30000xi32, #tpu.memory_space<vmem>> -> memref<30000xi32, #tpu.memory_space<vmem>>
    %dma_start3A_350 = tpu.memref_slice %arg3[%multiple_of3A_338] : memref<8000000xi32, #tpu.memory_space<hbm>> -> memref<30000xi32, #tpu.memory_space<hbm>>
    tpu.enqueue_dma source(%dma_start3A_350 : memref<30000xi32, #tpu.memory_space<hbm>>) target(%dma_start3A_349 : memref<30000xi32, #tpu.memory_space<vmem>>) target_semaphore(%arg15 : memref<!tpu.dma_semaphore, #tpu.memory_space<semaphore_mem>>)
    %parallel_loop3A_351 = arith.constant 0 : i32
    %parallel_loop3A_352 = arith.constant 1875 : i32
    %parallel_loop3A_353 = arith.constant 1 : i32
    scf.for %parallel_loop3A_399 = %parallel_loop3A_351 to %parallel_loop3A_352 step %parallel_loop3A_353  : i32 {
      %parallel_loop3A_400 = arith.constant 16 : i32
      %parallel_loop3A_401 = arith.muli %parallel_loop3A_399, %parallel_loop3A_400 : i32
      %parallel_loop3A_402 = arith.index_cast %parallel_loop3A_401 : i32 to index
      %parallel_loop3A_403 = tpu.vector_load %arg6[%parallel_loop3A_402] {strides = array<i32>} : memref<30000xf32, #tpu.memory_space<vmem>>, vector<16xf32>,
      %parallel_loop3A_404 = arith.index_cast %parallel_loop3A_401 : i32 to index
      %parallel_loop3A_405 = tpu.vector_load %arg8[%parallel_loop3A_404] {strides = array<i32>} : memref<30000xi32, #tpu.memory_space<vmem>>, vector<16xi32>,
      %parallel_loop3A_406 = arith.constant 1.500000e+01 : f32
      %parallel_loop3A_407 = vector.broadcast %parallel_loop3A_406 : f32 to vector<16xf32>
      %parallel_loop3A_408 = arith.mulf %parallel_loop3A_403, %parallel_loop3A_407 : vector<16xf32>
      %parallel_loop3A_409 = arith.fptosi %parallel_loop3A_408 : vector<16xf32> to vector<16xi32>
      %parallel_loop3A_410 = arith.constant 4 : i32
      %parallel_loop3A_411 = vector.broadcast %parallel_loop3A_410 : i32 to vector<16xi32>
      %parallel_loop3A_412 = arith.shli %parallel_loop3A_409, %parallel_loop3A_411 : vector<16xi32>
      %parallel_loop3A_413 = arith.constant 8 : i32
      %parallel_loop3A_414 = vector.broadcast %parallel_loop3A_413 : i32 to vector<16xi32>
      %parallel_loop3A_415 = arith.shli %parallel_loop3A_405, %parallel_loop3A_414 : vector<16xi32>
      %parallel_loop3A_416 = arith.ori %parallel_loop3A_412, %parallel_loop3A_415 : vector<16xi32>
      %parallel_loop3A_417 = arith.ori %parallel_loop3A_416, %iota3A : vector<16xi32>
      %parallel_loop3A_418 = arith.constant 0.000000e+00 : f32
      %parallel_loop3A_419 = vector.broadcast %parallel_loop3A_418 : f32 to vector<16xf32>
      %parallel_loop3A_420 = arith.cmpf ogt, %parallel_loop3A_403, %parallel_loop3A_419 : vector<16xf32>
      tpu.vector_store_idx %arg10[%parallel_loop3A_417], %broadcast_in_dim3A_132 masked %parallel_loop3A_420 {add = true} : memref<512xf32, #tpu.memory_space<vmem>>[vector<16xi32>], vector<16xf32>, vector<16xi1>
      tpu.vector_store_idx %arg11[%parallel_loop3A_417], %parallel_loop3A_403 masked %parallel_loop3A_420 {add = true} : memref<512xf32, #tpu.memory_space<vmem>>[vector<16xi32>], vector<16xf32>, vector<16xi1>
    } {sc.loop_unroll_factor = 8 : i64, sc.parallel_access}
    %dma_wait3A_354 = arith.constant 0 : i32
    %dma_wait3A_355 = tpu.memref_slice %arg7[%dma_wait3A_354] : memref<30000xf32, #tpu.memory_space<vmem>> -> memref<30000xf32, #tpu.memory_space<vmem>>
    %dma_wait3A_356 = tpu.memref_slice %arg2[%multiple_of3A_338] : memref<8000000xf32, #tpu.memory_space<hbm>> -> memref<30000xf32, #tpu.memory_space<hbm>>
    %dma_wait3A_357 = arith.constant 0 : i32
    %dma_wait3A_358 = tpu.memref_slice %arg7[%dma_wait3A_357] : memref<30000xf32, #tpu.memory_space<vmem>> -> memref<30000xf32, #tpu.memory_space<vmem>>
    %dma_wait3A_359 = tpu.memref_slice %arg2[%multiple_of3A_338] : memref<8000000xf32, #tpu.memory_space<hbm>> -> memref<30000xf32, #tpu.memory_space<hbm>>
    tpu.wait_dma2 semaphore(%arg13 : memref<!tpu.dma_semaphore, #tpu.memory_space<semaphore_mem>>) src(%dma_wait3A_359 : memref<30000xf32, #tpu.memory_space<hbm>>) dst(%dma_wait3A_358 : memref<30000xf32, #tpu.memory_space<vmem>>)
    %dma_wait3A_360 = arith.constant 0 : i32
    %dma_wait3A_361 = tpu.memref_slice %arg9[%dma_wait3A_360] : memref<30000xi32, #tpu.memory_space<vmem>> -> memref<30000xi32, #tpu.memory_space<vmem>>
    %dma_wait3A_362 = tpu.memref_slice %arg3[%multiple_of3A_338] : memref<8000000xi32, #tpu.memory_space<hbm>> -> memref<30000xi32, #tpu.memory_space<hbm>>
    %dma_wait3A_363 = arith.constant 0 : i32
    %dma_wait3A_364 = tpu.memref_slice %arg9[%dma_wait3A_363] : memref<30000xi32, #tpu.memory_space<vmem>> -> memref<30000xi32, #tpu.memory_space<vmem>>
    %dma_wait3A_365 = tpu.memref_slice %arg3[%multiple_of3A_338] : memref<8000000xi32, #tpu.memory_space<hbm>> -> memref<30000xi32, #tpu.memory_space<hbm>>
    tpu.wait_dma2 semaphore(%arg15 : memref<!tpu.dma_semaphore, #tpu.memory_space<semaphore_mem>>) src(%dma_wait3A_365 : memref<30000xi32, #tpu.memory_space<hbm>>) dst(%dma_wait3A_364 : memref<30000xi32, #tpu.memory_space<vmem>>)
    %add3A_366 = arith.constant 240000 : i32
    %add3A_367 = arith.addi %mul3A_2, %add3A_366 : i32
    %multiple_of3A_368 = tpu.assume_multiple %add3A_367, 16 : i32
    %dma_start3A_369 = arith.constant 0 : i32
    %dma_start3A_370 = tpu.memref_slice %arg6[%dma_start3A_369] : memref<30000xf32, #tpu.memory_space<vmem>> -> memref<10000xf32, #tpu.memory_space<vmem>>
    %dma_start3A_371 = tpu.memref_slice %arg2[%multiple_of3A_368] : memref<8000000xf32, #tpu.memory_space<hbm>> -> memref<10000xf32, #tpu.memory_space<hbm>>
    %dma_start3A_372 = arith.constant 0 : i32
    %dma_start3A_373 = tpu.memref_slice %arg6[%dma_start3A_372] : memref<30000xf32, #tpu.memory_space<vmem>> -> memref<10000xf32, #tpu.memory_space<vmem>>
    %dma_start3A_374 = tpu.memref_slice %arg2[%multiple_of3A_368] : memref<8000000xf32, #tpu.memory_space<hbm>> -> memref<10000xf32, #tpu.memory_space<hbm>>
    tpu.enqueue_dma source(%dma_start3A_374 : memref<10000xf32, #tpu.memory_space<hbm>>) target(%dma_start3A_373 : memref<10000xf32, #tpu.memory_space<vmem>>) target_semaphore(%arg12 : memref<!tpu.dma_semaphore, #tpu.memory_space<semaphore_mem>>)
    %dma_start3A_375 = arith.constant 0 : i32
    %dma_start3A_376 = tpu.memref_slice %arg8[%dma_start3A_375] : memref<30000xi32, #tpu.memory_space<vmem>> -> memref<10000xi32, #tpu.memory_space<vmem>>
    %dma_start3A_377 = tpu.memref_slice %arg3[%multiple_of3A_368] : memref<8000000xi32, #tpu.memory_space<hbm>> -> memref<10000xi32, #tpu.memory_space<hbm>>
    %dma_start3A_378 = arith.constant 0 : i32
    %dma_start3A_379 = tpu.memref_slice %arg8[%dma_start3A_378] : memref<30000xi32, #tpu.memory_space<vmem>> -> memref<10000xi32, #tpu.memory_space<vmem>>
    %dma_start3A_380 = tpu.memref_slice %arg3[%multiple_of3A_368] : memref<8000000xi32, #tpu.memory_space<hbm>> -> memref<10000xi32, #tpu.memory_space<hbm>>
    tpu.enqueue_dma source(%dma_start3A_380 : memref<10000xi32, #tpu.memory_space<hbm>>) target(%dma_start3A_379 : memref<10000xi32, #tpu.memory_space<vmem>>) target_semaphore(%arg14 : memref<!tpu.dma_semaphore, #tpu.memory_space<semaphore_mem>>)
    %parallel_loop3A_381 = arith.constant 0 : i32
    %parallel_loop3A_382 = arith.constant 1875 : i32
    %parallel_loop3A_383 = arith.constant 1 : i32
    scf.for %parallel_loop3A_399 = %parallel_loop3A_381 to %parallel_loop3A_382 step %parallel_loop3A_383  : i32 {
      %parallel_loop3A_400 = arith.constant 16 : i32
      %parallel_loop3A_401 = arith.muli %parallel_loop3A_399, %parallel_loop3A_400 : i32
      %parallel_loop3A_402 = arith.index_cast %parallel_loop3A_401 : i32 to index
      %parallel_loop3A_403 = tpu.vector_load %arg7[%parallel_loop3A_402] {strides = array<i32>} : memref<30000xf32, #tpu.memory_space<vmem>>, vector<16xf32>,
      %parallel_loop3A_404 = arith.index_cast %parallel_loop3A_401 : i32 to index
      %parallel_loop3A_405 = tpu.vector_load %arg9[%parallel_loop3A_404] {strides = array<i32>} : memref<30000xi32, #tpu.memory_space<vmem>>, vector<16xi32>,
      %parallel_loop3A_406 = arith.constant 1.500000e+01 : f32
      %parallel_loop3A_407 = vector.broadcast %parallel_loop3A_406 : f32 to vector<16xf32>
      %parallel_loop3A_408 = arith.mulf %parallel_loop3A_403, %parallel_loop3A_407 : vector<16xf32>
      %parallel_loop3A_409 = arith.fptosi %parallel_loop3A_408 : vector<16xf32> to vector<16xi32>
      %parallel_loop3A_410 = arith.constant 4 : i32
      %parallel_loop3A_411 = vector.broadcast %parallel_loop3A_410 : i32 to vector<16xi32>
      %parallel_loop3A_412 = arith.shli %parallel_loop3A_409, %parallel_loop3A_411 : vector<16xi32>
      %parallel_loop3A_413 = arith.constant 8 : i32
      %parallel_loop3A_414 = vector.broadcast %parallel_loop3A_413 : i32 to vector<16xi32>
      %parallel_loop3A_415 = arith.shli %parallel_loop3A_405, %parallel_loop3A_414 : vector<16xi32>
      %parallel_loop3A_416 = arith.ori %parallel_loop3A_412, %parallel_loop3A_415 : vector<16xi32>
      %parallel_loop3A_417 = arith.ori %parallel_loop3A_416, %iota3A : vector<16xi32>
      %parallel_loop3A_418 = arith.constant 0.000000e+00 : f32
      %parallel_loop3A_419 = vector.broadcast %parallel_loop3A_418 : f32 to vector<16xf32>
      %parallel_loop3A_420 = arith.cmpf ogt, %parallel_loop3A_403, %parallel_loop3A_419 : vector<16xf32>
      tpu.vector_store_idx %arg10[%parallel_loop3A_417], %broadcast_in_dim3A_132 masked %parallel_loop3A_420 {add = true} : memref<512xf32, #tpu.memory_space<vmem>>[vector<16xi32>], vector<16xf32>, vector<16xi1>
      tpu.vector_store_idx %arg11[%parallel_loop3A_417], %parallel_loop3A_403 masked %parallel_loop3A_420 {add = true} : memref<512xf32, #tpu.memory_space<vmem>>[vector<16xi32>], vector<16xf32>, vector<16xi1>
    } {sc.loop_unroll_factor = 8 : i64, sc.parallel_access}
    %dma_wait3A_384 = arith.constant 0 : i32
    %dma_wait3A_385 = tpu.memref_slice %arg6[%dma_wait3A_384] : memref<30000xf32, #tpu.memory_space<vmem>> -> memref<10000xf32, #tpu.memory_space<vmem>>
    %dma_wait3A_386 = tpu.memref_slice %arg2[%multiple_of3A_368] : memref<8000000xf32, #tpu.memory_space<hbm>> -> memref<10000xf32, #tpu.memory_space<hbm>>
    %dma_wait3A_387 = arith.constant 0 : i32
    %dma_wait3A_388 = tpu.memref_slice %arg6[%dma_wait3A_387] : memref<30000xf32, #tpu.memory_space<vmem>> -> memref<10000xf32, #tpu.memory_space<vmem>>
    %dma_wait3A_389 = tpu.memref_slice %arg2[%multiple_of3A_368] : memref<8000000xf32, #tpu.memory_space<hbm>> -> memref<10000xf32, #tpu.memory_space<hbm>>
    tpu.wait_dma2 semaphore(%arg12 : memref<!tpu.dma_semaphore, #tpu.memory_space<semaphore_mem>>) src(%dma_wait3A_389 : memref<10000xf32, #tpu.memory_space<hbm>>) dst(%dma_wait3A_388 : memref<10000xf32, #tpu.memory_space<vmem>>)
    %dma_wait3A_390 = arith.constant 0 : i32
    %dma_wait3A_391 = tpu.memref_slice %arg8[%dma_wait3A_390] : memref<30000xi32, #tpu.memory_space<vmem>> -> memref<10000xi32, #tpu.memory_space<vmem>>
    %dma_wait3A_392 = tpu.memref_slice %arg3[%multiple_of3A_368] : memref<8000000xi32, #tpu.memory_space<hbm>> -> memref<10000xi32, #tpu.memory_space<hbm>>
    %dma_wait3A_393 = arith.constant 0 : i32
    %dma_wait3A_394 = tpu.memref_slice %arg8[%dma_wait3A_393] : memref<30000xi32, #tpu.memory_space<vmem>> -> memref<10000xi32, #tpu.memory_space<vmem>>
    %dma_wait3A_395 = tpu.memref_slice %arg3[%multiple_of3A_368] : memref<8000000xi32, #tpu.memory_space<hbm>> -> memref<10000xi32, #tpu.memory_space<hbm>>
    tpu.wait_dma2 semaphore(%arg14 : memref<!tpu.dma_semaphore, #tpu.memory_space<semaphore_mem>>) src(%dma_wait3A_395 : memref<10000xi32, #tpu.memory_space<hbm>>) dst(%dma_wait3A_394 : memref<10000xi32, #tpu.memory_space<vmem>>)
    %parallel_loop3A_396 = arith.constant 0 : i32
    %parallel_loop3A_397 = arith.constant 625 : i32
    %parallel_loop3A_398 = arith.constant 1 : i32
    scf.for %parallel_loop3A_399 = %parallel_loop3A_396 to %parallel_loop3A_397 step %parallel_loop3A_398  : i32 {
      %parallel_loop3A_400 = arith.constant 16 : i32
      %parallel_loop3A_401 = arith.muli %parallel_loop3A_399, %parallel_loop3A_400 : i32
      %parallel_loop3A_402 = arith.index_cast %parallel_loop3A_401 : i32 to index
      %parallel_loop3A_403 = tpu.vector_load %arg6[%parallel_loop3A_402] {strides = array<i32>} : memref<30000xf32, #tpu.memory_space<vmem>>, vector<16xf32>,
      %parallel_loop3A_404 = arith.index_cast %parallel_loop3A_401 : i32 to index
      %parallel_loop3A_405 = tpu.vector_load %arg8[%parallel_loop3A_404] {strides = array<i32>} : memref<30000xi32, #tpu.memory_space<vmem>>, vector<16xi32>,
      %parallel_loop3A_406 = arith.constant 1.500000e+01 : f32
      %parallel_loop3A_407 = vector.broadcast %parallel_loop3A_406 : f32 to vector<16xf32>
      %parallel_loop3A_408 = arith.mulf %parallel_loop3A_403, %parallel_loop3A_407 : vector<16xf32>
      %parallel_loop3A_409 = arith.fptosi %parallel_loop3A_408 : vector<16xf32> to vector<16xi32>
      %parallel_loop3A_410 = arith.constant 4 : i32
      %parallel_loop3A_411 = vector.broadcast %parallel_loop3A_410 : i32 to vector<16xi32>
      %parallel_loop3A_412 = arith.shli %parallel_loop3A_409, %parallel_loop3A_411 : vector<16xi32>
      %parallel_loop3A_413 = arith.constant 8 : i32
      %parallel_loop3A_414 = vector.broadcast %parallel_loop3A_413 : i32 to vector<16xi32>
      %parallel_loop3A_415 = arith.shli %parallel_loop3A_405, %parallel_loop3A_414 : vector<16xi32>
      %parallel_loop3A_416 = arith.ori %parallel_loop3A_412, %parallel_loop3A_415 : vector<16xi32>
      %parallel_loop3A_417 = arith.ori %parallel_loop3A_416, %iota3A : vector<16xi32>
      %parallel_loop3A_418 = arith.constant 0.000000e+00 : f32
      %parallel_loop3A_419 = vector.broadcast %parallel_loop3A_418 : f32 to vector<16xf32>
      %parallel_loop3A_420 = arith.cmpf ogt, %parallel_loop3A_403, %parallel_loop3A_419 : vector<16xf32>
      tpu.vector_store_idx %arg10[%parallel_loop3A_417], %broadcast_in_dim3A_132 masked %parallel_loop3A_420 {add = true} : memref<512xf32, #tpu.memory_space<vmem>>[vector<16xi32>], vector<16xf32>, vector<16xi1>
      tpu.vector_store_idx %arg11[%parallel_loop3A_417], %parallel_loop3A_403 masked %parallel_loop3A_420 {add = true} : memref<512xf32, #tpu.memory_space<vmem>>[vector<16xi32>], vector<16xf32>, vector<16xi1>
    } {sc.loop_unroll_factor = 8 : i64, sc.parallel_access}
    "tpu.region"() ({
      %run_scoped3A = tpu.sem_alloc : memref<!tpu.dma_semaphore, #tpu.memory_space<semaphore_mem>>
      %dma_start3A_399 = arith.constant 0 : i32
      %dma_start3A_400 = tpu.memref_slice %arg4[%add3A, %dma_start3A_399] : memref<32x512xf32, #tpu.memory_space<hbm>> -> memref<1x512xf32, #tpu.memory_space<hbm>>
      %dma_start3A_401 = tpu.memref_squeeze %dma_start3A_400 : memref<1x512xf32, #tpu.memory_space<hbm>> -> memref<512xf32, #tpu.memory_space<hbm>>
      %dma_start3A_402 = arith.constant 0 : i32
      %dma_start3A_403 = tpu.memref_slice %arg4[%add3A, %dma_start3A_402] : memref<32x512xf32, #tpu.memory_space<hbm>> -> memref<1x512xf32, #tpu.memory_space<hbm>>
      %dma_start3A_404 = tpu.memref_squeeze %dma_start3A_403 : memref<1x512xf32, #tpu.memory_space<hbm>> -> memref<512xf32, #tpu.memory_space<hbm>>
      tpu.enqueue_dma source(%arg10 : memref<512xf32, #tpu.memory_space<vmem>>) target(%dma_start3A_404 : memref<512xf32, #tpu.memory_space<hbm>>) target_semaphore(%run_scoped3A : memref<!tpu.dma_semaphore, #tpu.memory_space<semaphore_mem>>)
      %dma_wait3A_405 = arith.constant 0 : i32
      %dma_wait3A_406 = tpu.memref_slice %arg4[%add3A, %dma_wait3A_405] : memref<32x512xf32, #tpu.memory_space<hbm>> -> memref<1x512xf32, #tpu.memory_space<hbm>>
      %dma_wait3A_407 = tpu.memref_squeeze %dma_wait3A_406 : memref<1x512xf32, #tpu.memory_space<hbm>> -> memref<512xf32, #tpu.memory_space<hbm>>
      %dma_wait3A_408 = arith.constant 0 : i32
      %dma_wait3A_409 = tpu.memref_slice %arg4[%add3A, %dma_wait3A_408] : memref<32x512xf32, #tpu.memory_space<hbm>> -> memref<1x512xf32, #tpu.memory_space<hbm>>
      %dma_wait3A_410 = tpu.memref_squeeze %dma_wait3A_409 : memref<1x512xf32, #tpu.memory_space<hbm>> -> memref<512xf32, #tpu.memory_space<hbm>>
      tpu.wait_dma2 semaphore(%run_scoped3A : memref<!tpu.dma_semaphore, #tpu.memory_space<semaphore_mem>>) src(%arg10 : memref<512xf32, #tpu.memory_space<vmem>>) dst(%dma_wait3A_410 : memref<512xf32, #tpu.memory_space<hbm>>)
      tpu.yield
    }) : () -> ()
    "tpu.region"() ({
      %run_scoped3A = tpu.sem_alloc : memref<!tpu.dma_semaphore, #tpu.memory_space<semaphore_mem>>
      %dma_start3A_399 = arith.constant 0 : i32
      %dma_start3A_400 = tpu.memref_slice %arg5[%add3A, %dma_start3A_399] : memref<32x512xf32, #tpu.memory_space<hbm>> -> memref<1x512xf32, #tpu.memory_space<hbm>>
      %dma_start3A_401 = tpu.memref_squeeze %dma_start3A_400 : memref<1x512xf32, #tpu.memory_space<hbm>> -> memref<512xf32, #tpu.memory_space<hbm>>
      %dma_start3A_402 = arith.constant 0 : i32
      %dma_start3A_403 = tpu.memref_slice %arg5[%add3A, %dma_start3A_402] : memref<32x512xf32, #tpu.memory_space<hbm>> -> memref<1x512xf32, #tpu.memory_space<hbm>>
      %dma_start3A_404 = tpu.memref_squeeze %dma_start3A_403 : memref<1x512xf32, #tpu.memory_space<hbm>> -> memref<512xf32, #tpu.memory_space<hbm>>
      tpu.enqueue_dma source(%arg11 : memref<512xf32, #tpu.memory_space<vmem>>) target(%dma_start3A_404 : memref<512xf32, #tpu.memory_space<hbm>>) target_semaphore(%run_scoped3A : memref<!tpu.dma_semaphore, #tpu.memory_space<semaphore_mem>>)
      %dma_wait3A_405 = arith.constant 0 : i32
      %dma_wait3A_406 = tpu.memref_slice %arg5[%add3A, %dma_wait3A_405] : memref<32x512xf32, #tpu.memory_space<hbm>> -> memref<1x512xf32, #tpu.memory_space<hbm>>
      %dma_wait3A_407 = tpu.memref_squeeze %dma_wait3A_406 : memref<1x512xf32, #tpu.memory_space<hbm>> -> memref<512xf32, #tpu.memory_space<hbm>>
      %dma_wait3A_408 = arith.constant 0 : i32
      %dma_wait3A_409 = tpu.memref_slice %arg5[%add3A, %dma_wait3A_408] : memref<32x512xf32, #tpu.memory_space<hbm>> -> memref<1x512xf32, #tpu.memory_space<hbm>>
      %dma_wait3A_410 = tpu.memref_squeeze %dma_wait3A_409 : memref<1x512xf32, #tpu.memory_space<hbm>> -> memref<512xf32, #tpu.memory_space<hbm>>
      tpu.wait_dma2 semaphore(%run_scoped3A : memref<!tpu.dma_semaphore, #tpu.memory_space<semaphore_mem>>) src(%arg11 : memref<512xf32, #tpu.memory_space<vmem>>) dst(%dma_wait3A_410 : memref<512xf32, #tpu.memory_space<hbm>>)
      tpu.yield
    }) : () -> ()
    return
  }
}

</mosaic_0001>

<sc_bundles>
// kernel: kernel.3.cloned.1.call-start
scs
__scs_entry_jumppad:
0x0: {  	(pc) =	sbr.rel $0x88, $3  }
0x1: {  	(tag) =	ssettag $0x0;
	lr =	simm.s32 $0x1  }
0x2: {  	[smem:$0x3F9F] =	sst lr;
	_ =	strace $0xD0000000  }
0x3: {  	_ = 	snop  }
0x4: {  	_ = 	snop  }
0x5: {  	_ = 	snop  }
0x6: {  	_ = 	snop  }
0x7: {  	_ = 	snop  }
__scs_overlays_trampoline_lowered:
0x8: {  	[smem:$0x3FAE] =	sst s0  }
0x9: {  	[smem:$0x3FAF] =	sst s1  }
0xa: {  	[smem:$0x3FB0] =	sst s2  }
0xb: {  	[smem:$0x3FB1] =	sst s3  }
0xc: {  	[smem:$0x3FB2] =	sst s4  }
0xd: {  	[smem:$0x3FB3] =	sst s5  }
0xe: {  	[smem:$0x3FB4] =	sst s6  }
0xf: {  	[smem:$0x3FB5] =	sst s7  }
0x10: {  	[smem:$0x3FB6] =	sst s8  }
0x11: {  	[smem:$0x3FB7] =	sst s9;
	s0 =	simm.s32 @!p0 $0x0  }
0x12: {  	s1 =	sld [smem:$0x3F9D];
	s0 =	simm.s32 @p0 $0x1  }
0x13: {  	[smem:$0x3FB8] =	sst s0;
	s0 =	simm.s32 @!p1 $0x0  }
0x14: {  	s2 =	sld [smem:$0x3F9C];
	s0 =	simm.s32 @p1 $0x1  }
0x15: {  	[smem:$0x3FB9] =	sst s0;
	s0 =	simm.s32 @!p2 $0x0  }
0x16: {  	s3 =	sld [smem:$0x3FDB];
	s0 =	simm.s32 @p2 $0x1  }
0x17: {  	s4 =	simm.s32 $0x1BF5;
	[smem:$0x3FBB] =	sst s0  }
0x18: {  	s0 =	sld [smem:$0x3F9E];
	_ =	swait.ge [sflag:s4], $0x0  }
0x19: {  	s7 =	sld [smem:$0x3F9F]  }
0x1a: {  	s8 =	sadd.s32 $0xFFFFE003, lr  }
0x1b: {  	s9 =	sadd.s32 $0xFFFFFEF7, lr;
	s5 =	simm.s32 $0xFFFFFFFF;
	p2 =	slt.u32 s8, $0xFFFFF086  }
0x1c: {  	p1 =	slt.u32 s9, $0xF7A;
	s5 =	simm.s32 @!p2 $0x0  }
0x1d: {  	s5 =	simm.s32 @p1 $0x1;
	p0 =	seq.s32 s7, s2  }
0x1e: {  	s7 =	smul.u32 @!p0 $0xF7A, s2;
	p2 =	seq.s32 @!p0 s5, $0x0  }
0x1f: {  	s9 =	smul.u32 $0xF7A, s1;
	s8 =	simm.s32 @!p0 $0x1BF5;
	p2 =	por !p2, p0  }
0x20: {  	[sflag:s8] =	ssyncset.s32 @!p0 $0xFFFFF086;
	s6 =	sadd.s32 @!p0 s3, s7;
	s7 =	simm.s32 @!p0 $0x108  }
0x21: {  	s3 =	sadd.s32 s3, s9;
	s6 =	sadd.s32 @!p0 $0x88, s6;
	s7 =	simm.s32 @p2 $0x1082  }
0x22: {  	[simem:s7], [sflag:s8] =	dma.local @!p0 [hbm:s6], $0xF7A  }
0x23: {  	s9 =	sor.u32 $0xD0000000, s2;
	s6 =	simm.s32 $0x108;
	_ =	swait.ge @!p0 [sflag:s8], $0x0  }
0x24: {  	s3 =	sadd.s32 $0x88, s3;
	s6 =	simm.s32 @!p1 $0x1082;
	[sflag:s4] =	ssyncset.s32 $0xFFFFF086  }
0x25: {  	[simem:s6], [sflag:s4] =	dma.local [hbm:s3], $0xF7A  }
0x26: {  	[smem:$0x3F9F] =	sst s1;
	(tag) =	ssettag s2;
	_ =	strace s9  }
0x27: {  	s1 =	sld [smem:$0x3FAF]  }
0x28: {  	s2 =	sld [smem:$0x3FB0]  }
0x29: {  	s4 =	sld [smem:$0x3FB2]  }
0x2a: {  	p0 =	seq.s32 s5, $0x0;
	s5 =	sld [smem:$0x3FB3]  }
0x2b: {  	s6 =	sld [smem:$0x3FB4]  }
0x2c: {  	s7 =	sld [smem:$0x3FB5]  }
0x2d: {  	s3 =	simm.s32 $0x108;
	s8 =	sld [smem:$0x3FB6]  }
0x2e: {  	s3 =	simm.s32 @!p0 $0x1082;
	s9 =	sld [smem:$0x3FB7]  }
0x2f: {  	lr =	sadd.s32 s0, s3;
	s0 =	sld [smem:$0x3FAE]  }
0x30: {  	s3 =	sld [smem:$0x3FB1]  }
0x31: {  	[smem:$0x3FBA] =	sst s10  }
0x32: {  	s10 =	sld [smem:$0x3FB8];
	_ =	sdelay $0x3  }
0x33: {  	p0 =	seq.s32 s10, $0x1;
	s10 =	sld [smem:$0x3FBA];
	_ =	sdelay $0x3  }
0x34: {  	[smem:$0x3FBA] =	sst s10  }
0x35: {  	s10 =	sld [smem:$0x3FB9];
	_ =	sdelay $0x3  }
0x36: {  	p1 =	seq.s32 s10, $0x1;
	s10 =	sld [smem:$0x3FBA];
	_ =	sdelay $0x3  }
0x37: {  	[smem:$0x3FBA] =	sst s10  }
0x38: {  	s10 =	sld [smem:$0x3FBB]  }
0x39: {  	_ = 	snop;
	(pc) =	sbr.ind lr, $3  }
0x3a: {  	_ = 	snop  }
0x3b: {  	_ = 	snop  }
0x3c: {  	p2 =	seq.s32 s10, $0x1;
	s10 =	sld [smem:$0x3FBA]  }
0x3d: {  	_ =	shalt  }
0x3e: {  	_ =	shalt  }
0x3f: {  	_ =	shalt  }
0x40: {  	_ =	shalt  }
0x41: {  	_ =	shalt  }
0x42: {  	_ =	shalt  }
0x43: {  	_ =	shalt  }
0x44: {  	_ =	shalt  }
0x45: {  	_ =	shalt  }
0x46: {  	_ =	shalt  }
0x47: {  	_ =	shalt  }
0x48: {  	_ =	shalt  }
0x49: {  	_ =	shalt  }
0x4a: {  	_ =	shalt  }
0x4b: {  	_ =	shalt  }
0x4c: {  	_ =	shalt  }
0x4d: {  	_ =	shalt  }
0x4e: {  	_ =	shalt  }
0x4f: {  	_ =	shalt  }
0x50: {  	_ =	shalt  }
0x51: {  	_ =	shalt  }
0x52: {  	_ =	shalt  }
0x53: {  	_ =	shalt  }
0x54: {  	_ =	shalt  }
0x55: {  	_ =	shalt  }
0x56: {  	_ =	shalt  }
0x57: {  	_ =	shalt  }
0x58: {  	_ =	shalt  }
0x59: {  	_ =	shalt  }
0x5a: {  	_ =	shalt  }
0x5b: {  	_ =	shalt  }
0x5c: {  	_ =	shalt  }
0x5d: {  	_ =	shalt  }
0x5e: {  	_ =	shalt  }
0x5f: {  	_ =	shalt  }
0x60: {  	_ =	shalt  }
0x61: {  	_ =	shalt  }
0x62: {  	_ =	shalt  }
0x63: {  	_ =	shalt  }
0x64: {  	_ =	shalt  }
0x65: {  	_ =	shalt  }
0x66: {  	_ =	shalt  }
0x67: {  	_ =	shalt  }
0x68: {  	_ =	shalt  }
0x69: {  	_ =	shalt  }
0x6a: {  	_ =	shalt  }
0x6b: {  	_ =	shalt  }
0x6c: {  	_ =	shalt  }
0x6d: {  	_ =	shalt  }
0x6e: {  	_ =	shalt  }
0x6f: {  	_ =	shalt  }
0x70: {  	_ =	shalt  }
0x71: {  	_ =	shalt  }
0x72: {  	_ =	shalt  }
0x73: {  	_ =	shalt  }
0x74: {  	_ =	shalt  }
0x75: {  	_ =	shalt  }
0x76: {  	_ =	shalt  }
0x77: {  	_ =	shalt  }
0x78: {  	_ =	shalt  }
0x79: {  	_ =	shalt  }
0x7a: {  	_ =	shalt  }
0x7b: {  	_ =	shalt  }
0x7c: {  	_ =	shalt  }
0x7d: {  	_ =	shalt  }
0x7e: {  	_ =	shalt  }
0x7f: {  	_ =	shalt  }
0x80: {  	_ =	shalt  }
0x81: {  	_ =	shalt  }
0x82: {  	_ =	shalt  }
0x83: {  	_ =	shalt  }
0x84: {  	_ =	shalt  }
0x85: {  	_ =	shalt  }
0x86: {  	_ =	shalt  }
0x87: {  	_ =	shalt  }
.Lfunc_end0:
.L_simem_size_0:
called_computation_lowered:
.L_overlay_start_0:
0x88: {  	s2 =	sld [smem:$0x3FD9]  }
0x89: {  	s3 =	sld [smem:$0x3FFE];
	_ =	sdelay $0x1  }
0x8a: {  	s1 =	srdreg.scid  }
0x8b: {  	s0 =	sand.u32 $0x1, s1  }
0x8c: {  	s17 =	sshll.u32 s0, $0xA;
	s2 =	sadd.s32 s3, s2  }
0x8d: {  	s2 =	sadd.s32 s2, s17  }
0x8e: {  	[smem:$0x3FC6] =	sst s2  }
0x8f: {  	_ = 	snop  }
0x90: {  	s2 =	sld [smem:$0x3FC9]  }
0x91: {  	s18 =	sld [smem:$0x3FC8];
	(tm) =	ssettm $0x1  }
0x92: {  	s4 =	sld [smem:$0x3FFB];
	_ =	sdelay $0x3  }
0x93: {  	_ =	strace s4  }
0x94: {  	s4 =	sld [smem:$0x3FFC];
	_ =	sdelay $0x3  }
0x95: {  	_ =	strace s4  }
0x96: {  	s4 =	sld [smem:$0x3FFD];
	_ =	sdelay $0x3  }
0x97: {  	_ =	strace s4  }
0x98: {  	_ =	strace $0x8FFFFFFF  }
0x99: {  	s19 =	sld [smem:$0x3FDB];
	_ =	sdelay $0x1  }
0x9a: {  	s5 =	simm.s32 $_scs_section_size  }
0x9b: {  	s6 =	simm.s32 $_size__tile_overlayer_lowered;
	s7 =	simm.s32 $_tile_overlayer_lowered  }
0x9c: {  	s22 =	simm.s32 $0x1BFF;
	s21 =	sshll.u32 s7, $0x1;
	s4 =	sadd.s32 s5, s19  }
0x9d: {  	s8 =	simm.s32 $0x0;
	s20 =	sshll.u32 s6, $0x1;
	s6 =	sadd.s32 s21, s4  }
0x9e: {  	[timem:s8], [sflag:s22] =	dma.local [hbm:s6], s20  }
0x9f: {  	_ =	swait.ge [sflag:s22], s20  }
0xa0: {  	s5 =	ssub.s32 $0x0, s20;
	[sflag:s22] =	ssyncset.done $0x0  }
0xa1: {  	[sflag:s22] =	ssyncadd.s32 s5;
	_ =	sdelay $0x1  }
0xa2: {  	s23 =	simm.s32 $0x1B8B  }
0xa3: {  	_ =	swait.ge [sflag:s23], $0x1  }
0xa4: {  	[sflag:s23] =	ssyncset.done $0x0  }
0xa5: {  	s25 =	simm.s32 $0x1B8E;
	s24 =	sld [smem:$0x3FFE];
	[sflag:s23] =	ssyncadd.s32 $0xFFFFFFFF  }
0xa6: {  	s26 =	simm.s32 $execute0_lowered;
	[smem:$0x3FD2] =	sst s25  }
0xa7: {  	s6 =	sshll.u32 s26, $0x1;
	_ =	strace $0x80000046;
	[dreg:$0x1] =	wrdreg $0xFFFFFFFF  }
0xa8: {  	s28 =	simm.s32 $_size_execute0_lowered;
	s4 =	sadd.s32 s4, s6;
	[dreg:$0x0] =	wrdreg $0x0  }
0xa9: {  	s6 =	sshll.u32 s28, $0x1;
	[dreg:$0x2] =	wrdreg s4  }
0xaa: {  	[dreg:$0x3] =	wrdreg s6  }
0xab: {  	[dreg:$0x4] =	wrdreg $0xC0  }
0xac: {  	_ =	task [dreg:s8], $0x5FFFF  }
0xad: {  	[dreg:$0x1] =	wrdreg $0xFFFFFFFF  }
0xae: {  	[dreg:$0x0] =	wrdreg $0x60  }
0xaf: {  	[dreg:$0x2] =	wrdreg s2  }
0xb0: {  	[dreg:$0x3] =	wrdreg s18  }
0xb1: {  	[dreg:$0x4] =	wrdreg s24  }
0xb2: {  	[dreg:$0x5] =	wrdreg $0x9  }
0xb3: {  	_ =	task.clear_ibuf [dreg:s8], $0x6FFFF;
	_ =	strace $0x90000046  }
0xb4: {  	s29 =	simm.s32 $0x9;
	_ =	strace $0x80000048  }
0xb5: {  	_ =	swait.ge [sflag:s29], $0x1  }
0xb6: {  	[sflag:s29] =	ssyncadd.s32 $0xFFFFFFFF  }
0xb7: {  	_ =	strace $0x90000048  }
0xb8: {  	_ =	sfence  }
0xb9: {  	s30 =	sld [smem:$0x0];
	_ =	sdelay $0x2  }
0xba: {  	s31 =	sshll.u32 s1, $0xD;
	s1 =	sshrl.u32 s1, $0x2  }
0xbb: {  	s3 =	sand.u32 $0x4000, s31;
	s1 =	sadd.s32 s1, s30  }
0xbc: {  	s0 =	sor.u32 s3, s0;
	s1 =	sshll.u32 s1, $0x11  }
0xbd: {  	s0 =	sor.u32 s1, s0  }
0xbe: {  	s0 =	sadd.s32 $0x8F2B, s0  }
0xbf: {  	[sflag:s0] =	ssyncadd.remote.s32 $0x1  }
0xc0: {  	_ =	sfence.sel $0xFFFF  }
0xc1: {  	[dreg:$0x0] =	wrdreg $0xFFFFFFFF;
	(pc) =	sbr.abs _section_cstart, $3  }
0xc2: {  	[dreg:$0x1] =	wrdreg $0xFFFFFFFF  }
0xc3: {  	_ =	task.clear_ibuf [dreg:s8], $0x2FFFF;
	_ =	strace $0x9FFFFFFF  }
0xc4: {  	(tm) =	ssettm $0x7FFFFFFF  }
0xc5: {  	_ =	shalt  }
tec
execute0_lowered:
.L_overlay_start_1:
0x0: {  	(tag) =	ssettag $0x1  }
0x1: {  	s1 =	rddreg [dreg:$0x0]  }
0x2: {  	s0 =	srdreg.scid;
	s3 =	rddreg [dreg:$0x1]  }
0x3: {  	s16 =	stileid.u32;
	s5 =	rddreg [dreg:$0x2];
	s28 =	simm.s32 $0x7580  }
0x4: {  	s29 =	simm.s32 $0x16080;
	s0 =	sand.u32 $0x1, s0;
	s2 =	sshll.u32 s16, $0x1  }
0x5: {  	s30 =	simm.s32 $0x1D600;
	s31 =	simm.s32 $0x1D800;
	s4 =	sor.u32 s0, s2  }
0x6: {  	s2 =	simm.s32 $0x0;
	s0 =	ssub.s32 $0x2, s0;
	s6 =	smul.u32 $0x3D090, s4  }
0x7: {  	[smem:$0x7FF] =	sst s2;
	s7 =	sshrl.u32 s0, $0x1;
	s4 =	sshll.u32 s4, $0x4  }
0x8: {  	_ =	strace $0x80000047;
	s0 =	ssub.s32 s0, s7;
	s6 =	sshrl.u32 s6, $0x3  }
0x9: {  	s17 =	sadd.s32 s1, s6;
	s18 =	sadd.s32 s3, s6;
	s19 =	sadd.s32 $0xEA6, s6  }
0xa: {  	s8 =	sadd.s32 $0x1D4C, s6;
	s22 =	sadd.s32 $0x2BF2, s6;
	s23 =	sadd.s32 $0x3A98, s6  }
0xb: {  	s24 =	sadd.s32 $0x493E, s6;
	s25 =	sadd.s32 $0x57E4, s6;
	[dreg:$0x4] =	wrdreg s17  }
0xc: {  	s26 =	sadd.s32 $0x668A, s6;
	s6 =	sadd.s32 $0x7530, s6;
	[dreg:$0x5] =	wrdreg s18  }
0xd: {  	s9 =	sadd.s32 s1, s19;
	s7 =	sadd.s32 s3, s19;
	s20 =	sadd.s32 s1, s8  }
0xe: {  	s21 =	sadd.s32 s3, s8;
	s10 =	sadd.s32 s3, s22;
	s11 =	sadd.s32 s1, s23  }
0xf: {  	s12 =	sadd.s32 s3, s23;
	s13 =	sadd.s32 s1, s24;
	s14 =	sadd.s32 s3, s24  }
0x10: {  	s15 =	sadd.s32 s1, s25;
	s18 =	sshll.u32 s16, $0x7;
	s16 =	sadd.s32 s3, s25  }
0x11: {  	s17 =	sadd.s32 s1, s26;
	s19 =	sadd.s32 s1, s6;
	[dreg:$0x6] =	wrdreg s9  }
0x12: {  	s23 =	smax.u32 s0, $0x1;
	s24 =	simm.s32 $0xEB00;
	[dreg:$0x7] =	wrdreg s7  }
0x13: {  	s25 =	simm.s32 $0x1;
	s0 =	simm.s32 $0x4;
	[dreg:$0x8] =	wrdreg s20  }
0x14: {  	[dreg:$0x9] =	wrdreg s21;
	s9 =	sadd.s32 s1, s22;
	s4 =	sor.u32 s18, s4  }
0x15: {  	s18 =	sadd.s32 s3, s26;
	s20 =	sadd.s32 s3, s6;
	s4 =	sand.u32 $0x670, s4  }
0x16: {  	s26 =	simm.s32 $0x3;
	s1 =	simm.s32 $0x2;
	s21 =	sadd.s32 s5, s4  }
0x17: {  	v0 =	vimm.f32 $0.0e+00;
	v1 =	vlaneseq.u32;
	v2 =	vimm.f32 $1.000000000e+00;
	s3 =	simm.s32 $0x5;
	s4 =	simm.s32 $0x0;
	s22 =	sadd.s32 $0x800, s21  }
.LBB2_1:
0x18: {  	[tilespmem:$0x1D600] =	vst v0  }
0x19: {  	[tilespmem:$0x1D800] =	vst v0  }
0x1a: {  	[tilespmem:$0x1D610] =	vst v0  }
0x1b: {  	[tilespmem:$0x1D810] =	vst v0  }
0x1c: {  	[tilespmem:$0x1D620] =	vst v0  }
0x1d: {  	[tilespmem:$0x1D820] =	vst v0  }
0x1e: {  	[tilespmem:$0x1D630] =	vst v0  }
0x1f: {  	[tilespmem:$0x1D830] =	vst v0  }
0x20: {  	[tilespmem:$0x1D640] =	vst v0  }
0x21: {  	[tilespmem:$0x1D840] =	vst v0  }
0x22: {  	[tilespmem:$0x1D650] =	vst v0  }
0x23: {  	[tilespmem:$0x1D850] =	vst v0  }
0x24: {  	[tilespmem:$0x1D660] =	vst v0  }
0x25: {  	[tilespmem:$0x1D860] =	vst v0  }
0x26: {  	[tilespmem:$0x1D670] =	vst v0  }
0x27: {  	[tilespmem:$0x1D870] =	vst v0  }
0x28: {  	[tilespmem:$0x1D680] =	vst v0  }
0x29: {  	[tilespmem:$0x1D880] =	vst v0  }
0x2a: {  	[tilespmem:$0x1D690] =	vst v0  }
0x2b: {  	[tilespmem:$0x1D890] =	vst v0  }
0x2c: {  	[tilespmem:$0x1D6A0] =	vst v0  }
0x2d: {  	[tilespmem:$0x1D8A0] =	vst v0  }
0x2e: {  	[tilespmem:$0x1D6B0] =	vst v0  }
0x2f: {  	[tilespmem:$0x1D8B0] =	vst v0  }
0x30: {  	[tilespmem:$0x1D6C0] =	vst v0  }
0x31: {  	[tilespmem:$0x1D8C0] =	vst v0  }
0x32: {  	[tilespmem:$0x1D6D0] =	vst v0  }
0x33: {  	[tilespmem:$0x1D8D0] =	vst v0  }
0x34: {  	[tilespmem:$0x1D6E0] =	vst v0  }
0x35: {  	[tilespmem:$0x1D8E0] =	vst v0  }
0x36: {  	[tilespmem:$0x1D6F0] =	vst v0  }
0x37: {  	[tilespmem:$0x1D8F0] =	vst v0  }
0x38: {  	[tilespmem:$0x1D700] =	vst v0  }
0x39: {  	[tilespmem:$0x1D900] =	vst v0  }
0x3a: {  	[tilespmem:$0x1D710] =	vst v0  }
0x3b: {  	[tilespmem:$0x1D910] =	vst v0  }
0x3c: {  	[tilespmem:$0x1D720] =	vst v0  }
0x3d: {  	[tilespmem:$0x1D920] =	vst v0  }
0x3e: {  	[tilespmem:$0x1D730] =	vst v0  }
0x3f: {  	[tilespmem:$0x1D930] =	vst v0  }
0x40: {  	[tilespmem:$0x1D740] =	vst v0  }
0x41: {  	[tilespmem:$0x1D940] =	vst v0  }
0x42: {  	[tilespmem:$0x1D750] =	vst v0  }
0x43: {  	[tilespmem:$0x1D950] =	vst v0  }
0x44: {  	[tilespmem:$0x1D760] =	vst v0  }
0x45: {  	[tilespmem:$0x1D960] =	vst v0  }
0x46: {  	[tilespmem:$0x1D770] =	vst v0  }
0x47: {  	[tilespmem:$0x1D970] =	vst v0  }
0x48: {  	[tilespmem:$0x1D780] =	vst v0  }
0x49: {  	[tilespmem:$0x1D980] =	vst v0  }
0x4a: {  	[tilespmem:$0x1D790] =	vst v0  }
0x4b: {  	[tilespmem:$0x1D990] =	vst v0  }
0x4c: {  	[tilespmem:$0x1D7A0] =	vst v0  }
0x4d: {  	[tilespmem:$0x1D9A0] =	vst v0  }
0x4e: {  	[tilespmem:$0x1D7B0] =	vst v0  }
0x4f: {  	[tilespmem:$0x1D9B0] =	vst v0  }
0x50: {  	[tilespmem:$0x1D7C0] =	vst v0  }
0x51: {  	[tilespmem:$0x1D9C0] =	vst v0  }
0x52: {  	[tilespmem:$0x1D7D0] =	vst v0  }
0x53: {  	[tilespmem:$0x1D9D0] =	vst v0  }
0x54: {  	[tilespmem:$0x1D7E0] =	vst v0  }
0x55: {  	[tilespmem:$0x1D9E0] =	vst v0  }
0x56: {  	[tilespmem:$0x1D7F0] =	vst v0  }
0x57: {  	[tilespmem:$0x1D9F0] =	vst v0;
	s5 =	rddreg [dreg:$0x4]  }
0x58: {  	[tilespmem:s2], [sflag:$0x1] =	stream.linear.gather [hbm4b:s5+s2], $0x7530, $0x38;
	[tilespmem:$0x1DA00] =	vst v63  }
0x59: {  	s6 =	rddreg [dreg:$0x5]  }
0x5a: {  	[tilespmem:s24], [sflag:$0x3] =	stream.linear.gather [hbm4b:s6+s2], $0x7530, $0x38;
	[tilespmem:$0x1DA00] =	vst v63  }
0x5b: {  	_ =	swait.ge [sflag:s25], $0x7530  }
0x5c: {  	[sflag:s25] =	ssyncset.done $0x0  }
0x5d: {  	[sflag:s25] =	ssyncadd.s32 $0xFFFF8AD0  }
0x5e: {  	_ =	swait.ge [sflag:s26], $0x7530  }
0x5f: {  	[sflag:s26] =	ssyncset.done $0x0  }
0x60: {  	s7 =	rddreg [dreg:$0x6];
	[sflag:s26] =	ssyncadd.s32 $0xFFFF8AD0  }
0x61: {  	[tilespmem:s28], [sflag:$0x2] =	stream.linear.gather [hbm4b:s7+s2], $0x7530, $0x38;
	[tilespmem:$0x1DA00] =	vst v63  }
0x62: {  	s6 =	simm.s32 $0x40;
	s8 =	rddreg [dreg:$0x7]  }
0x63: {  	[tilespmem:s29], [sflag:$0x4] =	stream.linear.gather [hbm4b:s8+s2], $0x7530, $0x38;
	[tilespmem:$0x1DA00] =	vst v63  }
0x64: {  	v10 =	vld [tilespmem:s6+$0x30]  }
0x65: {  	v7 =	vld [tilespmem:s6+$0xFFFFFFD0]  }
0x66: {  	v8 =	vld [tilespmem:s6+$0xFFFFFFE0]  }
0x67: {  	v6 =	vld [tilespmem:s6+$0xFFFFFFF0]  }
0x68: {  	v4 =	vld [tilespmem:s6+$0x0]  }
0x69: {  	v3 =	vld [tilespmem:s6+$0x10]  }
0x6a: {  	s5 =	simm.s32 $0xEB40;
	v5 =	vld [tilespmem:s6+$0x20]  }
0x6b: {  	v12 =	vld [tilespmem:s5+$0x30]  }
0x6c: {  	v22 =	vld [tilespmem:s5+$0xFFFFFFF0];
	v9 =	vmul.f32 $1.500000000e+01, v10;
	v11 =	vmul.f32 $1.500000000e+01, v7;
	vm0 =	vgt.f32 v7, $0.0e+00  }
0x6d: {  	v24 =	vld [tilespmem:s5+$0x10];
	v13 =	vmul.f32 $1.500000000e+01, v8;
	vm1 =	vgt.f32 v8, $0.0e+00;
	v15 =	vmul.f32 $1.500000000e+01, v6  }
0x6e: {  	v27 =	vld [tilespmem:s5+$0x20];
	vm2 =	vgt.f32 v6, $0.0e+00;
	v17 =	vmul.f32 $1.500000000e+01, v4;
	v19 =	vmul.f32 $1.500000000e+01, v3  }
0x6f: {  	vm3 =	vgt.f32 v4, $0.0e+00;
	v23 =	vmul.f32 $1.500000000e+01, v5;
	v14 =	vtrunc.f32 v9  }
0x70: {  	v12 =	vshll.u32 v12, $0x8;
	v11 =	vtrunc.f32 v11;
	v13 =	vtrunc.f32 v13  }
0x71: {  	vm4 =	vgt.f32 v10, $0.0e+00;
	v9 =	vld [tilespmem:s6+$0xFFFFFFC0];
	v14 =	vcvt.f32.s32 v14;
	v11 =	vcvt.f32.s32 v11  }
0x72: {  	v18 =	vld [tilespmem:s5+$0xFFFFFFD0];
	v22 =	vshll.u32 v22, $0x8;
	v34 =	vshll.u32 v24, $0x8;
	v13 =	vcvt.f32.s32 v13  }
0x73: {  	v20 =	vld [tilespmem:s5+$0xFFFFFFE0];
	v27 =	vshll.u32 v27, $0x8;
	v14 =	vshll.u32 v14, $0x4;
	v11 =	vshll.u32 v11, $0x4  }
0x74: {  	v16 =	vld [tilespmem:s5+$0xFFFFFFC0];
	v13 =	vshll.u32 v13, $0x4;
	v21 =	vor.u32 v1, v14;
	v14 =	vand.u32 $0xFFFFFF80, v14  }
0x75: {  	v26 =	vor.u32 v1, v11;
	v12 =	vor.u32 v12, v14;
	v14 =	vand.u32 $0x7F, v21  }
0x76: {  	v11 =	vand.u32 $0xFFFFFF80, v11;
	v21 =	vmul.f32 $1.500000000e+01, v9;
	v25 =	vor.u32 v14, v12  }
0x77: {  	v14 =	vtrunc.f32 v15;
	v15 =	vtrunc.f32 v17;
	v17 =	vshll.u32 v18, $0x8  }
0x78: {  	v18 =	vtrunc.f32 v19;
	v19 =	vshll.u32 v20, $0x8;
	v20 =	vtrunc.f32 v23  }
0x79: {  	v12 =	vshll.u32 v16, $0x8;
	v16 =	vtrunc.f32 v21;
	v14 =	vcvt.f32.s32 v14  }
0x7a: {  	v28 =	vor.u32 v1, v13;
	v15 =	vcvt.f32.s32 v15;
	v18 =	vcvt.f32.s32 v18  }
0x7b: {  	v13 =	vand.u32 $0xFFFFFF80, v13;
	v20 =	vcvt.f32.s32 v20;
	v16 =	vcvt.f32.s32 v16  }
0x7c: {  	v14 =	vshll.u32 v14, $0x4;
	v15 =	vshll.u32 v15, $0x4;
	v18 =	vshll.u32 v18, $0x4  }
0x7d: {  	v21 =	vld [tilespmem:s5+$0x0];
	v20 =	vshll.u32 v20, $0x4;
	v16 =	vshll.u32 v16, $0x4;
	v29 =	vor.u32 v1, v14  }
0x7e: {  	v30 =	vand.u32 $0xFFFFFF80, v14;
	v31 =	vor.u32 v1, v15;
	v32 =	vand.u32 $0xFFFFFF80, v15  }
0x7f: {  	v33 =	vor.u32 v1, v18;
	v15 =	vor.u32 v19, v13;
	v13 =	vor.u32 v1, v20  }
0x80: {  	v20 =	vand.u32 $0xFFFFFF80, v20;
	v23 =	vor.u32 v1, v16;
	v16 =	vand.u32 $0xFFFFFF80, v16  }
0x81: {  	v19 =	vand.u32 $0x7F, v29;
	v24 =	vand.u32 $0x7F, v31;
	v14 =	vor.u32 v12, v16  }
0x82: {  	v12 =	vor.u32 v17, v11;
	v11 =	vand.u32 $0xFFFFFF80, v18;
	v18 =	vshll.u32 v21, $0x8  }
0x83: {  	[tilespmem:v25+s30+$0x0] =	vst.idx.add.f32.msk vm4, v2;
	v16 =	vand.u32 $0x7F, v23;
	v21 =	vand.u32 $0x7F, v26;
	v23 =	vand.u32 $0x7F, v28  }
0x84: {  	v17 =	vor.u32 v22, v30;
	[tilespmem:v25+s31+$0x0] =	vst.idx.add.f32.msk vm4, v10;
	v25 =	vand.u32 $0x7F, v33;
	v22 =	vor.u32 v18, v32  }
0x85: {  	s7 =	simm.s32 $0xC0;
	s6 =	simm.s32 $0x0;
	v11 =	vor.u32 v34, v11;
	v18 =	vor.u32 v27, v20;
	v20 =	vand.u32 $0x7F, v13  }
.LBB2_2:
0x86: {  	v26 =	vld [tilespmem:s7+$0x30];
	v14 =	vor.u32 v16, v14;
	v16 =	vor.u32 v21, v12;
	v15 =	vor.u32 v23, v15  }
0x87: {  	s6 =	sadd.s32 $0x8, s6;
	v17 =	vor.u32 v19, v17;
	v12 =	vor.u32 v24, v22;
	v11 =	vor.u32 v25, v11;
	v21 =	vld [tilespmem:s7+$0xFFFFFFD0]  }
0x88: {  	vm10 =	vgt.f32 v9, $0.0e+00;
	vm5 =	vgt.f32 v3, $0.0e+00;
	v10 =	vor.u32 v20, v18;
	p0 =	slt.u32 s6, $0x748;
	v19 =	vld [tilespmem:s7+$0xFFFFFFE0]  }
0x89: {  	vm4 =	vgt.f32 v5, $0.0e+00;
	vm9 =	vmmov vm0;
	vm8 =	vmmov vm1;
	v18 =	vld [tilespmem:s7+$0xFFFFFFF0]  }
0x8a: {  	vm7 =	vmmov vm2;
	vm6 =	vmmov vm3;
	v20 =	vld [tilespmem:s7+$0x0]  }
0x8b: {  	s5 =	sadd.s32 $0x80, s5;
	v22 =	vld [tilespmem:s7+$0x10];
	v23 =	vmul.f32 $1.500000000e+01, v26  }
0x8c: {  	v24 =	vmul.f32 $1.500000000e+01, v21;
	vm0 =	vgt.f32 v21, $0.0e+00;
	v25 =	vld [tilespmem:s5+$0x30]  }
0x8d: {  	v27 =	vmul.f32 $1.500000000e+01, v19;
	vm1 =	vgt.f32 v19, $0.0e+00;
	v13 =	vld [tilespmem:s7+$0x20];
	v23 =	vtrunc.f32 v23  }
0x8e: {  	v28 =	vld [tilespmem:s7+$0xFFFFFFC0];
	v29 =	vmul.f32 $1.500000000e+01, v18;
	vm2 =	vgt.f32 v18, $0.0e+00;
	v23 =	vcvt.f32.s32 v23  }
0x8f: {  	v24 =	vtrunc.f32 v24;
	v30 =	vld [tilespmem:s5+$0xFFFFFFC0];
	v31 =	vmul.f32 $1.500000000e+01, v20;
	vm3 =	vgt.f32 v20, $0.0e+00  }
0x90: {  	v27 =	vtrunc.f32 v27;
	v32 =	vld [tilespmem:s5+$0xFFFFFFD0];
	v33 =	vmul.f32 $1.500000000e+01, v22;
	v23 =	vshll.u32 v23, $0x4  }
0x91: {  	v34 =	vld [tilespmem:s5+$0xFFFFFFE0];
	v25 =	vshll.u32 v25, $0x8;
	v35 =	vor.u32 v1, v23;
	v23 =	vand.u32 $0xFFFFFF80, v23  }
0x92: {  	vm11 =	vgt.f32 v26, $0.0e+00;
	v36 =	vld [tilespmem:s5+$0xFFFFFFF0];
	v23 =	vor.u32 v25, v23;
	v25 =	vand.u32 $0x7F, v35  }
0x93: {  	v38 =	vmul.f32 $1.500000000e+01, v13;
	v35 =	vmul.f32 $1.500000000e+01, v28;
	v37 =	vld [tilespmem:s5+$0x0];
	v23 =	vor.u32 v25, v23  }
0x94: {  	v29 =	vtrunc.f32 v29;
	v25 =	vshll.u32 v30, $0x8;
	v30 =	vtrunc.f32 v31;
	v31 =	vld [tilespmem:s5+$0x10]  }
0x95: {  	v33 =	vtrunc.f32 v33;
	v35 =	vtrunc.f32 v35;
	v32 =	vshll.u32 v32, $0x8;
	v39 =	vld [tilespmem:s5+$0x20]  }
0x96: {  	v38 =	vtrunc.f32 v38;
	v35 =	vcvt.f32.s32 v35;
	v34 =	vshll.u32 v34, $0x8;
	[tilespmem:v14+s30+$0x0] =	vst.idx.add.f32.msk vm10, v2  }
0x97: {  	v24 =	vcvt.f32.s32 v24;
	v27 =	vcvt.f32.s32 v27;
	v36 =	vshll.u32 v36, $0x8;
	[tilespmem:v14+s31+$0x0] =	vst.idx.add.f32.msk vm10, v9;
	v9 =	vmovc v28  }
0x98: {  	v28 =	vcvt.f32.s32 v29;
	v29 =	vcvt.f32.s32 v30;
	v14 =	vshll.u32 v35, $0x4;
	[tilespmem:v23+s30+$0x0] =	vst.idx.add.f32.msk vm11, v2  }
0x99: {  	s8 =	simm.s32 $0x0;
	v24 =	vshll.u32 v24, $0x4;
	v30 =	vcvt.f32.s32 v33;
	v33 =	vcvt.f32.s32 v38;
	[tilespmem:v23+s31+$0x0] =	vst.idx.add.f32.msk vm11, v26  }
0x9a: {  	v23 =	vshll.u32 v27, $0x4;
	v26 =	vshll.u32 v28, $0x4;
	v27 =	vshll.u32 v29, $0x4;
	[tilespmem:v16+s30+$0x0] =	vst.idx.add.f32.msk vm9, v2  }
0x9b: {  	v28 =	vor.u32 v1, v14;
	v29 =	vshll.u32 v30, $0x4;
	v30 =	vshll.u32 v33, $0x4;
	[tilespmem:v16+s31+$0x0] =	vst.idx.add.f32.msk vm9, v7;
	v7 =	vmovc v21  }
0x9c: {  	v14 =	vand.u32 $0xFFFFFF80, v14;
	v21 =	vor.u32 v1, v24;
	v24 =	vand.u32 $0xFFFFFF80, v24;
	[tilespmem:v15+s30+$0x0] =	vst.idx.add.f32.msk vm8, v2  }
0x9d: {  	v33 =	vor.u32 v1, v23;
	v23 =	vand.u32 $0xFFFFFF80, v23;
	v35 =	vor.u32 v1, v26;
	[tilespmem:v15+s31+$0x0] =	vst.idx.add.f32.msk vm8, v8  }
0x9e: {  	v26 =	vand.u32 $0xFFFFFF80, v26;
	v38 =	vor.u32 v1, v27;
	v27 =	vand.u32 $0xFFFFFF80, v27;
	v8 =	vmovc v19;
	[tilespmem:v17+s30+$0x0] =	vst.idx.add.f32.msk vm7, v2  }
0x9f: {  	v40 =	vor.u32 v1, v29;
	v29 =	vand.u32 $0xFFFFFF80, v29;
	v41 =	vor.u32 v1, v30;
	[tilespmem:v17+s31+$0x0] =	vst.idx.add.f32.msk vm7, v6  }
0xa0: {  	v37 =	vshll.u32 v37, $0x8;
	v31 =	vshll.u32 v31, $0x8;
	v30 =	vand.u32 $0xFFFFFF80, v30;
	v6 =	vmovc v18;
	[tilespmem:v12+s30+$0x0] =	vst.idx.add.f32.msk vm6, v2  }
.Ltmp0:
0xa1: {  	v14 =	vor.u32 v25, v14;
	v16 =	vand.u32 $0x7F, v28;
	v18 =	vshll.u32 v39, $0x8;
	[tilespmem:v12+s31+$0x0] =	vst.idx.add.f32.msk vm6, v4;
	v4 =	vmovc v20;
	(pc) =	sbr.rel @p0 .LBB2_2-.Ltmp0, $4  }
0xa2: {  	v21 =	vand.u32 $0x7F, v21;
	v15 =	vor.u32 v34, v23;
	v12 =	vor.u32 v32, v24;
	[tilespmem:v11+s30+$0x0] =	vst.idx.add.f32.msk vm5, v2  }
0xa3: {  	v23 =	vand.u32 $0x7F, v33;
	v19 =	vand.u32 $0x7F, v35;
	v17 =	vor.u32 v36, v26;
	[tilespmem:v11+s31+$0x0] =	vst.idx.add.f32.msk vm5, v3;
	v3 =	vmovc v22  }
0xa4: {  	v24 =	vand.u32 $0x7F, v38;
	v22 =	vor.u32 v37, v27;
	v11 =	vor.u32 v31, v29;
	[tilespmem:v10+s30+$0x0] =	vst.idx.add.f32.msk vm4, v2  }
0xa5: {  	s7 =	sadd.s32 $0x80, s7;
	v25 =	vand.u32 $0x7F, v40;
	v18 =	vor.u32 v18, v30;
	v20 =	vand.u32 $0x7F, v41;
	[tilespmem:v10+s31+$0x0] =	vst.idx.add.f32.msk vm4, v5;
	v5 =	vmovc v13  }
0xa6: {  	vm4 =	vgt.f32 v9, $0.0e+00  }
0xa7: {  	v10 =	vor.u32 v16, v14;
	vm0 =	vmmov vm0  }
0xa8: {  	v12 =	vor.u32 v21, v12;
	vm1 =	vmmov vm1  }
0xa9: {  	v13 =	vor.u32 v23, v15;
	vm2 =	vmmov vm2  }
0xaa: {  	v60 =	vor.u32 v19, v17;
	vm3 =	vmmov vm3  }
0xab: {  	v61 =	vor.u32 v24, v22;
	vm14 =	vgt.f32 v3, $0.0e+00  }
0xac: {  	v62 =	vor.u32 v25, v11;
	vm15 =	vgt.f32 v5, $0.0e+00;
	[tilespmem:v10+s30+$0x0] =	vst.idx.add.f32.msk vm4, v2  }
0xad: {  	v63 =	vor.u32 v20, v18;
	[tilespmem:v12+s30+$0x0] =	vst.idx.add.f32.msk vm0, v2  }
0xae: {  	[tilespmem:v13+s30+$0x0] =	vst.idx.add.f32.msk vm1, v2  }
0xaf: {  	[tilespmem:v60+s30+$0x0] =	vst.idx.add.f32.msk vm2, v2  }
0xb0: {  	[tilespmem:v61+s30+$0x0] =	vst.idx.add.f32.msk vm3, v2  }
0xb1: {  	[tilespmem:v62+s30+$0x0] =	vst.idx.add.f32.msk vm14, v2  }
0xb2: {  	[tilespmem:v63+s30+$0x0] =	vst.idx.add.f32.msk vm15, v2  }
0xb3: {  	[tilespmem:v10+s31+$0x0] =	vst.idx.add.f32.msk vm4, v9  }
0xb4: {  	[tilespmem:v12+s31+$0x0] =	vst.idx.add.f32.msk vm0, v7  }
0xb5: {  	[tilespmem:v13+s31+$0x0] =	vst.idx.add.f32.msk vm1, v8  }
0xb6: {  	[tilespmem:v60+s31+$0x0] =	vst.idx.add.f32.msk vm2, v6  }
0xb7: {  	[tilespmem:v61+s31+$0x0] =	vst.idx.add.f32.msk vm3, v4  }
0xb8: {  	[tilespmem:v62+s31+$0x0] =	vst.idx.add.f32.msk vm14, v3  }
0xb9: {  	[tilespmem:v63+s31+$0x0] =	vst.idx.add.f32.msk vm15, v5  }
.LBB2_4:
0xba: {  	s5 =	sshra.s32 s8, $0x2  }
0xbb: {  	v3 =	vld [tilespmem:s5+$0x7500];
	_ =	sdelay $0x4  }
0xbc: {  	v4 =	vmul.f32 $1.500000000e+01, v3  }
0xbd: {  	v5 =	vld [tilespmem:s5+$0x16000]  }
0xbe: {  	v4 =	vtrunc.f32 v4  }
0xbf: {  	v4 =	vcvt.f32.s32 v4;
	_ =	sdelay $0x1  }
0xc0: {  	v4 =	vshll.u32 v4, $0x4  }
0xc1: {  	v5 =	vshll.u32 v5, $0x8;
	v6 =	vor.u32 v1, v4;
	v4 =	vand.u32 $0xFFFFFF80, v4  }
0xc2: {  	vm0 =	vgt.f32 v3, $0.0e+00;
	v4 =	vor.u32 v5, v4;
	v63 =	vand.u32 $0x7F, v6  }
0xc3: {  	v4 =	vor.u32 v63, v4  }
0xc4: {  	p0 =	sne.s32 s8, $0x80  }
.Ltmp1:
0xc5: {  	_ = 	snop;
	(pc) =	sbr.rel @p0 .LBB2_4-.Ltmp1, $3  }
0xc6: {  	_ =	sdelay $0x1  }
0xc7: {  	[tilespmem:v4+s30+$0x0] =	vst.idx.add.f32.msk vm0, v2  }
0xc8: {  	s8 =	sadd.s32 $0x40, s8;
	[tilespmem:v4+s31+$0x0] =	vst.idx.add.f32.msk vm0, v3  }
0xc9: {  	_ =	swait.ge [sflag:s1], $0x7530  }
0xca: {  	[sflag:s1] =	ssyncset.done $0x0  }
0xcb: {  	[sflag:s1] =	ssyncadd.s32 $0xFFFF8AD0  }
0xcc: {  	_ =	swait.ge [sflag:s0], $0x7530  }
0xcd: {  	[sflag:s0] =	ssyncset.done $0x0  }
0xce: {  	s5 =	rddreg [dreg:$0x8];
	[sflag:s0] =	ssyncadd.s32 $0xFFFF8AD0  }
0xcf: {  	[tilespmem:s2], [sflag:$0x1] =	stream.linear.gather [hbm4b:s5+s2], $0x7530, $0x38;
	[tilespmem:$0x1DA00] =	vst v63  }
0xd0: {  	s6 =	simm.s32 $0x75C0;
	s8 =	rddreg [dreg:$0x9]  }
0xd1: {  	[tilespmem:s24], [sflag:$0x3] =	stream.linear.gather [hbm4b:s8+s2], $0x7530, $0x38;
	[tilespmem:$0x1DA00] =	vst v63  }
0xd2: {  	v10 =	vld [tilespmem:s6+$0x30]  }
0xd3: {  	v7 =	vld [tilespmem:s6+$0xFFFFFFD0]  }
0xd4: {  	v8 =	vld [tilespmem:s6+$0xFFFFFFE0]  }
0xd5: {  	v6 =	vld [tilespmem:s6+$0xFFFFFFF0]  }
0xd6: {  	v4 =	vld [tilespmem:s6+$0x0]  }
0xd7: {  	v3 =	vld [tilespmem:s6+$0x10]  }
0xd8: {  	s5 =	simm.s32 $0x160C0;
	v5 =	vld [tilespmem:s6+$0x20]  }
0xd9: {  	v12 =	vld [tilespmem:s5+$0x30]  }
0xda: {  	v22 =	vld [tilespmem:s5+$0xFFFFFFF0];
	v9 =	vmul.f32 $1.500000000e+01, v10;
	v11 =	vmul.f32 $1.500000000e+01, v7;
	vm0 =	vgt.f32 v7, $0.0e+00  }
0xdb: {  	v24 =	vld [tilespmem:s5+$0x10];
	v13 =	vmul.f32 $1.500000000e+01, v8;
	vm1 =	vgt.f32 v8, $0.0e+00;
	v15 =	vmul.f32 $1.500000000e+01, v6  }
0xdc: {  	v27 =	vld [tilespmem:s5+$0x20];
	vm2 =	vgt.f32 v6, $0.0e+00;
	v17 =	vmul.f32 $1.500000000e+01, v4;
	v19 =	vmul.f32 $1.500000000e+01, v3  }
0xdd: {  	vm3 =	vgt.f32 v4, $0.0e+00;
	v23 =	vmul.f32 $1.500000000e+01, v5;
	v14 =	vtrunc.f32 v9  }
0xde: {  	v12 =	vshll.u32 v12, $0x8;
	v11 =	vtrunc.f32 v11;
	v13 =	vtrunc.f32 v13  }
0xdf: {  	vm4 =	vgt.f32 v10, $0.0e+00;
	v9 =	vld [tilespmem:s6+$0xFFFFFFC0];
	v14 =	vcvt.f32.s32 v14;
	v11 =	vcvt.f32.s32 v11  }
0xe0: {  	v18 =	vld [tilespmem:s5+$0xFFFFFFD0];
	v22 =	vshll.u32 v22, $0x8;
	v34 =	vshll.u32 v24, $0x8;
	v13 =	vcvt.f32.s32 v13  }
0xe1: {  	v20 =	vld [tilespmem:s5+$0xFFFFFFE0];
	v27 =	vshll.u32 v27, $0x8;
	v14 =	vshll.u32 v14, $0x4;
	v11 =	vshll.u32 v11, $0x4  }
0xe2: {  	v16 =	vld [tilespmem:s5+$0xFFFFFFC0];
	v13 =	vshll.u32 v13, $0x4;
	v21 =	vor.u32 v1, v14;
	v14 =	vand.u32 $0xFFFFFF80, v14  }
0xe3: {  	v26 =	vor.u32 v1, v11;
	v12 =	vor.u32 v12, v14;
	v14 =	vand.u32 $0x7F, v21  }
0xe4: {  	v11 =	vand.u32 $0xFFFFFF80, v11;
	v21 =	vmul.f32 $1.500000000e+01, v9;
	v25 =	vor.u32 v14, v12  }
0xe5: {  	v14 =	vtrunc.f32 v15;
	v15 =	vtrunc.f32 v17;
	v17 =	vshll.u32 v18, $0x8  }
0xe6: {  	v18 =	vtrunc.f32 v19;
	v19 =	vshll.u32 v20, $0x8;
	v20 =	vtrunc.f32 v23  }
0xe7: {  	v12 =	vshll.u32 v16, $0x8;
	v16 =	vtrunc.f32 v21;
	v14 =	vcvt.f32.s32 v14  }
0xe8: {  	v28 =	vor.u32 v1, v13;
	v15 =	vcvt.f32.s32 v15;
	v18 =	vcvt.f32.s32 v18  }
0xe9: {  	v13 =	vand.u32 $0xFFFFFF80, v13;
	v20 =	vcvt.f32.s32 v20;
	v16 =	vcvt.f32.s32 v16  }
0xea: {  	v14 =	vshll.u32 v14, $0x4;
	v15 =	vshll.u32 v15, $0x4;
	v18 =	vshll.u32 v18, $0x4  }
0xeb: {  	v21 =	vld [tilespmem:s5+$0x0];
	v20 =	vshll.u32 v20, $0x4;
	v16 =	vshll.u32 v16, $0x4;
	v29 =	vor.u32 v1, v14  }
0xec: {  	v30 =	vand.u32 $0xFFFFFF80, v14;
	v31 =	vor.u32 v1, v15;
	v32 =	vand.u32 $0xFFFFFF80, v15  }
0xed: {  	v33 =	vor.u32 v1, v18;
	v15 =	vor.u32 v19, v13;
	v13 =	vor.u32 v1, v20  }
0xee: {  	v20 =	vand.u32 $0xFFFFFF80, v20;
	v23 =	vor.u32 v1, v16;
	v16 =	vand.u32 $0xFFFFFF80, v16  }
0xef: {  	v19 =	vand.u32 $0x7F, v29;
	v24 =	vand.u32 $0x7F, v31;
	v14 =	vor.u32 v12, v16  }
0xf0: {  	v12 =	vor.u32 v17, v11;
	v11 =	vand.u32 $0xFFFFFF80, v18;
	v18 =	vshll.u32 v21, $0x8  }
0xf1: {  	[tilespmem:v25+s30+$0x0] =	vst.idx.add.f32.msk vm4, v2;
	v16 =	vand.u32 $0x7F, v23;
	v21 =	vand.u32 $0x7F, v26;
	v23 =	vand.u32 $0x7F, v28  }
0xf2: {  	v17 =	vor.u32 v22, v30;
	[tilespmem:v25+s31+$0x0] =	vst.idx.add.f32.msk vm4, v10;
	v25 =	vand.u32 $0x7F, v33;
	v22 =	vor.u32 v18, v32  }
0xf3: {  	s7 =	simm.s32 $0x7640;
	s6 =	simm.s32 $0x0;
	v11 =	vor.u32 v34, v11;
	v18 =	vor.u32 v27, v20;
	v20 =	vand.u32 $0x7F, v13  }
.LBB2_6:
0xf4: {  	v26 =	vld [tilespmem:s7+$0x30];
	v14 =	vor.u32 v16, v14;
	v16 =	vor.u32 v21, v12;
	v15 =	vor.u32 v23, v15  }
0xf5: {  	s6 =	sadd.s32 $0x8, s6;
	v17 =	vor.u32 v19, v17;
	v12 =	vor.u32 v24, v22;
	v11 =	vor.u32 v25, v11;
	v21 =	vld [tilespmem:s7+$0xFFFFFFD0]  }
0xf6: {  	vm10 =	vgt.f32 v9, $0.0e+00;
	vm5 =	vgt.f32 v3, $0.0e+00;
	v10 =	vor.u32 v20, v18;
	p0 =	slt.u32 s6, $0x748;
	v19 =	vld [tilespmem:s7+$0xFFFFFFE0]  }
0xf7: {  	vm4 =	vgt.f32 v5, $0.0e+00;
	vm9 =	vmmov vm0;
	vm8 =	vmmov vm1;
	v18 =	vld [tilespmem:s7+$0xFFFFFFF0]  }
0xf8: {  	vm7 =	vmmov vm2;
	vm6 =	vmmov vm3;
	v20 =	vld [tilespmem:s7+$0x0]  }
0xf9: {  	s5 =	sadd.s32 $0x80, s5;
	v22 =	vld [tilespmem:s7+$0x10];
	v23 =	vmul.f32 $1.500000000e+01, v26  }
0xfa: {  	v24 =	vmul.f32 $1.500000000e+01, v21;
	vm0 =	vgt.f32 v21, $0.0e+00;
	v25 =	vld [tilespmem:s5+$0x30]  }
0xfb: {  	v27 =	vmul.f32 $1.500000000e+01, v19;
	vm1 =	vgt.f32 v19, $0.0e+00;
	v13 =	vld [tilespmem:s7+$0x20];
	v23 =	vtrunc.f32 v23  }
0xfc: {  	v28 =	vld [tilespmem:s7+$0xFFFFFFC0];
	v29 =	vmul.f32 $1.500000000e+01, v18;
	vm2 =	vgt.f32 v18, $0.0e+00;
	v23 =	vcvt.f32.s32 v23  }
0xfd: {  	v24 =	vtrunc.f32 v24;
	v30 =	vld [tilespmem:s5+$0xFFFFFFC0];
	v31 =	vmul.f32 $1.500000000e+01, v20;
	vm3 =	vgt.f32 v20, $0.0e+00  }
0xfe: {  	v27 =	vtrunc.f32 v27;
	v32 =	vld [tilespmem:s5+$0xFFFFFFD0];
	v33 =	vmul.f32 $1.500000000e+01, v22;
	v23 =	vshll.u32 v23, $0x4  }
0xff: {  	v34 =	vld [tilespmem:s5+$0xFFFFFFE0];
	v25 =	vshll.u32 v25, $0x8;
	v35 =	vor.u32 v1, v23;
	v23 =	vand.u32 $0xFFFFFF80, v23  }
0x100: {  	vm11 =	vgt.f32 v26, $0.0e+00;
	v36 =	vld [tilespmem:s5+$0xFFFFFFF0];
	v23 =	vor.u32 v25, v23;
	v25 =	vand.u32 $0x7F, v35  }
0x101: {  	v38 =	vmul.f32 $1.500000000e+01, v13;
	v35 =	vmul.f32 $1.500000000e+01, v28;
	v37 =	vld [tilespmem:s5+$0x0];
	v23 =	vor.u32 v25, v23  }
0x102: {  	v29 =	vtrunc.f32 v29;
	v25 =	vshll.u32 v30, $0x8;
	v30 =	vtrunc.f32 v31;
	v31 =	vld [tilespmem:s5+$0x10]  }
0x103: {  	v33 =	vtrunc.f32 v33;
	v35 =	vtrunc.f32 v35;
	v32 =	vshll.u32 v32, $0x8;
	v39 =	vld [tilespmem:s5+$0x20]  }
0x104: {  	v38 =	vtrunc.f32 v38;
	v35 =	vcvt.f32.s32 v35;
	v34 =	vshll.u32 v34, $0x8;
	[tilespmem:v14+s30+$0x0] =	vst.idx.add.f32.msk vm10, v2  }
0x105: {  	v24 =	vcvt.f32.s32 v24;
	v27 =	vcvt.f32.s32 v27;
	v36 =	vshll.u32 v36, $0x8;
	[tilespmem:v14+s31+$0x0] =	vst.idx.add.f32.msk vm10, v9;
	v9 =	vmovc v28  }
0x106: {  	v28 =	vcvt.f32.s32 v29;
	v29 =	vcvt.f32.s32 v30;
	v14 =	vshll.u32 v35, $0x4;
	[tilespmem:v23+s30+$0x0] =	vst.idx.add.f32.msk vm11, v2  }
0x107: {  	s8 =	simm.s32 $0x0;
	v24 =	vshll.u32 v24, $0x4;
	v30 =	vcvt.f32.s32 v33;
	v33 =	vcvt.f32.s32 v38;
	[tilespmem:v23+s31+$0x0] =	vst.idx.add.f32.msk vm11, v26  }
0x108: {  	v23 =	vshll.u32 v27, $0x4;
	v26 =	vshll.u32 v28, $0x4;
	v27 =	vshll.u32 v29, $0x4;
	[tilespmem:v16+s30+$0x0] =	vst.idx.add.f32.msk vm9, v2  }
0x109: {  	v28 =	vor.u32 v1, v14;
	v29 =	vshll.u32 v30, $0x4;
	v30 =	vshll.u32 v33, $0x4;
	[tilespmem:v16+s31+$0x0] =	vst.idx.add.f32.msk vm9, v7;
	v7 =	vmovc v21  }
0x10a: {  	v14 =	vand.u32 $0xFFFFFF80, v14;
	v21 =	vor.u32 v1, v24;
	v24 =	vand.u32 $0xFFFFFF80, v24;
	[tilespmem:v15+s30+$0x0] =	vst.idx.add.f32.msk vm8, v2  }
0x10b: {  	v33 =	vor.u32 v1, v23;
	v23 =	vand.u32 $0xFFFFFF80, v23;
	v35 =	vor.u32 v1, v26;
	[tilespmem:v15+s31+$0x0] =	vst.idx.add.f32.msk vm8, v8  }
0x10c: {  	v26 =	vand.u32 $0xFFFFFF80, v26;
	v38 =	vor.u32 v1, v27;
	v27 =	vand.u32 $0xFFFFFF80, v27;
	v8 =	vmovc v19;
	[tilespmem:v17+s30+$0x0] =	vst.idx.add.f32.msk vm7, v2  }
0x10d: {  	v40 =	vor.u32 v1, v29;
	v29 =	vand.u32 $0xFFFFFF80, v29;
	v41 =	vor.u32 v1, v30;
	[tilespmem:v17+s31+$0x0] =	vst.idx.add.f32.msk vm7, v6  }
0x10e: {  	v37 =	vshll.u32 v37, $0x8;
	v31 =	vshll.u32 v31, $0x8;
	v30 =	vand.u32 $0xFFFFFF80, v30;
	v6 =	vmovc v18;
	[tilespmem:v12+s30+$0x0] =	vst.idx.add.f32.msk vm6, v2  }
.Ltmp2:
0x10f: {  	v14 =	vor.u32 v25, v14;
	v16 =	vand.u32 $0x7F, v28;
	v18 =	vshll.u32 v39, $0x8;
	[tilespmem:v12+s31+$0x0] =	vst.idx.add.f32.msk vm6, v4;
	v4 =	vmovc v20;
	(pc) =	sbr.rel @p0 .LBB2_6-.Ltmp2, $4  }
0x110: {  	v21 =	vand.u32 $0x7F, v21;
	v15 =	vor.u32 v34, v23;
	v12 =	vor.u32 v32, v24;
	[tilespmem:v11+s30+$0x0] =	vst.idx.add.f32.msk vm5, v2  }
0x111: {  	v23 =	vand.u32 $0x7F, v33;
	v19 =	vand.u32 $0x7F, v35;
	v17 =	vor.u32 v36, v26;
	[tilespmem:v11+s31+$0x0] =	vst.idx.add.f32.msk vm5, v3;
	v3 =	vmovc v22  }
0x112: {  	v24 =	vand.u32 $0x7F, v38;
	v22 =	vor.u32 v37, v27;
	v11 =	vor.u32 v31, v29;
	[tilespmem:v10+s30+$0x0] =	vst.idx.add.f32.msk vm4, v2  }
0x113: {  	s7 =	sadd.s32 $0x80, s7;
	v25 =	vand.u32 $0x7F, v40;
	v18 =	vor.u32 v18, v30;
	v20 =	vand.u32 $0x7F, v41;
	[tilespmem:v10+s31+$0x0] =	vst.idx.add.f32.msk vm4, v5;
	v5 =	vmovc v13  }
0x114: {  	vm4 =	vgt.f32 v9, $0.0e+00  }
0x115: {  	v10 =	vor.u32 v16, v14;
	vm0 =	vmmov vm0  }
0x116: {  	v12 =	vor.u32 v21, v12;
	vm1 =	vmmov vm1  }
0x117: {  	v13 =	vor.u32 v23, v15;
	vm2 =	vmmov vm2  }
0x118: {  	v60 =	vor.u32 v19, v17;
	vm3 =	vmmov vm3  }
0x119: {  	v61 =	vor.u32 v24, v22;
	vm14 =	vgt.f32 v3, $0.0e+00  }
0x11a: {  	v62 =	vor.u32 v25, v11;
	vm15 =	vgt.f32 v5, $0.0e+00;
	[tilespmem:v10+s30+$0x0] =	vst.idx.add.f32.msk vm4, v2  }
0x11b: {  	v63 =	vor.u32 v20, v18;
	[tilespmem:v12+s30+$0x0] =	vst.idx.add.f32.msk vm0, v2  }
0x11c: {  	[tilespmem:v13+s30+$0x0] =	vst.idx.add.f32.msk vm1, v2  }
0x11d: {  	[tilespmem:v60+s30+$0x0] =	vst.idx.add.f32.msk vm2, v2  }
0x11e: {  	[tilespmem:v61+s30+$0x0] =	vst.idx.add.f32.msk vm3, v2  }
0x11f: {  	[tilespmem:v62+s30+$0x0] =	vst.idx.add.f32.msk vm14, v2  }
0x120: {  	[tilespmem:v63+s30+$0x0] =	vst.idx.add.f32.msk vm15, v2  }
0x121: {  	[tilespmem:v10+s31+$0x0] =	vst.idx.add.f32.msk vm4, v9  }
0x122: {  	[tilespmem:v12+s31+$0x0] =	vst.idx.add.f32.msk vm0, v7  }
0x123: {  	[tilespmem:v13+s31+$0x0] =	vst.idx.add.f32.msk vm1, v8  }
0x124: {  	[tilespmem:v60+s31+$0x0] =	vst.idx.add.f32.msk vm2, v6  }
0x125: {  	[tilespmem:v61+s31+$0x0] =	vst.idx.add.f32.msk vm3, v4  }
0x126: {  	[tilespmem:v62+s31+$0x0] =	vst.idx.add.f32.msk vm14, v3  }
0x127: {  	[tilespmem:v63+s31+$0x0] =	vst.idx.add.f32.msk vm15, v5  }
.LBB2_8:
0x128: {  	s5 =	sshra.s32 s8, $0x2  }
0x129: {  	v3 =	vld [tilespmem:s5+$0xEA80];
	_ =	sdelay $0x4  }
0x12a: {  	v4 =	vmul.f32 $1.500000000e+01, v3  }
0x12b: {  	v5 =	vld [tilespmem:s5+$0x1D580]  }
0x12c: {  	v4 =	vtrunc.f32 v4  }
0x12d: {  	v4 =	vcvt.f32.s32 v4;
	_ =	sdelay $0x1  }
0x12e: {  	v4 =	vshll.u32 v4, $0x4  }
0x12f: {  	v5 =	vshll.u32 v5, $0x8;
	v6 =	vor.u32 v1, v4;
	v4 =	vand.u32 $0xFFFFFF80, v4  }
0x130: {  	vm0 =	vgt.f32 v3, $0.0e+00;
	v4 =	vor.u32 v5, v4;
	v63 =	vand.u32 $0x7F, v6  }
0x131: {  	v4 =	vor.u32 v63, v4  }
0x132: {  	p0 =	sne.s32 s8, $0x80  }
.Ltmp3:
0x133: {  	_ = 	snop;
	(pc) =	sbr.rel @p0 .LBB2_8-.Ltmp3, $3  }
0x134: {  	_ =	sdelay $0x1  }
0x135: {  	[tilespmem:v4+s30+$0x0] =	vst.idx.add.f32.msk vm0, v2  }
0x136: {  	s8 =	sadd.s32 $0x40, s8;
	[tilespmem:v4+s31+$0x0] =	vst.idx.add.f32.msk vm0, v3  }
0x137: {  	_ =	swait.ge [sflag:s25], $0x7530  }
0x138: {  	[sflag:s25] =	ssyncset.done $0x0  }
0x139: {  	[sflag:s25] =	ssyncadd.s32 $0xFFFF8AD0  }
0x13a: {  	_ =	swait.ge [sflag:s26], $0x7530  }
0x13b: {  	[sflag:s26] =	ssyncset.done $0x0  }
0x13c: {  	[sflag:s26] =	ssyncadd.s32 $0xFFFF8AD0  }
0x13d: {  	[tilespmem:s28], [sflag:$0x2] =	stream.linear.gather [hbm4b:s9+s2], $0x7530, $0x38;
	[tilespmem:$0x1DA00] =	vst v63  }
0x13e: {  	s6 =	simm.s32 $0x40  }
0x13f: {  	[tilespmem:s29], [sflag:$0x4] =	stream.linear.gather [hbm4b:s10+s2], $0x7530, $0x38;
	[tilespmem:$0x1DA00] =	vst v63  }
0x140: {  	v10 =	vld [tilespmem:s6+$0x30]  }
0x141: {  	v7 =	vld [tilespmem:s6+$0xFFFFFFD0]  }
0x142: {  	v8 =	vld [tilespmem:s6+$0xFFFFFFE0]  }
0x143: {  	v6 =	vld [tilespmem:s6+$0xFFFFFFF0]  }
0x144: {  	v4 =	vld [tilespmem:s6+$0x0]  }
0x145: {  	v3 =	vld [tilespmem:s6+$0x10]  }
0x146: {  	s5 =	simm.s32 $0xEB40;
	v5 =	vld [tilespmem:s6+$0x20]  }
0x147: {  	v12 =	vld [tilespmem:s5+$0x30]  }
0x148: {  	v22 =	vld [tilespmem:s5+$0xFFFFFFF0];
	v9 =	vmul.f32 $1.500000000e+01, v10;
	v11 =	vmul.f32 $1.500000000e+01, v7;
	vm0 =	vgt.f32 v7, $0.0e+00  }
0x149: {  	v24 =	vld [tilespmem:s5+$0x10];
	v13 =	vmul.f32 $1.500000000e+01, v8;
	vm1 =	vgt.f32 v8, $0.0e+00;
	v15 =	vmul.f32 $1.500000000e+01, v6  }
0x14a: {  	v27 =	vld [tilespmem:s5+$0x20];
	vm2 =	vgt.f32 v6, $0.0e+00;
	v17 =	vmul.f32 $1.500000000e+01, v4;
	v19 =	vmul.f32 $1.500000000e+01, v3  }
0x14b: {  	vm3 =	vgt.f32 v4, $0.0e+00;
	v23 =	vmul.f32 $1.500000000e+01, v5;
	v14 =	vtrunc.f32 v9  }
0x14c: {  	v12 =	vshll.u32 v12, $0x8;
	v11 =	vtrunc.f32 v11;
	v13 =	vtrunc.f32 v13  }
0x14d: {  	vm4 =	vgt.f32 v10, $0.0e+00;
	v9 =	vld [tilespmem:s6+$0xFFFFFFC0];
	v14 =	vcvt.f32.s32 v14;
	v11 =	vcvt.f32.s32 v11  }
0x14e: {  	v18 =	vld [tilespmem:s5+$0xFFFFFFD0];
	v22 =	vshll.u32 v22, $0x8;
	v34 =	vshll.u32 v24, $0x8;
	v13 =	vcvt.f32.s32 v13  }
0x14f: {  	v20 =	vld [tilespmem:s5+$0xFFFFFFE0];
	v27 =	vshll.u32 v27, $0x8;
	v14 =	vshll.u32 v14, $0x4;
	v11 =	vshll.u32 v11, $0x4  }
0x150: {  	v16 =	vld [tilespmem:s5+$0xFFFFFFC0];
	v13 =	vshll.u32 v13, $0x4;
	v21 =	vor.u32 v1, v14;
	v14 =	vand.u32 $0xFFFFFF80, v14  }
0x151: {  	v26 =	vor.u32 v1, v11;
	v12 =	vor.u32 v12, v14;
	v14 =	vand.u32 $0x7F, v21  }
0x152: {  	v11 =	vand.u32 $0xFFFFFF80, v11;
	v21 =	vmul.f32 $1.500000000e+01, v9;
	v25 =	vor.u32 v14, v12  }
0x153: {  	v14 =	vtrunc.f32 v15;
	v15 =	vtrunc.f32 v17;
	v17 =	vshll.u32 v18, $0x8  }
0x154: {  	v18 =	vtrunc.f32 v19;
	v19 =	vshll.u32 v20, $0x8;
	v20 =	vtrunc.f32 v23  }
0x155: {  	v12 =	vshll.u32 v16, $0x8;
	v16 =	vtrunc.f32 v21;
	v14 =	vcvt.f32.s32 v14  }
0x156: {  	v28 =	vor.u32 v1, v13;
	v15 =	vcvt.f32.s32 v15;
	v18 =	vcvt.f32.s32 v18  }
0x157: {  	v13 =	vand.u32 $0xFFFFFF80, v13;
	v20 =	vcvt.f32.s32 v20;
	v16 =	vcvt.f32.s32 v16  }
0x158: {  	v14 =	vshll.u32 v14, $0x4;
	v15 =	vshll.u32 v15, $0x4;
	v18 =	vshll.u32 v18, $0x4  }
0x159: {  	v21 =	vld [tilespmem:s5+$0x0];
	v20 =	vshll.u32 v20, $0x4;
	v16 =	vshll.u32 v16, $0x4;
	v29 =	vor.u32 v1, v14  }
0x15a: {  	v30 =	vand.u32 $0xFFFFFF80, v14;
	v31 =	vor.u32 v1, v15;
	v32 =	vand.u32 $0xFFFFFF80, v15  }
0x15b: {  	v33 =	vor.u32 v1, v18;
	v15 =	vor.u32 v19, v13;
	v13 =	vor.u32 v1, v20  }
0x15c: {  	v20 =	vand.u32 $0xFFFFFF80, v20;
	v23 =	vor.u32 v1, v16;
	v16 =	vand.u32 $0xFFFFFF80, v16  }
0x15d: {  	v19 =	vand.u32 $0x7F, v29;
	v24 =	vand.u32 $0x7F, v31;
	v14 =	vor.u32 v12, v16  }
0x15e: {  	v12 =	vor.u32 v17, v11;
	v11 =	vand.u32 $0xFFFFFF80, v18;
	v18 =	vshll.u32 v21, $0x8  }
0x15f: {  	[tilespmem:v25+s30+$0x0] =	vst.idx.add.f32.msk vm4, v2;
	v16 =	vand.u32 $0x7F, v23;
	v21 =	vand.u32 $0x7F, v26;
	v23 =	vand.u32 $0x7F, v28  }
0x160: {  	v17 =	vor.u32 v22, v30;
	[tilespmem:v25+s31+$0x0] =	vst.idx.add.f32.msk vm4, v10;
	v25 =	vand.u32 $0x7F, v33;
	v22 =	vor.u32 v18, v32  }
0x161: {  	s7 =	simm.s32 $0xC0;
	s6 =	simm.s32 $0x0;
	v11 =	vor.u32 v34, v11;
	v18 =	vor.u32 v27, v20;
	v20 =	vand.u32 $0x7F, v13  }
.LBB2_10:
0x162: {  	v26 =	vld [tilespmem:s7+$0x30];
	v14 =	vor.u32 v16, v14;
	v16 =	vor.u32 v21, v12;
	v15 =	vor.u32 v23, v15  }
0x163: {  	s6 =	sadd.s32 $0x8, s6;
	v17 =	vor.u32 v19, v17;
	v12 =	vor.u32 v24, v22;
	v11 =	vor.u32 v25, v11;
	v21 =	vld [tilespmem:s7+$0xFFFFFFD0]  }
0x164: {  	vm10 =	vgt.f32 v9, $0.0e+00;
	vm5 =	vgt.f32 v3, $0.0e+00;
	v10 =	vor.u32 v20, v18;
	p0 =	slt.u32 s6, $0x748;
	v19 =	vld [tilespmem:s7+$0xFFFFFFE0]  }
0x165: {  	vm4 =	vgt.f32 v5, $0.0e+00;
	vm9 =	vmmov vm0;
	vm8 =	vmmov vm1;
	v18 =	vld [tilespmem:s7+$0xFFFFFFF0]  }
0x166: {  	vm7 =	vmmov vm2;
	vm6 =	vmmov vm3;
	v20 =	vld [tilespmem:s7+$0x0]  }
0x167: {  	s5 =	sadd.s32 $0x80, s5;
	v22 =	vld [tilespmem:s7+$0x10];
	v23 =	vmul.f32 $1.500000000e+01, v26  }
0x168: {  	v24 =	vmul.f32 $1.500000000e+01, v21;
	vm0 =	vgt.f32 v21, $0.0e+00;
	v25 =	vld [tilespmem:s5+$0x30]  }
0x169: {  	v27 =	vmul.f32 $1.500000000e+01, v19;
	vm1 =	vgt.f32 v19, $0.0e+00;
	v13 =	vld [tilespmem:s7+$0x20];
	v23 =	vtrunc.f32 v23  }
0x16a: {  	v28 =	vld [tilespmem:s7+$0xFFFFFFC0];
	v29 =	vmul.f32 $1.500000000e+01, v18;
	vm2 =	vgt.f32 v18, $0.0e+00;
	v23 =	vcvt.f32.s32 v23  }
0x16b: {  	v24 =	vtrunc.f32 v24;
	v30 =	vld [tilespmem:s5+$0xFFFFFFC0];
	v31 =	vmul.f32 $1.500000000e+01, v20;
	vm3 =	vgt.f32 v20, $0.0e+00  }
0x16c: {  	v27 =	vtrunc.f32 v27;
	v32 =	vld [tilespmem:s5+$0xFFFFFFD0];
	v33 =	vmul.f32 $1.500000000e+01, v22;
	v23 =	vshll.u32 v23, $0x4  }
0x16d: {  	v34 =	vld [tilespmem:s5+$0xFFFFFFE0];
	v25 =	vshll.u32 v25, $0x8;
	v35 =	vor.u32 v1, v23;
	v23 =	vand.u32 $0xFFFFFF80, v23  }
0x16e: {  	vm11 =	vgt.f32 v26, $0.0e+00;
	v36 =	vld [tilespmem:s5+$0xFFFFFFF0];
	v23 =	vor.u32 v25, v23;
	v25 =	vand.u32 $0x7F, v35  }
0x16f: {  	v38 =	vmul.f32 $1.500000000e+01, v13;
	v35 =	vmul.f32 $1.500000000e+01, v28;
	v37 =	vld [tilespmem:s5+$0x0];
	v23 =	vor.u32 v25, v23  }
0x170: {  	v29 =	vtrunc.f32 v29;
	v25 =	vshll.u32 v30, $0x8;
	v30 =	vtrunc.f32 v31;
	v31 =	vld [tilespmem:s5+$0x10]  }
0x171: {  	v33 =	vtrunc.f32 v33;
	v35 =	vtrunc.f32 v35;
	v32 =	vshll.u32 v32, $0x8;
	v39 =	vld [tilespmem:s5+$0x20]  }
0x172: {  	v38 =	vtrunc.f32 v38;
	v35 =	vcvt.f32.s32 v35;
	v34 =	vshll.u32 v34, $0x8;
	[tilespmem:v14+s30+$0x0] =	vst.idx.add.f32.msk vm10, v2  }
0x173: {  	v24 =	vcvt.f32.s32 v24;
	v27 =	vcvt.f32.s32 v27;
	v36 =	vshll.u32 v36, $0x8;
	[tilespmem:v14+s31+$0x0] =	vst.idx.add.f32.msk vm10, v9;
	v9 =	vmovc v28  }
0x174: {  	v28 =	vcvt.f32.s32 v29;
	v29 =	vcvt.f32.s32 v30;
	v14 =	vshll.u32 v35, $0x4;
	[tilespmem:v23+s30+$0x0] =	vst.idx.add.f32.msk vm11, v2  }
0x175: {  	s8 =	simm.s32 $0x0;
	v24 =	vshll.u32 v24, $0x4;
	v30 =	vcvt.f32.s32 v33;
	v33 =	vcvt.f32.s32 v38;
	[tilespmem:v23+s31+$0x0] =	vst.idx.add.f32.msk vm11, v26  }
0x176: {  	v23 =	vshll.u32 v27, $0x4;
	v26 =	vshll.u32 v28, $0x4;
	v27 =	vshll.u32 v29, $0x4;
	[tilespmem:v16+s30+$0x0] =	vst.idx.add.f32.msk vm9, v2  }
0x177: {  	v28 =	vor.u32 v1, v14;
	v29 =	vshll.u32 v30, $0x4;
	v30 =	vshll.u32 v33, $0x4;
	[tilespmem:v16+s31+$0x0] =	vst.idx.add.f32.msk vm9, v7;
	v7 =	vmovc v21  }
0x178: {  	v14 =	vand.u32 $0xFFFFFF80, v14;
	v21 =	vor.u32 v1, v24;
	v24 =	vand.u32 $0xFFFFFF80, v24;
	[tilespmem:v15+s30+$0x0] =	vst.idx.add.f32.msk vm8, v2  }
0x179: {  	v33 =	vor.u32 v1, v23;
	v23 =	vand.u32 $0xFFFFFF80, v23;
	v35 =	vor.u32 v1, v26;
	[tilespmem:v15+s31+$0x0] =	vst.idx.add.f32.msk vm8, v8  }
0x17a: {  	v26 =	vand.u32 $0xFFFFFF80, v26;
	v38 =	vor.u32 v1, v27;
	v27 =	vand.u32 $0xFFFFFF80, v27;
	v8 =	vmovc v19;
	[tilespmem:v17+s30+$0x0] =	vst.idx.add.f32.msk vm7, v2  }
0x17b: {  	v40 =	vor.u32 v1, v29;
	v29 =	vand.u32 $0xFFFFFF80, v29;
	v41 =	vor.u32 v1, v30;
	[tilespmem:v17+s31+$0x0] =	vst.idx.add.f32.msk vm7, v6  }
0x17c: {  	v37 =	vshll.u32 v37, $0x8;
	v31 =	vshll.u32 v31, $0x8;
	v30 =	vand.u32 $0xFFFFFF80, v30;
	v6 =	vmovc v18;
	[tilespmem:v12+s30+$0x0] =	vst.idx.add.f32.msk vm6, v2  }
.Ltmp4:
0x17d: {  	v14 =	vor.u32 v25, v14;
	v16 =	vand.u32 $0x7F, v28;
	v18 =	vshll.u32 v39, $0x8;
	[tilespmem:v12+s31+$0x0] =	vst.idx.add.f32.msk vm6, v4;
	v4 =	vmovc v20;
	(pc) =	sbr.rel @p0 .LBB2_10-.Ltmp4, $4  }
0x17e: {  	v21 =	vand.u32 $0x7F, v21;
	v15 =	vor.u32 v34, v23;
	v12 =	vor.u32 v32, v24;
	[tilespmem:v11+s30+$0x0] =	vst.idx.add.f32.msk vm5, v2  }
0x17f: {  	v23 =	vand.u32 $0x7F, v33;
	v19 =	vand.u32 $0x7F, v35;
	v17 =	vor.u32 v36, v26;
	[tilespmem:v11+s31+$0x0] =	vst.idx.add.f32.msk vm5, v3;
	v3 =	vmovc v22  }
0x180: {  	v24 =	vand.u32 $0x7F, v38;
	v22 =	vor.u32 v37, v27;
	v11 =	vor.u32 v31, v29;
	[tilespmem:v10+s30+$0x0] =	vst.idx.add.f32.msk vm4, v2  }
0x181: {  	s7 =	sadd.s32 $0x80, s7;
	v25 =	vand.u32 $0x7F, v40;
	v18 =	vor.u32 v18, v30;
	v20 =	vand.u32 $0x7F, v41;
	[tilespmem:v10+s31+$0x0] =	vst.idx.add.f32.msk vm4, v5;
	v5 =	vmovc v13  }
0x182: {  	vm4 =	vgt.f32 v9, $0.0e+00  }
0x183: {  	v10 =	vor.u32 v16, v14;
	vm0 =	vmmov vm0  }
0x184: {  	v12 =	vor.u32 v21, v12;
	vm1 =	vmmov vm1  }
0x185: {  	v13 =	vor.u32 v23, v15;
	vm2 =	vmmov vm2  }
0x186: {  	v60 =	vor.u32 v19, v17;
	vm3 =	vmmov vm3  }
0x187: {  	v61 =	vor.u32 v24, v22;
	vm14 =	vgt.f32 v3, $0.0e+00  }
0x188: {  	v62 =	vor.u32 v25, v11;
	vm15 =	vgt.f32 v5, $0.0e+00;
	[tilespmem:v10+s30+$0x0] =	vst.idx.add.f32.msk vm4, v2  }
0x189: {  	v63 =	vor.u32 v20, v18;
	[tilespmem:v12+s30+$0x0] =	vst.idx.add.f32.msk vm0, v2  }
0x18a: {  	[tilespmem:v13+s30+$0x0] =	vst.idx.add.f32.msk vm1, v2  }
0x18b: {  	[tilespmem:v60+s30+$0x0] =	vst.idx.add.f32.msk vm2, v2  }
0x18c: {  	[tilespmem:v61+s30+$0x0] =	vst.idx.add.f32.msk vm3, v2  }
0x18d: {  	[tilespmem:v62+s30+$0x0] =	vst.idx.add.f32.msk vm14, v2  }
0x18e: {  	[tilespmem:v63+s30+$0x0] =	vst.idx.add.f32.msk vm15, v2  }
0x18f: {  	[tilespmem:v10+s31+$0x0] =	vst.idx.add.f32.msk vm4, v9  }
0x190: {  	[tilespmem:v12+s31+$0x0] =	vst.idx.add.f32.msk vm0, v7  }
0x191: {  	[tilespmem:v13+s31+$0x0] =	vst.idx.add.f32.msk vm1, v8  }
0x192: {  	[tilespmem:v60+s31+$0x0] =	vst.idx.add.f32.msk vm2, v6  }
0x193: {  	[tilespmem:v61+s31+$0x0] =	vst.idx.add.f32.msk vm3, v4  }
0x194: {  	[tilespmem:v62+s31+$0x0] =	vst.idx.add.f32.msk vm14, v3  }
0x195: {  	[tilespmem:v63+s31+$0x0] =	vst.idx.add.f32.msk vm15, v5  }
.LBB2_12:
0x196: {  	s5 =	sshra.s32 s8, $0x2  }
0x197: {  	v3 =	vld [tilespmem:s5+$0x7500];
	_ =	sdelay $0x4  }
0x198: {  	v4 =	vmul.f32 $1.500000000e+01, v3  }
0x199: {  	v5 =	vld [tilespmem:s5+$0x16000]  }
0x19a: {  	v4 =	vtrunc.f32 v4  }
0x19b: {  	v4 =	vcvt.f32.s32 v4;
	_ =	sdelay $0x1  }
0x19c: {  	v4 =	vshll.u32 v4, $0x4  }
0x19d: {  	v5 =	vshll.u32 v5, $0x8;
	v6 =	vor.u32 v1, v4;
	v4 =	vand.u32 $0xFFFFFF80, v4  }
0x19e: {  	vm0 =	vgt.f32 v3, $0.0e+00;
	v4 =	vor.u32 v5, v4;
	v63 =	vand.u32 $0x7F, v6  }
0x19f: {  	v4 =	vor.u32 v63, v4  }
0x1a0: {  	p0 =	sne.s32 s8, $0x80  }
.Ltmp5:
0x1a1: {  	_ = 	snop;
	(pc) =	sbr.rel @p0 .LBB2_12-.Ltmp5, $3  }
0x1a2: {  	_ =	sdelay $0x1  }
0x1a3: {  	[tilespmem:v4+s30+$0x0] =	vst.idx.add.f32.msk vm0, v2  }
0x1a4: {  	s8 =	sadd.s32 $0x40, s8;
	[tilespmem:v4+s31+$0x0] =	vst.idx.add.f32.msk vm0, v3  }
0x1a5: {  	_ =	swait.ge [sflag:s1], $0x7530  }
0x1a6: {  	[sflag:s1] =	ssyncset.done $0x0  }
0x1a7: {  	[sflag:s1] =	ssyncadd.s32 $0xFFFF8AD0  }
0x1a8: {  	_ =	swait.ge [sflag:s0], $0x7530  }
0x1a9: {  	[sflag:s0] =	ssyncset.done $0x0  }
0x1aa: {  	[sflag:s0] =	ssyncadd.s32 $0xFFFF8AD0  }
0x1ab: {  	[tilespmem:s2], [sflag:$0x1] =	stream.linear.gather [hbm4b:s11+s2], $0x7530, $0x38;
	[tilespmem:$0x1DA00] =	vst v63  }
0x1ac: {  	s6 =	simm.s32 $0x75C0  }
0x1ad: {  	[tilespmem:s24], [sflag:$0x3] =	stream.linear.gather [hbm4b:s12+s2], $0x7530, $0x38;
	[tilespmem:$0x1DA00] =	vst v63  }
0x1ae: {  	v10 =	vld [tilespmem:s6+$0x30]  }
0x1af: {  	v7 =	vld [tilespmem:s6+$0xFFFFFFD0]  }
0x1b0: {  	v8 =	vld [tilespmem:s6+$0xFFFFFFE0]  }
0x1b1: {  	v6 =	vld [tilespmem:s6+$0xFFFFFFF0]  }
0x1b2: {  	v4 =	vld [tilespmem:s6+$0x0]  }
0x1b3: {  	v3 =	vld [tilespmem:s6+$0x10]  }
0x1b4: {  	s5 =	simm.s32 $0x160C0;
	v5 =	vld [tilespmem:s6+$0x20]  }
0x1b5: {  	v12 =	vld [tilespmem:s5+$0x30]  }
0x1b6: {  	v22 =	vld [tilespmem:s5+$0xFFFFFFF0];
	v9 =	vmul.f32 $1.500000000e+01, v10;
	v11 =	vmul.f32 $1.500000000e+01, v7;
	vm0 =	vgt.f32 v7, $0.0e+00  }
0x1b7: {  	v24 =	vld [tilespmem:s5+$0x10];
	v13 =	vmul.f32 $1.500000000e+01, v8;
	vm1 =	vgt.f32 v8, $0.0e+00;
	v15 =	vmul.f32 $1.500000000e+01, v6  }
0x1b8: {  	v27 =	vld [tilespmem:s5+$0x20];
	vm2 =	vgt.f32 v6, $0.0e+00;
	v17 =	vmul.f32 $1.500000000e+01, v4;
	v19 =	vmul.f32 $1.500000000e+01, v3  }
0x1b9: {  	vm3 =	vgt.f32 v4, $0.0e+00;
	v23 =	vmul.f32 $1.500000000e+01, v5;
	v14 =	vtrunc.f32 v9  }
0x1ba: {  	v12 =	vshll.u32 v12, $0x8;
	v11 =	vtrunc.f32 v11;
	v13 =	vtrunc.f32 v13  }
0x1bb: {  	vm4 =	vgt.f32 v10, $0.0e+00;
	v9 =	vld [tilespmem:s6+$0xFFFFFFC0];
	v14 =	vcvt.f32.s32 v14;
	v11 =	vcvt.f32.s32 v11  }
0x1bc: {  	v18 =	vld [tilespmem:s5+$0xFFFFFFD0];
	v22 =	vshll.u32 v22, $0x8;
	v34 =	vshll.u32 v24, $0x8;
	v13 =	vcvt.f32.s32 v13  }
0x1bd: {  	v20 =	vld [tilespmem:s5+$0xFFFFFFE0];
	v27 =	vshll.u32 v27, $0x8;
	v14 =	vshll.u32 v14, $0x4;
	v11 =	vshll.u32 v11, $0x4  }
0x1be: {  	v16 =	vld [tilespmem:s5+$0xFFFFFFC0];
	v13 =	vshll.u32 v13, $0x4;
	v21 =	vor.u32 v1, v14;
	v14 =	vand.u32 $0xFFFFFF80, v14  }
0x1bf: {  	v26 =	vor.u32 v1, v11;
	v12 =	vor.u32 v12, v14;
	v14 =	vand.u32 $0x7F, v21  }
0x1c0: {  	v11 =	vand.u32 $0xFFFFFF80, v11;
	v21 =	vmul.f32 $1.500000000e+01, v9;
	v25 =	vor.u32 v14, v12  }
0x1c1: {  	v14 =	vtrunc.f32 v15;
	v15 =	vtrunc.f32 v17;
	v17 =	vshll.u32 v18, $0x8  }
0x1c2: {  	v18 =	vtrunc.f32 v19;
	v19 =	vshll.u32 v20, $0x8;
	v20 =	vtrunc.f32 v23  }
0x1c3: {  	v12 =	vshll.u32 v16, $0x8;
	v16 =	vtrunc.f32 v21;
	v14 =	vcvt.f32.s32 v14  }
0x1c4: {  	v28 =	vor.u32 v1, v13;
	v15 =	vcvt.f32.s32 v15;
	v18 =	vcvt.f32.s32 v18  }
0x1c5: {  	v13 =	vand.u32 $0xFFFFFF80, v13;
	v20 =	vcvt.f32.s32 v20;
	v16 =	vcvt.f32.s32 v16  }
0x1c6: {  	v14 =	vshll.u32 v14, $0x4;
	v15 =	vshll.u32 v15, $0x4;
	v18 =	vshll.u32 v18, $0x4  }
0x1c7: {  	v21 =	vld [tilespmem:s5+$0x0];
	v20 =	vshll.u32 v20, $0x4;
	v16 =	vshll.u32 v16, $0x4;
	v29 =	vor.u32 v1, v14  }
0x1c8: {  	v30 =	vand.u32 $0xFFFFFF80, v14;
	v31 =	vor.u32 v1, v15;
	v32 =	vand.u32 $0xFFFFFF80, v15  }
0x1c9: {  	v33 =	vor.u32 v1, v18;
	v15 =	vor.u32 v19, v13;
	v13 =	vor.u32 v1, v20  }
0x1ca: {  	v20 =	vand.u32 $0xFFFFFF80, v20;
	v23 =	vor.u32 v1, v16;
	v16 =	vand.u32 $0xFFFFFF80, v16  }
0x1cb: {  	v19 =	vand.u32 $0x7F, v29;
	v24 =	vand.u32 $0x7F, v31;
	v14 =	vor.u32 v12, v16  }
0x1cc: {  	v12 =	vor.u32 v17, v11;
	v11 =	vand.u32 $0xFFFFFF80, v18;
	v18 =	vshll.u32 v21, $0x8  }
0x1cd: {  	[tilespmem:v25+s30+$0x0] =	vst.idx.add.f32.msk vm4, v2;
	v16 =	vand.u32 $0x7F, v23;
	v21 =	vand.u32 $0x7F, v26;
	v23 =	vand.u32 $0x7F, v28  }
0x1ce: {  	v17 =	vor.u32 v22, v30;
	[tilespmem:v25+s31+$0x0] =	vst.idx.add.f32.msk vm4, v10;
	v25 =	vand.u32 $0x7F, v33;
	v22 =	vor.u32 v18, v32  }
0x1cf: {  	s7 =	simm.s32 $0x7640;
	s6 =	simm.s32 $0x0;
	v11 =	vor.u32 v34, v11;
	v18 =	vor.u32 v27, v20;
	v20 =	vand.u32 $0x7F, v13  }
.LBB2_14:
0x1d0: {  	v26 =	vld [tilespmem:s7+$0x30];
	v14 =	vor.u32 v16, v14;
	v16 =	vor.u32 v21, v12;
	v15 =	vor.u32 v23, v15  }
0x1d1: {  	s6 =	sadd.s32 $0x8, s6;
	v17 =	vor.u32 v19, v17;
	v12 =	vor.u32 v24, v22;
	v11 =	vor.u32 v25, v11;
	v21 =	vld [tilespmem:s7+$0xFFFFFFD0]  }
0x1d2: {  	vm10 =	vgt.f32 v9, $0.0e+00;
	vm5 =	vgt.f32 v3, $0.0e+00;
	v10 =	vor.u32 v20, v18;
	p0 =	slt.u32 s6, $0x748;
	v19 =	vld [tilespmem:s7+$0xFFFFFFE0]  }
0x1d3: {  	vm4 =	vgt.f32 v5, $0.0e+00;
	vm9 =	vmmov vm0;
	vm8 =	vmmov vm1;
	v18 =	vld [tilespmem:s7+$0xFFFFFFF0]  }
0x1d4: {  	vm7 =	vmmov vm2;
	vm6 =	vmmov vm3;
	v20 =	vld [tilespmem:s7+$0x0]  }
0x1d5: {  	s5 =	sadd.s32 $0x80, s5;
	v22 =	vld [tilespmem:s7+$0x10];
	v23 =	vmul.f32 $1.500000000e+01, v26  }
0x1d6: {  	v24 =	vmul.f32 $1.500000000e+01, v21;
	vm0 =	vgt.f32 v21, $0.0e+00;
	v25 =	vld [tilespmem:s5+$0x30]  }
0x1d7: {  	v27 =	vmul.f32 $1.500000000e+01, v19;
	vm1 =	vgt.f32 v19, $0.0e+00;
	v13 =	vld [tilespmem:s7+$0x20];
	v23 =	vtrunc.f32 v23  }
0x1d8: {  	v28 =	vld [tilespmem:s7+$0xFFFFFFC0];
	v29 =	vmul.f32 $1.500000000e+01, v18;
	vm2 =	vgt.f32 v18, $0.0e+00;
	v23 =	vcvt.f32.s32 v23  }
0x1d9: {  	v24 =	vtrunc.f32 v24;
	v30 =	vld [tilespmem:s5+$0xFFFFFFC0];
	v31 =	vmul.f32 $1.500000000e+01, v20;
	vm3 =	vgt.f32 v20, $0.0e+00  }
0x1da: {  	v27 =	vtrunc.f32 v27;
	v32 =	vld [tilespmem:s5+$0xFFFFFFD0];
	v33 =	vmul.f32 $1.500000000e+01, v22;
	v23 =	vshll.u32 v23, $0x4  }
0x1db: {  	v34 =	vld [tilespmem:s5+$0xFFFFFFE0];
	v25 =	vshll.u32 v25, $0x8;
	v35 =	vor.u32 v1, v23;
	v23 =	vand.u32 $0xFFFFFF80, v23  }
0x1dc: {  	vm11 =	vgt.f32 v26, $0.0e+00;
	v36 =	vld [tilespmem:s5+$0xFFFFFFF0];
	v23 =	vor.u32 v25, v23;
	v25 =	vand.u32 $0x7F, v35  }
0x1dd: {  	v38 =	vmul.f32 $1.500000000e+01, v13;
	v35 =	vmul.f32 $1.500000000e+01, v28;
	v37 =	vld [tilespmem:s5+$0x0];
	v23 =	vor.u32 v25, v23  }
0x1de: {  	v29 =	vtrunc.f32 v29;
	v25 =	vshll.u32 v30, $0x8;
	v30 =	vtrunc.f32 v31;
	v31 =	vld [tilespmem:s5+$0x10]  }
0x1df: {  	v33 =	vtrunc.f32 v33;
	v35 =	vtrunc.f32 v35;
	v32 =	vshll.u32 v32, $0x8;
	v39 =	vld [tilespmem:s5+$0x20]  }
0x1e0: {  	v38 =	vtrunc.f32 v38;
	v35 =	vcvt.f32.s32 v35;
	v34 =	vshll.u32 v34, $0x8;
	[tilespmem:v14+s30+$0x0] =	vst.idx.add.f32.msk vm10, v2  }
0x1e1: {  	v24 =	vcvt.f32.s32 v24;
	v27 =	vcvt.f32.s32 v27;
	v36 =	vshll.u32 v36, $0x8;
	[tilespmem:v14+s31+$0x0] =	vst.idx.add.f32.msk vm10, v9;
	v9 =	vmovc v28  }
0x1e2: {  	v28 =	vcvt.f32.s32 v29;
	v29 =	vcvt.f32.s32 v30;
	v14 =	vshll.u32 v35, $0x4;
	[tilespmem:v23+s30+$0x0] =	vst.idx.add.f32.msk vm11, v2  }
0x1e3: {  	s8 =	simm.s32 $0x0;
	v24 =	vshll.u32 v24, $0x4;
	v30 =	vcvt.f32.s32 v33;
	v33 =	vcvt.f32.s32 v38;
	[tilespmem:v23+s31+$0x0] =	vst.idx.add.f32.msk vm11, v26  }
0x1e4: {  	v23 =	vshll.u32 v27, $0x4;
	v26 =	vshll.u32 v28, $0x4;
	v27 =	vshll.u32 v29, $0x4;
	[tilespmem:v16+s30+$0x0] =	vst.idx.add.f32.msk vm9, v2  }
0x1e5: {  	v28 =	vor.u32 v1, v14;
	v29 =	vshll.u32 v30, $0x4;
	v30 =	vshll.u32 v33, $0x4;
	[tilespmem:v16+s31+$0x0] =	vst.idx.add.f32.msk vm9, v7;
	v7 =	vmovc v21  }
0x1e6: {  	v14 =	vand.u32 $0xFFFFFF80, v14;
	v21 =	vor.u32 v1, v24;
	v24 =	vand.u32 $0xFFFFFF80, v24;
	[tilespmem:v15+s30+$0x0] =	vst.idx.add.f32.msk vm8, v2  }
0x1e7: {  	v33 =	vor.u32 v1, v23;
	v23 =	vand.u32 $0xFFFFFF80, v23;
	v35 =	vor.u32 v1, v26;
	[tilespmem:v15+s31+$0x0] =	vst.idx.add.f32.msk vm8, v8  }
0x1e8: {  	v26 =	vand.u32 $0xFFFFFF80, v26;
	v38 =	vor.u32 v1, v27;
	v27 =	vand.u32 $0xFFFFFF80, v27;
	v8 =	vmovc v19;
	[tilespmem:v17+s30+$0x0] =	vst.idx.add.f32.msk vm7, v2  }
0x1e9: {  	v40 =	vor.u32 v1, v29;
	v29 =	vand.u32 $0xFFFFFF80, v29;
	v41 =	vor.u32 v1, v30;
	[tilespmem:v17+s31+$0x0] =	vst.idx.add.f32.msk vm7, v6  }
0x1ea: {  	v37 =	vshll.u32 v37, $0x8;
	v31 =	vshll.u32 v31, $0x8;
	v30 =	vand.u32 $0xFFFFFF80, v30;
	v6 =	vmovc v18;
	[tilespmem:v12+s30+$0x0] =	vst.idx.add.f32.msk vm6, v2  }
.Ltmp6:
0x1eb: {  	v14 =	vor.u32 v25, v14;
	v16 =	vand.u32 $0x7F, v28;
	v18 =	vshll.u32 v39, $0x8;
	[tilespmem:v12+s31+$0x0] =	vst.idx.add.f32.msk vm6, v4;
	v4 =	vmovc v20;
	(pc) =	sbr.rel @p0 .LBB2_14-.Ltmp6, $4  }
0x1ec: {  	v21 =	vand.u32 $0x7F, v21;
	v15 =	vor.u32 v34, v23;
	v12 =	vor.u32 v32, v24;
	[tilespmem:v11+s30+$0x0] =	vst.idx.add.f32.msk vm5, v2  }
0x1ed: {  	v23 =	vand.u32 $0x7F, v33;
	v19 =	vand.u32 $0x7F, v35;
	v17 =	vor.u32 v36, v26;
	[tilespmem:v11+s31+$0x0] =	vst.idx.add.f32.msk vm5, v3;
	v3 =	vmovc v22  }
0x1ee: {  	v24 =	vand.u32 $0x7F, v38;
	v22 =	vor.u32 v37, v27;
	v11 =	vor.u32 v31, v29;
	[tilespmem:v10+s30+$0x0] =	vst.idx.add.f32.msk vm4, v2  }
0x1ef: {  	s7 =	sadd.s32 $0x80, s7;
	v25 =	vand.u32 $0x7F, v40;
	v18 =	vor.u32 v18, v30;
	v20 =	vand.u32 $0x7F, v41;
	[tilespmem:v10+s31+$0x0] =	vst.idx.add.f32.msk vm4, v5;
	v5 =	vmovc v13  }
0x1f0: {  	vm4 =	vgt.f32 v9, $0.0e+00  }
0x1f1: {  	v10 =	vor.u32 v16, v14;
	vm0 =	vmmov vm0  }
0x1f2: {  	v12 =	vor.u32 v21, v12;
	vm1 =	vmmov vm1  }
0x1f3: {  	v13 =	vor.u32 v23, v15;
	vm2 =	vmmov vm2  }
0x1f4: {  	v60 =	vor.u32 v19, v17;
	vm3 =	vmmov vm3  }
0x1f5: {  	v61 =	vor.u32 v24, v22;
	vm14 =	vgt.f32 v3, $0.0e+00  }
0x1f6: {  	v62 =	vor.u32 v25, v11;
	vm15 =	vgt.f32 v5, $0.0e+00;
	[tilespmem:v10+s30+$0x0] =	vst.idx.add.f32.msk vm4, v2  }
0x1f7: {  	v63 =	vor.u32 v20, v18;
	[tilespmem:v12+s30+$0x0] =	vst.idx.add.f32.msk vm0, v2  }
0x1f8: {  	[tilespmem:v13+s30+$0x0] =	vst.idx.add.f32.msk vm1, v2  }
0x1f9: {  	[tilespmem:v60+s30+$0x0] =	vst.idx.add.f32.msk vm2, v2  }
0x1fa: {  	[tilespmem:v61+s30+$0x0] =	vst.idx.add.f32.msk vm3, v2  }
0x1fb: {  	[tilespmem:v62+s30+$0x0] =	vst.idx.add.f32.msk vm14, v2  }
0x1fc: {  	[tilespmem:v63+s30+$0x0] =	vst.idx.add.f32.msk vm15, v2  }
0x1fd: {  	[tilespmem:v10+s31+$0x0] =	vst.idx.add.f32.msk vm4, v9  }
0x1fe: {  	[tilespmem:v12+s31+$0x0] =	vst.idx.add.f32.msk vm0, v7  }
0x1ff: {  	[tilespmem:v13+s31+$0x0] =	vst.idx.add.f32.msk vm1, v8  }
0x200: {  	[tilespmem:v60+s31+$0x0] =	vst.idx.add.f32.msk vm2, v6  }
0x201: {  	[tilespmem:v61+s31+$0x0] =	vst.idx.add.f32.msk vm3, v4  }
0x202: {  	[tilespmem:v62+s31+$0x0] =	vst.idx.add.f32.msk vm14, v3  }
0x203: {  	[tilespmem:v63+s31+$0x0] =	vst.idx.add.f32.msk vm15, v5  }
.LBB2_16:
0x204: {  	s5 =	sshra.s32 s8, $0x2  }
0x205: {  	v3 =	vld [tilespmem:s5+$0xEA80];
	_ =	sdelay $0x4  }
0x206: {  	v4 =	vmul.f32 $1.500000000e+01, v3  }
0x207: {  	v5 =	vld [tilespmem:s5+$0x1D580]  }
0x208: {  	v4 =	vtrunc.f32 v4  }
0x209: {  	v4 =	vcvt.f32.s32 v4;
	_ =	sdelay $0x1  }
0x20a: {  	v4 =	vshll.u32 v4, $0x4  }
0x20b: {  	v5 =	vshll.u32 v5, $0x8;
	v6 =	vor.u32 v1, v4;
	v4 =	vand.u32 $0xFFFFFF80, v4  }
0x20c: {  	vm0 =	vgt.f32 v3, $0.0e+00;
	v4 =	vor.u32 v5, v4;
	v63 =	vand.u32 $0x7F, v6  }
0x20d: {  	v4 =	vor.u32 v63, v4  }
0x20e: {  	p0 =	sne.s32 s8, $0x80  }
.Ltmp7:
0x20f: {  	_ = 	snop;
	(pc) =	sbr.rel @p0 .LBB2_16-.Ltmp7, $3  }
0x210: {  	_ =	sdelay $0x1  }
0x211: {  	[tilespmem:v4+s30+$0x0] =	vst.idx.add.f32.msk vm0, v2  }
0x212: {  	s8 =	sadd.s32 $0x40, s8;
	[tilespmem:v4+s31+$0x0] =	vst.idx.add.f32.msk vm0, v3  }
0x213: {  	_ =	swait.ge [sflag:s25], $0x7530  }
0x214: {  	[sflag:s25] =	ssyncset.done $0x0  }
0x215: {  	[sflag:s25] =	ssyncadd.s32 $0xFFFF8AD0  }
0x216: {  	_ =	swait.ge [sflag:s26], $0x7530  }
0x217: {  	[sflag:s26] =	ssyncset.done $0x0  }
0x218: {  	[sflag:s26] =	ssyncadd.s32 $0xFFFF8AD0  }
0x219: {  	[tilespmem:s28], [sflag:$0x2] =	stream.linear.gather [hbm4b:s13+s2], $0x7530, $0x38;
	[tilespmem:$0x1DA00] =	vst v63  }
0x21a: {  	s6 =	simm.s32 $0x40  }
0x21b: {  	[tilespmem:s29], [sflag:$0x4] =	stream.linear.gather [hbm4b:s14+s2], $0x7530, $0x38;
	[tilespmem:$0x1DA00] =	vst v63  }
0x21c: {  	v10 =	vld [tilespmem:s6+$0x30]  }
0x21d: {  	v7 =	vld [tilespmem:s6+$0xFFFFFFD0]  }
0x21e: {  	v8 =	vld [tilespmem:s6+$0xFFFFFFE0]  }
0x21f: {  	v6 =	vld [tilespmem:s6+$0xFFFFFFF0]  }
0x220: {  	v4 =	vld [tilespmem:s6+$0x0]  }
0x221: {  	v3 =	vld [tilespmem:s6+$0x10]  }
0x222: {  	s5 =	simm.s32 $0xEB40;
	v5 =	vld [tilespmem:s6+$0x20]  }
0x223: {  	v12 =	vld [tilespmem:s5+$0x30]  }
0x224: {  	v22 =	vld [tilespmem:s5+$0xFFFFFFF0];
	v9 =	vmul.f32 $1.500000000e+01, v10;
	v11 =	vmul.f32 $1.500000000e+01, v7;
	vm0 =	vgt.f32 v7, $0.0e+00  }
0x225: {  	v24 =	vld [tilespmem:s5+$0x10];
	v13 =	vmul.f32 $1.500000000e+01, v8;
	vm1 =	vgt.f32 v8, $0.0e+00;
	v15 =	vmul.f32 $1.500000000e+01, v6  }
0x226: {  	v27 =	vld [tilespmem:s5+$0x20];
	vm2 =	vgt.f32 v6, $0.0e+00;
	v17 =	vmul.f32 $1.500000000e+01, v4;
	v19 =	vmul.f32 $1.500000000e+01, v3  }
0x227: {  	vm3 =	vgt.f32 v4, $0.0e+00;
	v23 =	vmul.f32 $1.500000000e+01, v5;
	v14 =	vtrunc.f32 v9  }
0x228: {  	v12 =	vshll.u32 v12, $0x8;
	v11 =	vtrunc.f32 v11;
	v13 =	vtrunc.f32 v13  }
0x229: {  	vm4 =	vgt.f32 v10, $0.0e+00;
	v9 =	vld [tilespmem:s6+$0xFFFFFFC0];
	v14 =	vcvt.f32.s32 v14;
	v11 =	vcvt.f32.s32 v11  }
0x22a: {  	v18 =	vld [tilespmem:s5+$0xFFFFFFD0];
	v22 =	vshll.u32 v22, $0x8;
	v34 =	vshll.u32 v24, $0x8;
	v13 =	vcvt.f32.s32 v13  }
0x22b: {  	v20 =	vld [tilespmem:s5+$0xFFFFFFE0];
	v27 =	vshll.u32 v27, $0x8;
	v14 =	vshll.u32 v14, $0x4;
	v11 =	vshll.u32 v11, $0x4  }
0x22c: {  	v16 =	vld [tilespmem:s5+$0xFFFFFFC0];
	v13 =	vshll.u32 v13, $0x4;
	v21 =	vor.u32 v1, v14;
	v14 =	vand.u32 $0xFFFFFF80, v14  }
0x22d: {  	v26 =	vor.u32 v1, v11;
	v12 =	vor.u32 v12, v14;
	v14 =	vand.u32 $0x7F, v21  }
0x22e: {  	v11 =	vand.u32 $0xFFFFFF80, v11;
	v21 =	vmul.f32 $1.500000000e+01, v9;
	v25 =	vor.u32 v14, v12  }
0x22f: {  	v14 =	vtrunc.f32 v15;
	v15 =	vtrunc.f32 v17;
	v17 =	vshll.u32 v18, $0x8  }
0x230: {  	v18 =	vtrunc.f32 v19;
	v19 =	vshll.u32 v20, $0x8;
	v20 =	vtrunc.f32 v23  }
0x231: {  	v12 =	vshll.u32 v16, $0x8;
	v16 =	vtrunc.f32 v21;
	v14 =	vcvt.f32.s32 v14  }
0x232: {  	v28 =	vor.u32 v1, v13;
	v15 =	vcvt.f32.s32 v15;
	v18 =	vcvt.f32.s32 v18  }
0x233: {  	v13 =	vand.u32 $0xFFFFFF80, v13;
	v20 =	vcvt.f32.s32 v20;
	v16 =	vcvt.f32.s32 v16  }
0x234: {  	v14 =	vshll.u32 v14, $0x4;
	v15 =	vshll.u32 v15, $0x4;
	v18 =	vshll.u32 v18, $0x4  }
0x235: {  	v21 =	vld [tilespmem:s5+$0x0];
	v20 =	vshll.u32 v20, $0x4;
	v16 =	vshll.u32 v16, $0x4;
	v29 =	vor.u32 v1, v14  }
0x236: {  	v30 =	vand.u32 $0xFFFFFF80, v14;
	v31 =	vor.u32 v1, v15;
	v32 =	vand.u32 $0xFFFFFF80, v15  }
0x237: {  	v33 =	vor.u32 v1, v18;
	v15 =	vor.u32 v19, v13;
	v13 =	vor.u32 v1, v20  }
0x238: {  	v20 =	vand.u32 $0xFFFFFF80, v20;
	v23 =	vor.u32 v1, v16;
	v16 =	vand.u32 $0xFFFFFF80, v16  }
0x239: {  	v19 =	vand.u32 $0x7F, v29;
	v24 =	vand.u32 $0x7F, v31;
	v14 =	vor.u32 v12, v16  }
0x23a: {  	v12 =	vor.u32 v17, v11;
	v11 =	vand.u32 $0xFFFFFF80, v18;
	v18 =	vshll.u32 v21, $0x8  }
0x23b: {  	[tilespmem:v25+s30+$0x0] =	vst.idx.add.f32.msk vm4, v2;
	v16 =	vand.u32 $0x7F, v23;
	v21 =	vand.u32 $0x7F, v26;
	v23 =	vand.u32 $0x7F, v28  }
0x23c: {  	v17 =	vor.u32 v22, v30;
	[tilespmem:v25+s31+$0x0] =	vst.idx.add.f32.msk vm4, v10;
	v25 =	vand.u32 $0x7F, v33;
	v22 =	vor.u32 v18, v32  }
0x23d: {  	s7 =	simm.s32 $0xC0;
	s6 =	simm.s32 $0x0;
	v11 =	vor.u32 v34, v11;
	v18 =	vor.u32 v27, v20;
	v20 =	vand.u32 $0x7F, v13  }
.LBB2_18:
0x23e: {  	v26 =	vld [tilespmem:s7+$0x30];
	v14 =	vor.u32 v16, v14;
	v16 =	vor.u32 v21, v12;
	v15 =	vor.u32 v23, v15  }
0x23f: {  	s6 =	sadd.s32 $0x8, s6;
	v17 =	vor.u32 v19, v17;
	v12 =	vor.u32 v24, v22;
	v11 =	vor.u32 v25, v11;
	v21 =	vld [tilespmem:s7+$0xFFFFFFD0]  }
0x240: {  	vm10 =	vgt.f32 v9, $0.0e+00;
	vm5 =	vgt.f32 v3, $0.0e+00;
	v10 =	vor.u32 v20, v18;
	p0 =	slt.u32 s6, $0x748;
	v19 =	vld [tilespmem:s7+$0xFFFFFFE0]  }
0x241: {  	vm4 =	vgt.f32 v5, $0.0e+00;
	vm9 =	vmmov vm0;
	vm8 =	vmmov vm1;
	v18 =	vld [tilespmem:s7+$0xFFFFFFF0]  }
0x242: {  	vm7 =	vmmov vm2;
	vm6 =	vmmov vm3;
	v20 =	vld [tilespmem:s7+$0x0]  }
0x243: {  	s5 =	sadd.s32 $0x80, s5;
	v22 =	vld [tilespmem:s7+$0x10];
	v23 =	vmul.f32 $1.500000000e+01, v26  }
0x244: {  	v24 =	vmul.f32 $1.500000000e+01, v21;
	vm0 =	vgt.f32 v21, $0.0e+00;
	v25 =	vld [tilespmem:s5+$0x30]  }
0x245: {  	v27 =	vmul.f32 $1.500000000e+01, v19;
	vm1 =	vgt.f32 v19, $0.0e+00;
	v13 =	vld [tilespmem:s7+$0x20];
	v23 =	vtrunc.f32 v23  }
0x246: {  	v28 =	vld [tilespmem:s7+$0xFFFFFFC0];
	v29 =	vmul.f32 $1.500000000e+01, v18;
	vm2 =	vgt.f32 v18, $0.0e+00;
	v23 =	vcvt.f32.s32 v23  }
0x247: {  	v24 =	vtrunc.f32 v24;
	v30 =	vld [tilespmem:s5+$0xFFFFFFC0];
	v31 =	vmul.f32 $1.500000000e+01, v20;
	vm3 =	vgt.f32 v20, $0.0e+00  }
0x248: {  	v27 =	vtrunc.f32 v27;
	v32 =	vld [tilespmem:s5+$0xFFFFFFD0];
	v33 =	vmul.f32 $1.500000000e+01, v22;
	v23 =	vshll.u32 v23, $0x4  }
0x249: {  	v34 =	vld [tilespmem:s5+$0xFFFFFFE0];
	v25 =	vshll.u32 v25, $0x8;
	v35 =	vor.u32 v1, v23;
	v23 =	vand.u32 $0xFFFFFF80, v23  }
0x24a: {  	vm11 =	vgt.f32 v26, $0.0e+00;
	v36 =	vld [tilespmem:s5+$0xFFFFFFF0];
	v23 =	vor.u32 v25, v23;
	v25 =	vand.u32 $0x7F, v35  }
0x24b: {  	v38 =	vmul.f32 $1.500000000e+01, v13;
	v35 =	vmul.f32 $1.500000000e+01, v28;
	v37 =	vld [tilespmem:s5+$0x0];
	v23 =	vor.u32 v25, v23  }
0x24c: {  	v29 =	vtrunc.f32 v29;
	v25 =	vshll.u32 v30, $0x8;
	v30 =	vtrunc.f32 v31;
	v31 =	vld [tilespmem:s5+$0x10]  }
0x24d: {  	v33 =	vtrunc.f32 v33;
	v35 =	vtrunc.f32 v35;
	v32 =	vshll.u32 v32, $0x8;
	v39 =	vld [tilespmem:s5+$0x20]  }
0x24e: {  	v38 =	vtrunc.f32 v38;
	v35 =	vcvt.f32.s32 v35;
	v34 =	vshll.u32 v34, $0x8;
	[tilespmem:v14+s30+$0x0] =	vst.idx.add.f32.msk vm10, v2  }
0x24f: {  	v24 =	vcvt.f32.s32 v24;
	v27 =	vcvt.f32.s32 v27;
	v36 =	vshll.u32 v36, $0x8;
	[tilespmem:v14+s31+$0x0] =	vst.idx.add.f32.msk vm10, v9;
	v9 =	vmovc v28  }
0x250: {  	v28 =	vcvt.f32.s32 v29;
	v29 =	vcvt.f32.s32 v30;
	v14 =	vshll.u32 v35, $0x4;
	[tilespmem:v23+s30+$0x0] =	vst.idx.add.f32.msk vm11, v2  }
0x251: {  	s8 =	simm.s32 $0x0;
	v24 =	vshll.u32 v24, $0x4;
	v30 =	vcvt.f32.s32 v33;
	v33 =	vcvt.f32.s32 v38;
	[tilespmem:v23+s31+$0x0] =	vst.idx.add.f32.msk vm11, v26  }
0x252: {  	v23 =	vshll.u32 v27, $0x4;
	v26 =	vshll.u32 v28, $0x4;
	v27 =	vshll.u32 v29, $0x4;
	[tilespmem:v16+s30+$0x0] =	vst.idx.add.f32.msk vm9, v2  }
0x253: {  	v28 =	vor.u32 v1, v14;
	v29 =	vshll.u32 v30, $0x4;
	v30 =	vshll.u32 v33, $0x4;
	[tilespmem:v16+s31+$0x0] =	vst.idx.add.f32.msk vm9, v7;
	v7 =	vmovc v21  }
0x254: {  	v14 =	vand.u32 $0xFFFFFF80, v14;
	v21 =	vor.u32 v1, v24;
	v24 =	vand.u32 $0xFFFFFF80, v24;
	[tilespmem:v15+s30+$0x0] =	vst.idx.add.f32.msk vm8, v2  }
0x255: {  	v33 =	vor.u32 v1, v23;
	v23 =	vand.u32 $0xFFFFFF80, v23;
	v35 =	vor.u32 v1, v26;
	[tilespmem:v15+s31+$0x0] =	vst.idx.add.f32.msk vm8, v8  }
0x256: {  	v26 =	vand.u32 $0xFFFFFF80, v26;
	v38 =	vor.u32 v1, v27;
	v27 =	vand.u32 $0xFFFFFF80, v27;
	v8 =	vmovc v19;
	[tilespmem:v17+s30+$0x0] =	vst.idx.add.f32.msk vm7, v2  }
0x257: {  	v40 =	vor.u32 v1, v29;
	v29 =	vand.u32 $0xFFFFFF80, v29;
	v41 =	vor.u32 v1, v30;
	[tilespmem:v17+s31+$0x0] =	vst.idx.add.f32.msk vm7, v6  }
0x258: {  	v37 =	vshll.u32 v37, $0x8;
	v31 =	vshll.u32 v31, $0x8;
	v30 =	vand.u32 $0xFFFFFF80, v30;
	v6 =	vmovc v18;
	[tilespmem:v12+s30+$0x0] =	vst.idx.add.f32.msk vm6, v2  }
.Ltmp8:
0x259: {  	v14 =	vor.u32 v25, v14;
	v16 =	vand.u32 $0x7F, v28;
	v18 =	vshll.u32 v39, $0x8;
	[tilespmem:v12+s31+$0x0] =	vst.idx.add.f32.msk vm6, v4;
	v4 =	vmovc v20;
	(pc) =	sbr.rel @p0 .LBB2_18-.Ltmp8, $4  }
0x25a: {  	v21 =	vand.u32 $0x7F, v21;
	v15 =	vor.u32 v34, v23;
	v12 =	vor.u32 v32, v24;
	[tilespmem:v11+s30+$0x0] =	vst.idx.add.f32.msk vm5, v2  }
0x25b: {  	v23 =	vand.u32 $0x7F, v33;
	v19 =	vand.u32 $0x7F, v35;
	v17 =	vor.u32 v36, v26;
	[tilespmem:v11+s31+$0x0] =	vst.idx.add.f32.msk vm5, v3;
	v3 =	vmovc v22  }
0x25c: {  	v24 =	vand.u32 $0x7F, v38;
	v22 =	vor.u32 v37, v27;
	v11 =	vor.u32 v31, v29;
	[tilespmem:v10+s30+$0x0] =	vst.idx.add.f32.msk vm4, v2  }
0x25d: {  	s7 =	sadd.s32 $0x80, s7;
	v25 =	vand.u32 $0x7F, v40;
	v18 =	vor.u32 v18, v30;
	v20 =	vand.u32 $0x7F, v41;
	[tilespmem:v10+s31+$0x0] =	vst.idx.add.f32.msk vm4, v5;
	v5 =	vmovc v13  }
0x25e: {  	vm4 =	vgt.f32 v9, $0.0e+00  }
0x25f: {  	v10 =	vor.u32 v16, v14;
	vm0 =	vmmov vm0  }
0x260: {  	v12 =	vor.u32 v21, v12;
	vm1 =	vmmov vm1  }
0x261: {  	v13 =	vor.u32 v23, v15;
	vm2 =	vmmov vm2  }
0x262: {  	v60 =	vor.u32 v19, v17;
	vm3 =	vmmov vm3  }
0x263: {  	v61 =	vor.u32 v24, v22;
	vm14 =	vgt.f32 v3, $0.0e+00  }
0x264: {  	v62 =	vor.u32 v25, v11;
	vm15 =	vgt.f32 v5, $0.0e+00;
	[tilespmem:v10+s30+$0x0] =	vst.idx.add.f32.msk vm4, v2  }
0x265: {  	v63 =	vor.u32 v20, v18;
	[tilespmem:v12+s30+$0x0] =	vst.idx.add.f32.msk vm0, v2  }
0x266: {  	[tilespmem:v13+s30+$0x0] =	vst.idx.add.f32.msk vm1, v2  }
0x267: {  	[tilespmem:v60+s30+$0x0] =	vst.idx.add.f32.msk vm2, v2  }
0x268: {  	[tilespmem:v61+s30+$0x0] =	vst.idx.add.f32.msk vm3, v2  }
0x269: {  	[tilespmem:v62+s30+$0x0] =	vst.idx.add.f32.msk vm14, v2  }
0x26a: {  	[tilespmem:v63+s30+$0x0] =	vst.idx.add.f32.msk vm15, v2  }
0x26b: {  	[tilespmem:v10+s31+$0x0] =	vst.idx.add.f32.msk vm4, v9  }
0x26c: {  	[tilespmem:v12+s31+$0x0] =	vst.idx.add.f32.msk vm0, v7  }
0x26d: {  	[tilespmem:v13+s31+$0x0] =	vst.idx.add.f32.msk vm1, v8  }
0x26e: {  	[tilespmem:v60+s31+$0x0] =	vst.idx.add.f32.msk vm2, v6  }
0x26f: {  	[tilespmem:v61+s31+$0x0] =	vst.idx.add.f32.msk vm3, v4  }
0x270: {  	[tilespmem:v62+s31+$0x0] =	vst.idx.add.f32.msk vm14, v3  }
0x271: {  	[tilespmem:v63+s31+$0x0] =	vst.idx.add.f32.msk vm15, v5  }
.LBB2_20:
0x272: {  	s5 =	sshra.s32 s8, $0x2  }
0x273: {  	v3 =	vld [tilespmem:s5+$0x7500];
	_ =	sdelay $0x4  }
0x274: {  	v4 =	vmul.f32 $1.500000000e+01, v3  }
0x275: {  	v5 =	vld [tilespmem:s5+$0x16000]  }
0x276: {  	v4 =	vtrunc.f32 v4  }
0x277: {  	v4 =	vcvt.f32.s32 v4;
	_ =	sdelay $0x1  }
0x278: {  	v4 =	vshll.u32 v4, $0x4  }
0x279: {  	v5 =	vshll.u32 v5, $0x8;
	v6 =	vor.u32 v1, v4;
	v4 =	vand.u32 $0xFFFFFF80, v4  }
0x27a: {  	vm0 =	vgt.f32 v3, $0.0e+00;
	v4 =	vor.u32 v5, v4;
	v63 =	vand.u32 $0x7F, v6  }
0x27b: {  	v4 =	vor.u32 v63, v4  }
0x27c: {  	p0 =	sne.s32 s8, $0x80  }
.Ltmp9:
0x27d: {  	_ = 	snop;
	(pc) =	sbr.rel @p0 .LBB2_20-.Ltmp9, $3  }
0x27e: {  	_ =	sdelay $0x1  }
0x27f: {  	[tilespmem:v4+s30+$0x0] =	vst.idx.add.f32.msk vm0, v2  }
0x280: {  	s8 =	sadd.s32 $0x40, s8;
	[tilespmem:v4+s31+$0x0] =	vst.idx.add.f32.msk vm0, v3  }
0x281: {  	_ =	swait.ge [sflag:s1], $0x7530  }
0x282: {  	[sflag:s1] =	ssyncset.done $0x0  }
0x283: {  	[sflag:s1] =	ssyncadd.s32 $0xFFFF8AD0  }
0x284: {  	_ =	swait.ge [sflag:s0], $0x7530  }
0x285: {  	[sflag:s0] =	ssyncset.done $0x0  }
0x286: {  	[sflag:s0] =	ssyncadd.s32 $0xFFFF8AD0  }
0x287: {  	[tilespmem:s2], [sflag:$0x1] =	stream.linear.gather [hbm4b:s15+s2], $0x7530, $0x38;
	[tilespmem:$0x1DA00] =	vst v63  }
0x288: {  	s6 =	simm.s32 $0x75C0  }
0x289: {  	[tilespmem:s24], [sflag:$0x3] =	stream.linear.gather [hbm4b:s16+s2], $0x7530, $0x38;
	[tilespmem:$0x1DA00] =	vst v63  }
0x28a: {  	v10 =	vld [tilespmem:s6+$0x30]  }
0x28b: {  	v7 =	vld [tilespmem:s6+$0xFFFFFFD0]  }
0x28c: {  	v8 =	vld [tilespmem:s6+$0xFFFFFFE0]  }
0x28d: {  	v6 =	vld [tilespmem:s6+$0xFFFFFFF0]  }
0x28e: {  	v4 =	vld [tilespmem:s6+$0x0]  }
0x28f: {  	v3 =	vld [tilespmem:s6+$0x10]  }
0x290: {  	s5 =	simm.s32 $0x160C0;
	v5 =	vld [tilespmem:s6+$0x20]  }
0x291: {  	v12 =	vld [tilespmem:s5+$0x30]  }
0x292: {  	v22 =	vld [tilespmem:s5+$0xFFFFFFF0];
	v9 =	vmul.f32 $1.500000000e+01, v10;
	v11 =	vmul.f32 $1.500000000e+01, v7;
	vm0 =	vgt.f32 v7, $0.0e+00  }
0x293: {  	v24 =	vld [tilespmem:s5+$0x10];
	v13 =	vmul.f32 $1.500000000e+01, v8;
	vm1 =	vgt.f32 v8, $0.0e+00;
	v15 =	vmul.f32 $1.500000000e+01, v6  }
0x294: {  	v27 =	vld [tilespmem:s5+$0x20];
	vm2 =	vgt.f32 v6, $0.0e+00;
	v17 =	vmul.f32 $1.500000000e+01, v4;
	v19 =	vmul.f32 $1.500000000e+01, v3  }
0x295: {  	vm3 =	vgt.f32 v4, $0.0e+00;
	v23 =	vmul.f32 $1.500000000e+01, v5;
	v14 =	vtrunc.f32 v9  }
0x296: {  	v12 =	vshll.u32 v12, $0x8;
	v11 =	vtrunc.f32 v11;
	v13 =	vtrunc.f32 v13  }
0x297: {  	vm4 =	vgt.f32 v10, $0.0e+00;
	v9 =	vld [tilespmem:s6+$0xFFFFFFC0];
	v14 =	vcvt.f32.s32 v14;
	v11 =	vcvt.f32.s32 v11  }
0x298: {  	v18 =	vld [tilespmem:s5+$0xFFFFFFD0];
	v22 =	vshll.u32 v22, $0x8;
	v34 =	vshll.u32 v24, $0x8;
	v13 =	vcvt.f32.s32 v13  }
0x299: {  	v20 =	vld [tilespmem:s5+$0xFFFFFFE0];
	v27 =	vshll.u32 v27, $0x8;
	v14 =	vshll.u32 v14, $0x4;
	v11 =	vshll.u32 v11, $0x4  }
0x29a: {  	v16 =	vld [tilespmem:s5+$0xFFFFFFC0];
	v13 =	vshll.u32 v13, $0x4;
	v21 =	vor.u32 v1, v14;
	v14 =	vand.u32 $0xFFFFFF80, v14  }
0x29b: {  	v26 =	vor.u32 v1, v11;
	v12 =	vor.u32 v12, v14;
	v14 =	vand.u32 $0x7F, v21  }
0x29c: {  	v11 =	vand.u32 $0xFFFFFF80, v11;
	v21 =	vmul.f32 $1.500000000e+01, v9;
	v25 =	vor.u32 v14, v12  }
0x29d: {  	v14 =	vtrunc.f32 v15;
	v15 =	vtrunc.f32 v17;
	v17 =	vshll.u32 v18, $0x8  }
0x29e: {  	v18 =	vtrunc.f32 v19;
	v19 =	vshll.u32 v20, $0x8;
	v20 =	vtrunc.f32 v23  }
0x29f: {  	v12 =	vshll.u32 v16, $0x8;
	v16 =	vtrunc.f32 v21;
	v14 =	vcvt.f32.s32 v14  }
0x2a0: {  	v28 =	vor.u32 v1, v13;
	v15 =	vcvt.f32.s32 v15;
	v18 =	vcvt.f32.s32 v18  }
0x2a1: {  	v13 =	vand.u32 $0xFFFFFF80, v13;
	v20 =	vcvt.f32.s32 v20;
	v16 =	vcvt.f32.s32 v16  }
0x2a2: {  	v14 =	vshll.u32 v14, $0x4;
	v15 =	vshll.u32 v15, $0x4;
	v18 =	vshll.u32 v18, $0x4  }
0x2a3: {  	v21 =	vld [tilespmem:s5+$0x0];
	v20 =	vshll.u32 v20, $0x4;
	v16 =	vshll.u32 v16, $0x4;
	v29 =	vor.u32 v1, v14  }
0x2a4: {  	v30 =	vand.u32 $0xFFFFFF80, v14;
	v31 =	vor.u32 v1, v15;
	v32 =	vand.u32 $0xFFFFFF80, v15  }
0x2a5: {  	v33 =	vor.u32 v1, v18;
	v15 =	vor.u32 v19, v13;
	v13 =	vor.u32 v1, v20  }
0x2a6: {  	v20 =	vand.u32 $0xFFFFFF80, v20;
	v23 =	vor.u32 v1, v16;
	v16 =	vand.u32 $0xFFFFFF80, v16  }
0x2a7: {  	v19 =	vand.u32 $0x7F, v29;
	v24 =	vand.u32 $0x7F, v31;
	v14 =	vor.u32 v12, v16  }
0x2a8: {  	v12 =	vor.u32 v17, v11;
	v11 =	vand.u32 $0xFFFFFF80, v18;
	v18 =	vshll.u32 v21, $0x8  }
0x2a9: {  	[tilespmem:v25+s30+$0x0] =	vst.idx.add.f32.msk vm4, v2;
	v16 =	vand.u32 $0x7F, v23;
	v21 =	vand.u32 $0x7F, v26;
	v23 =	vand.u32 $0x7F, v28  }
0x2aa: {  	v17 =	vor.u32 v22, v30;
	[tilespmem:v25+s31+$0x0] =	vst.idx.add.f32.msk vm4, v10;
	v25 =	vand.u32 $0x7F, v33;
	v22 =	vor.u32 v18, v32  }
0x2ab: {  	s7 =	simm.s32 $0x7640;
	s6 =	simm.s32 $0x0;
	v11 =	vor.u32 v34, v11;
	v18 =	vor.u32 v27, v20;
	v20 =	vand.u32 $0x7F, v13  }
.LBB2_22:
0x2ac: {  	v26 =	vld [tilespmem:s7+$0x30];
	v14 =	vor.u32 v16, v14;
	v16 =	vor.u32 v21, v12;
	v15 =	vor.u32 v23, v15  }
0x2ad: {  	s6 =	sadd.s32 $0x8, s6;
	v17 =	vor.u32 v19, v17;
	v12 =	vor.u32 v24, v22;
	v11 =	vor.u32 v25, v11;
	v21 =	vld [tilespmem:s7+$0xFFFFFFD0]  }
0x2ae: {  	vm10 =	vgt.f32 v9, $0.0e+00;
	vm5 =	vgt.f32 v3, $0.0e+00;
	v10 =	vor.u32 v20, v18;
	p0 =	slt.u32 s6, $0x748;
	v19 =	vld [tilespmem:s7+$0xFFFFFFE0]  }
0x2af: {  	vm4 =	vgt.f32 v5, $0.0e+00;
	vm9 =	vmmov vm0;
	vm8 =	vmmov vm1;
	v18 =	vld [tilespmem:s7+$0xFFFFFFF0]  }
0x2b0: {  	vm7 =	vmmov vm2;
	vm6 =	vmmov vm3;
	v20 =	vld [tilespmem:s7+$0x0]  }
0x2b1: {  	s5 =	sadd.s32 $0x80, s5;
	v22 =	vld [tilespmem:s7+$0x10];
	v23 =	vmul.f32 $1.500000000e+01, v26  }
0x2b2: {  	v24 =	vmul.f32 $1.500000000e+01, v21;
	vm0 =	vgt.f32 v21, $0.0e+00;
	v25 =	vld [tilespmem:s5+$0x30]  }
0x2b3: {  	v27 =	vmul.f32 $1.500000000e+01, v19;
	vm1 =	vgt.f32 v19, $0.0e+00;
	v13 =	vld [tilespmem:s7+$0x20];
	v23 =	vtrunc.f32 v23  }
0x2b4: {  	v28 =	vld [tilespmem:s7+$0xFFFFFFC0];
	v29 =	vmul.f32 $1.500000000e+01, v18;
	vm2 =	vgt.f32 v18, $0.0e+00;
	v23 =	vcvt.f32.s32 v23  }
0x2b5: {  	v24 =	vtrunc.f32 v24;
	v30 =	vld [tilespmem:s5+$0xFFFFFFC0];
	v31 =	vmul.f32 $1.500000000e+01, v20;
	vm3 =	vgt.f32 v20, $0.0e+00  }
0x2b6: {  	v27 =	vtrunc.f32 v27;
	v32 =	vld [tilespmem:s5+$0xFFFFFFD0];
	v33 =	vmul.f32 $1.500000000e+01, v22;
	v23 =	vshll.u32 v23, $0x4  }
0x2b7: {  	v34 =	vld [tilespmem:s5+$0xFFFFFFE0];
	v25 =	vshll.u32 v25, $0x8;
	v35 =	vor.u32 v1, v23;
	v23 =	vand.u32 $0xFFFFFF80, v23  }
0x2b8: {  	vm11 =	vgt.f32 v26, $0.0e+00;
	v36 =	vld [tilespmem:s5+$0xFFFFFFF0];
	v23 =	vor.u32 v25, v23;
	v25 =	vand.u32 $0x7F, v35  }
0x2b9: {  	v38 =	vmul.f32 $1.500000000e+01, v13;
	v35 =	vmul.f32 $1.500000000e+01, v28;
	v37 =	vld [tilespmem:s5+$0x0];
	v23 =	vor.u32 v25, v23  }
0x2ba: {  	v29 =	vtrunc.f32 v29;
	v25 =	vshll.u32 v30, $0x8;
	v30 =	vtrunc.f32 v31;
	v31 =	vld [tilespmem:s5+$0x10]  }
0x2bb: {  	v33 =	vtrunc.f32 v33;
	v35 =	vtrunc.f32 v35;
	v32 =	vshll.u32 v32, $0x8;
	v39 =	vld [tilespmem:s5+$0x20]  }
0x2bc: {  	v38 =	vtrunc.f32 v38;
	v35 =	vcvt.f32.s32 v35;
	v34 =	vshll.u32 v34, $0x8;
	[tilespmem:v14+s30+$0x0] =	vst.idx.add.f32.msk vm10, v2  }
0x2bd: {  	v24 =	vcvt.f32.s32 v24;
	v27 =	vcvt.f32.s32 v27;
	v36 =	vshll.u32 v36, $0x8;
	[tilespmem:v14+s31+$0x0] =	vst.idx.add.f32.msk vm10, v9;
	v9 =	vmovc v28  }
0x2be: {  	v28 =	vcvt.f32.s32 v29;
	v29 =	vcvt.f32.s32 v30;
	v14 =	vshll.u32 v35, $0x4;
	[tilespmem:v23+s30+$0x0] =	vst.idx.add.f32.msk vm11, v2  }
0x2bf: {  	s8 =	simm.s32 $0x0;
	v24 =	vshll.u32 v24, $0x4;
	v30 =	vcvt.f32.s32 v33;
	v33 =	vcvt.f32.s32 v38;
	[tilespmem:v23+s31+$0x0] =	vst.idx.add.f32.msk vm11, v26  }
0x2c0: {  	v23 =	vshll.u32 v27, $0x4;
	v26 =	vshll.u32 v28, $0x4;
	v27 =	vshll.u32 v29, $0x4;
	[tilespmem:v16+s30+$0x0] =	vst.idx.add.f32.msk vm9, v2  }
0x2c1: {  	v28 =	vor.u32 v1, v14;
	v29 =	vshll.u32 v30, $0x4;
	v30 =	vshll.u32 v33, $0x4;
	[tilespmem:v16+s31+$0x0] =	vst.idx.add.f32.msk vm9, v7;
	v7 =	vmovc v21  }
0x2c2: {  	v14 =	vand.u32 $0xFFFFFF80, v14;
	v21 =	vor.u32 v1, v24;
	v24 =	vand.u32 $0xFFFFFF80, v24;
	[tilespmem:v15+s30+$0x0] =	vst.idx.add.f32.msk vm8, v2  }
0x2c3: {  	v33 =	vor.u32 v1, v23;
	v23 =	vand.u32 $0xFFFFFF80, v23;
	v35 =	vor.u32 v1, v26;
	[tilespmem:v15+s31+$0x0] =	vst.idx.add.f32.msk vm8, v8  }
0x2c4: {  	v26 =	vand.u32 $0xFFFFFF80, v26;
	v38 =	vor.u32 v1, v27;
	v27 =	vand.u32 $0xFFFFFF80, v27;
	v8 =	vmovc v19;
	[tilespmem:v17+s30+$0x0] =	vst.idx.add.f32.msk vm7, v2  }
0x2c5: {  	v40 =	vor.u32 v1, v29;
	v29 =	vand.u32 $0xFFFFFF80, v29;
	v41 =	vor.u32 v1, v30;
	[tilespmem:v17+s31+$0x0] =	vst.idx.add.f32.msk vm7, v6  }
0x2c6: {  	v37 =	vshll.u32 v37, $0x8;
	v31 =	vshll.u32 v31, $0x8;
	v30 =	vand.u32 $0xFFFFFF80, v30;
	v6 =	vmovc v18;
	[tilespmem:v12+s30+$0x0] =	vst.idx.add.f32.msk vm6, v2  }
.Ltmp10:
0x2c7: {  	v14 =	vor.u32 v25, v14;
	v16 =	vand.u32 $0x7F, v28;
	v18 =	vshll.u32 v39, $0x8;
	[tilespmem:v12+s31+$0x0] =	vst.idx.add.f32.msk vm6, v4;
	v4 =	vmovc v20;
	(pc) =	sbr.rel @p0 .LBB2_22-.Ltmp10, $4  }
0x2c8: {  	v21 =	vand.u32 $0x7F, v21;
	v15 =	vor.u32 v34, v23;
	v12 =	vor.u32 v32, v24;
	[tilespmem:v11+s30+$0x0] =	vst.idx.add.f32.msk vm5, v2  }
0x2c9: {  	v23 =	vand.u32 $0x7F, v33;
	v19 =	vand.u32 $0x7F, v35;
	v17 =	vor.u32 v36, v26;
	[tilespmem:v11+s31+$0x0] =	vst.idx.add.f32.msk vm5, v3;
	v3 =	vmovc v22  }
0x2ca: {  	v24 =	vand.u32 $0x7F, v38;
	v22 =	vor.u32 v37, v27;
	v11 =	vor.u32 v31, v29;
	[tilespmem:v10+s30+$0x0] =	vst.idx.add.f32.msk vm4, v2  }
0x2cb: {  	s7 =	sadd.s32 $0x80, s7;
	v25 =	vand.u32 $0x7F, v40;
	v18 =	vor.u32 v18, v30;
	v20 =	vand.u32 $0x7F, v41;
	[tilespmem:v10+s31+$0x0] =	vst.idx.add.f32.msk vm4, v5;
	v5 =	vmovc v13  }
0x2cc: {  	vm4 =	vgt.f32 v9, $0.0e+00  }
0x2cd: {  	v10 =	vor.u32 v16, v14;
	vm0 =	vmmov vm0  }
0x2ce: {  	v12 =	vor.u32 v21, v12;
	vm1 =	vmmov vm1  }
0x2cf: {  	v13 =	vor.u32 v23, v15;
	vm2 =	vmmov vm2  }
0x2d0: {  	v60 =	vor.u32 v19, v17;
	vm3 =	vmmov vm3  }
0x2d1: {  	v61 =	vor.u32 v24, v22;
	vm14 =	vgt.f32 v3, $0.0e+00  }
0x2d2: {  	v62 =	vor.u32 v25, v11;
	vm15 =	vgt.f32 v5, $0.0e+00;
	[tilespmem:v10+s30+$0x0] =	vst.idx.add.f32.msk vm4, v2  }
0x2d3: {  	v63 =	vor.u32 v20, v18;
	[tilespmem:v12+s30+$0x0] =	vst.idx.add.f32.msk vm0, v2  }
0x2d4: {  	[tilespmem:v13+s30+$0x0] =	vst.idx.add.f32.msk vm1, v2  }
0x2d5: {  	[tilespmem:v60+s30+$0x0] =	vst.idx.add.f32.msk vm2, v2  }
0x2d6: {  	[tilespmem:v61+s30+$0x0] =	vst.idx.add.f32.msk vm3, v2  }
0x2d7: {  	[tilespmem:v62+s30+$0x0] =	vst.idx.add.f32.msk vm14, v2  }
0x2d8: {  	[tilespmem:v63+s30+$0x0] =	vst.idx.add.f32.msk vm15, v2  }
0x2d9: {  	[tilespmem:v10+s31+$0x0] =	vst.idx.add.f32.msk vm4, v9  }
0x2da: {  	[tilespmem:v12+s31+$0x0] =	vst.idx.add.f32.msk vm0, v7  }
0x2db: {  	[tilespmem:v13+s31+$0x0] =	vst.idx.add.f32.msk vm1, v8  }
0x2dc: {  	[tilespmem:v60+s31+$0x0] =	vst.idx.add.f32.msk vm2, v6  }
0x2dd: {  	[tilespmem:v61+s31+$0x0] =	vst.idx.add.f32.msk vm3, v4  }
0x2de: {  	[tilespmem:v62+s31+$0x0] =	vst.idx.add.f32.msk vm14, v3  }
0x2df: {  	[tilespmem:v63+s31+$0x0] =	vst.idx.add.f32.msk vm15, v5  }
.LBB2_24:
0x2e0: {  	s5 =	sshra.s32 s8, $0x2  }
0x2e1: {  	v3 =	vld [tilespmem:s5+$0xEA80];
	_ =	sdelay $0x4  }
0x2e2: {  	v4 =	vmul.f32 $1.500000000e+01, v3  }
0x2e3: {  	v5 =	vld [tilespmem:s5+$0x1D580]  }
0x2e4: {  	v4 =	vtrunc.f32 v4  }
0x2e5: {  	v4 =	vcvt.f32.s32 v4;
	_ =	sdelay $0x1  }
0x2e6: {  	v4 =	vshll.u32 v4, $0x4  }
0x2e7: {  	v5 =	vshll.u32 v5, $0x8;
	v6 =	vor.u32 v1, v4;
	v4 =	vand.u32 $0xFFFFFF80, v4  }
0x2e8: {  	vm0 =	vgt.f32 v3, $0.0e+00;
	v4 =	vor.u32 v5, v4;
	v63 =	vand.u32 $0x7F, v6  }
0x2e9: {  	v4 =	vor.u32 v63, v4  }
0x2ea: {  	p0 =	sne.s32 s8, $0x80  }
.Ltmp11:
0x2eb: {  	_ = 	snop;
	(pc) =	sbr.rel @p0 .LBB2_24-.Ltmp11, $3  }
0x2ec: {  	_ =	sdelay $0x1  }
0x2ed: {  	[tilespmem:v4+s30+$0x0] =	vst.idx.add.f32.msk vm0, v2  }
0x2ee: {  	s8 =	sadd.s32 $0x40, s8;
	[tilespmem:v4+s31+$0x0] =	vst.idx.add.f32.msk vm0, v3  }
0x2ef: {  	_ =	swait.ge [sflag:s25], $0x7530  }
0x2f0: {  	[sflag:s25] =	ssyncset.done $0x0  }
0x2f1: {  	[sflag:s25] =	ssyncadd.s32 $0xFFFF8AD0  }
0x2f2: {  	_ =	swait.ge [sflag:s26], $0x7530  }
0x2f3: {  	[sflag:s26] =	ssyncset.done $0x0  }
0x2f4: {  	[sflag:s26] =	ssyncadd.s32 $0xFFFF8AD0  }
0x2f5: {  	[tilespmem:s28], [sflag:$0x2] =	stream.linear.gather [hbm4b:s17+s2], $0x7530, $0x38;
	[tilespmem:$0x1DA00] =	vst v63  }
0x2f6: {  	s6 =	simm.s32 $0x40  }
0x2f7: {  	[tilespmem:s29], [sflag:$0x4] =	stream.linear.gather [hbm4b:s18+s2], $0x7530, $0x38;
	[tilespmem:$0x1DA00] =	vst v63  }
0x2f8: {  	v10 =	vld [tilespmem:s6+$0x30]  }
0x2f9: {  	v7 =	vld [tilespmem:s6+$0xFFFFFFD0]  }
0x2fa: {  	v8 =	vld [tilespmem:s6+$0xFFFFFFE0]  }
0x2fb: {  	v6 =	vld [tilespmem:s6+$0xFFFFFFF0]  }
0x2fc: {  	v4 =	vld [tilespmem:s6+$0x0]  }
0x2fd: {  	v3 =	vld [tilespmem:s6+$0x10]  }
0x2fe: {  	s5 =	simm.s32 $0xEB40;
	v5 =	vld [tilespmem:s6+$0x20]  }
0x2ff: {  	v12 =	vld [tilespmem:s5+$0x30]  }
0x300: {  	v22 =	vld [tilespmem:s5+$0xFFFFFFF0];
	v9 =	vmul.f32 $1.500000000e+01, v10;
	v11 =	vmul.f32 $1.500000000e+01, v7;
	vm0 =	vgt.f32 v7, $0.0e+00  }
0x301: {  	v24 =	vld [tilespmem:s5+$0x10];
	v13 =	vmul.f32 $1.500000000e+01, v8;
	vm1 =	vgt.f32 v8, $0.0e+00;
	v15 =	vmul.f32 $1.500000000e+01, v6  }
0x302: {  	v27 =	vld [tilespmem:s5+$0x20];
	vm2 =	vgt.f32 v6, $0.0e+00;
	v17 =	vmul.f32 $1.500000000e+01, v4;
	v19 =	vmul.f32 $1.500000000e+01, v3  }
0x303: {  	vm3 =	vgt.f32 v4, $0.0e+00;
	v23 =	vmul.f32 $1.500000000e+01, v5;
	v14 =	vtrunc.f32 v9  }
0x304: {  	v12 =	vshll.u32 v12, $0x8;
	v11 =	vtrunc.f32 v11;
	v13 =	vtrunc.f32 v13  }
0x305: {  	vm4 =	vgt.f32 v10, $0.0e+00;
	v9 =	vld [tilespmem:s6+$0xFFFFFFC0];
	v14 =	vcvt.f32.s32 v14;
	v11 =	vcvt.f32.s32 v11  }
0x306: {  	v18 =	vld [tilespmem:s5+$0xFFFFFFD0];
	v22 =	vshll.u32 v22, $0x8;
	v34 =	vshll.u32 v24, $0x8;
	v13 =	vcvt.f32.s32 v13  }
0x307: {  	v20 =	vld [tilespmem:s5+$0xFFFFFFE0];
	v27 =	vshll.u32 v27, $0x8;
	v14 =	vshll.u32 v14, $0x4;
	v11 =	vshll.u32 v11, $0x4  }
0x308: {  	v16 =	vld [tilespmem:s5+$0xFFFFFFC0];
	v13 =	vshll.u32 v13, $0x4;
	v21 =	vor.u32 v1, v14;
	v14 =	vand.u32 $0xFFFFFF80, v14  }
0x309: {  	v26 =	vor.u32 v1, v11;
	v12 =	vor.u32 v12, v14;
	v14 =	vand.u32 $0x7F, v21  }
0x30a: {  	v11 =	vand.u32 $0xFFFFFF80, v11;
	v21 =	vmul.f32 $1.500000000e+01, v9;
	v25 =	vor.u32 v14, v12  }
0x30b: {  	v14 =	vtrunc.f32 v15;
	v15 =	vtrunc.f32 v17;
	v17 =	vshll.u32 v18, $0x8  }
0x30c: {  	v18 =	vtrunc.f32 v19;
	v19 =	vshll.u32 v20, $0x8;
	v20 =	vtrunc.f32 v23  }
0x30d: {  	v12 =	vshll.u32 v16, $0x8;
	v16 =	vtrunc.f32 v21;
	v14 =	vcvt.f32.s32 v14  }
0x30e: {  	v28 =	vor.u32 v1, v13;
	v15 =	vcvt.f32.s32 v15;
	v18 =	vcvt.f32.s32 v18  }
0x30f: {  	v13 =	vand.u32 $0xFFFFFF80, v13;
	v20 =	vcvt.f32.s32 v20;
	v16 =	vcvt.f32.s32 v16  }
0x310: {  	v14 =	vshll.u32 v14, $0x4;
	v15 =	vshll.u32 v15, $0x4;
	v18 =	vshll.u32 v18, $0x4  }
0x311: {  	v21 =	vld [tilespmem:s5+$0x0];
	v20 =	vshll.u32 v20, $0x4;
	v16 =	vshll.u32 v16, $0x4;
	v29 =	vor.u32 v1, v14  }
0x312: {  	v30 =	vand.u32 $0xFFFFFF80, v14;
	v31 =	vor.u32 v1, v15;
	v32 =	vand.u32 $0xFFFFFF80, v15  }
0x313: {  	v33 =	vor.u32 v1, v18;
	v15 =	vor.u32 v19, v13;
	v13 =	vor.u32 v1, v20  }
0x314: {  	v20 =	vand.u32 $0xFFFFFF80, v20;
	v23 =	vor.u32 v1, v16;
	v16 =	vand.u32 $0xFFFFFF80, v16  }
0x315: {  	v19 =	vand.u32 $0x7F, v29;
	v24 =	vand.u32 $0x7F, v31;
	v14 =	vor.u32 v12, v16  }
0x316: {  	v12 =	vor.u32 v17, v11;
	v11 =	vand.u32 $0xFFFFFF80, v18;
	v18 =	vshll.u32 v21, $0x8  }
0x317: {  	[tilespmem:v25+s30+$0x0] =	vst.idx.add.f32.msk vm4, v2;
	v16 =	vand.u32 $0x7F, v23;
	v21 =	vand.u32 $0x7F, v26;
	v23 =	vand.u32 $0x7F, v28  }
0x318: {  	v17 =	vor.u32 v22, v30;
	[tilespmem:v25+s31+$0x0] =	vst.idx.add.f32.msk vm4, v10;
	v25 =	vand.u32 $0x7F, v33;
	v22 =	vor.u32 v18, v32  }
0x319: {  	s7 =	simm.s32 $0xC0;
	s6 =	simm.s32 $0x0;
	v11 =	vor.u32 v34, v11;
	v18 =	vor.u32 v27, v20;
	v20 =	vand.u32 $0x7F, v13  }
.LBB2_26:
0x31a: {  	v26 =	vld [tilespmem:s7+$0x30];
	v14 =	vor.u32 v16, v14;
	v16 =	vor.u32 v21, v12;
	v15 =	vor.u32 v23, v15  }
0x31b: {  	s6 =	sadd.s32 $0x8, s6;
	v17 =	vor.u32 v19, v17;
	v12 =	vor.u32 v24, v22;
	v11 =	vor.u32 v25, v11;
	v21 =	vld [tilespmem:s7+$0xFFFFFFD0]  }
0x31c: {  	vm10 =	vgt.f32 v9, $0.0e+00;
	vm5 =	vgt.f32 v3, $0.0e+00;
	v10 =	vor.u32 v20, v18;
	p0 =	slt.u32 s6, $0x748;
	v19 =	vld [tilespmem:s7+$0xFFFFFFE0]  }
0x31d: {  	vm4 =	vgt.f32 v5, $0.0e+00;
	vm9 =	vmmov vm0;
	vm8 =	vmmov vm1;
	v18 =	vld [tilespmem:s7+$0xFFFFFFF0]  }
0x31e: {  	vm7 =	vmmov vm2;
	vm6 =	vmmov vm3;
	v20 =	vld [tilespmem:s7+$0x0]  }
0x31f: {  	s5 =	sadd.s32 $0x80, s5;
	v22 =	vld [tilespmem:s7+$0x10];
	v23 =	vmul.f32 $1.500000000e+01, v26  }
0x320: {  	v24 =	vmul.f32 $1.500000000e+01, v21;
	vm0 =	vgt.f32 v21, $0.0e+00;
	v25 =	vld [tilespmem:s5+$0x30]  }
0x321: {  	v27 =	vmul.f32 $1.500000000e+01, v19;
	vm1 =	vgt.f32 v19, $0.0e+00;
	v13 =	vld [tilespmem:s7+$0x20];
	v23 =	vtrunc.f32 v23  }
0x322: {  	v28 =	vld [tilespmem:s7+$0xFFFFFFC0];
	v29 =	vmul.f32 $1.500000000e+01, v18;
	vm2 =	vgt.f32 v18, $0.0e+00;
	v23 =	vcvt.f32.s32 v23  }
0x323: {  	v24 =	vtrunc.f32 v24;
	v30 =	vld [tilespmem:s5+$0xFFFFFFC0];
	v31 =	vmul.f32 $1.500000000e+01, v20;
	vm3 =	vgt.f32 v20, $0.0e+00  }
0x324: {  	v27 =	vtrunc.f32 v27;
	v32 =	vld [tilespmem:s5+$0xFFFFFFD0];
	v33 =	vmul.f32 $1.500000000e+01, v22;
	v23 =	vshll.u32 v23, $0x4  }
0x325: {  	v34 =	vld [tilespmem:s5+$0xFFFFFFE0];
	v25 =	vshll.u32 v25, $0x8;
	v35 =	vor.u32 v1, v23;
	v23 =	vand.u32 $0xFFFFFF80, v23  }
0x326: {  	vm11 =	vgt.f32 v26, $0.0e+00;
	v36 =	vld [tilespmem:s5+$0xFFFFFFF0];
	v23 =	vor.u32 v25, v23;
	v25 =	vand.u32 $0x7F, v35  }
0x327: {  	v38 =	vmul.f32 $1.500000000e+01, v13;
	v35 =	vmul.f32 $1.500000000e+01, v28;
	v37 =	vld [tilespmem:s5+$0x0];
	v23 =	vor.u32 v25, v23  }
0x328: {  	v29 =	vtrunc.f32 v29;
	v25 =	vshll.u32 v30, $0x8;
	v30 =	vtrunc.f32 v31;
	v31 =	vld [tilespmem:s5+$0x10]  }
0x329: {  	v33 =	vtrunc.f32 v33;
	v35 =	vtrunc.f32 v35;
	v32 =	vshll.u32 v32, $0x8;
	v39 =	vld [tilespmem:s5+$0x20]  }
0x32a: {  	v38 =	vtrunc.f32 v38;
	v35 =	vcvt.f32.s32 v35;
	v34 =	vshll.u32 v34, $0x8;
	[tilespmem:v14+s30+$0x0] =	vst.idx.add.f32.msk vm10, v2  }
0x32b: {  	v24 =	vcvt.f32.s32 v24;
	v27 =	vcvt.f32.s32 v27;
	v36 =	vshll.u32 v36, $0x8;
	[tilespmem:v14+s31+$0x0] =	vst.idx.add.f32.msk vm10, v9;
	v9 =	vmovc v28  }
0x32c: {  	v28 =	vcvt.f32.s32 v29;
	v29 =	vcvt.f32.s32 v30;
	v14 =	vshll.u32 v35, $0x4;
	[tilespmem:v23+s30+$0x0] =	vst.idx.add.f32.msk vm11, v2  }
0x32d: {  	s8 =	simm.s32 $0x0;
	v24 =	vshll.u32 v24, $0x4;
	v30 =	vcvt.f32.s32 v33;
	v33 =	vcvt.f32.s32 v38;
	[tilespmem:v23+s31+$0x0] =	vst.idx.add.f32.msk vm11, v26  }
0x32e: {  	v23 =	vshll.u32 v27, $0x4;
	v26 =	vshll.u32 v28, $0x4;
	v27 =	vshll.u32 v29, $0x4;
	[tilespmem:v16+s30+$0x0] =	vst.idx.add.f32.msk vm9, v2  }
0x32f: {  	v28 =	vor.u32 v1, v14;
	v29 =	vshll.u32 v30, $0x4;
	v30 =	vshll.u32 v33, $0x4;
	[tilespmem:v16+s31+$0x0] =	vst.idx.add.f32.msk vm9, v7;
	v7 =	vmovc v21  }
0x330: {  	v14 =	vand.u32 $0xFFFFFF80, v14;
	v21 =	vor.u32 v1, v24;
	v24 =	vand.u32 $0xFFFFFF80, v24;
	[tilespmem:v15+s30+$0x0] =	vst.idx.add.f32.msk vm8, v2  }
0x331: {  	v33 =	vor.u32 v1, v23;
	v23 =	vand.u32 $0xFFFFFF80, v23;
	v35 =	vor.u32 v1, v26;
	[tilespmem:v15+s31+$0x0] =	vst.idx.add.f32.msk vm8, v8  }
0x332: {  	v26 =	vand.u32 $0xFFFFFF80, v26;
	v38 =	vor.u32 v1, v27;
	v27 =	vand.u32 $0xFFFFFF80, v27;
	v8 =	vmovc v19;
	[tilespmem:v17+s30+$0x0] =	vst.idx.add.f32.msk vm7, v2  }
0x333: {  	v40 =	vor.u32 v1, v29;
	v29 =	vand.u32 $0xFFFFFF80, v29;
	v41 =	vor.u32 v1, v30;
	[tilespmem:v17+s31+$0x0] =	vst.idx.add.f32.msk vm7, v6  }
0x334: {  	v37 =	vshll.u32 v37, $0x8;
	v31 =	vshll.u32 v31, $0x8;
	v30 =	vand.u32 $0xFFFFFF80, v30;
	v6 =	vmovc v18;
	[tilespmem:v12+s30+$0x0] =	vst.idx.add.f32.msk vm6, v2  }
.Ltmp12:
0x335: {  	v14 =	vor.u32 v25, v14;
	v16 =	vand.u32 $0x7F, v28;
	v18 =	vshll.u32 v39, $0x8;
	[tilespmem:v12+s31+$0x0] =	vst.idx.add.f32.msk vm6, v4;
	v4 =	vmovc v20;
	(pc) =	sbr.rel @p0 .LBB2_26-.Ltmp12, $4  }
0x336: {  	v21 =	vand.u32 $0x7F, v21;
	v15 =	vor.u32 v34, v23;
	v12 =	vor.u32 v32, v24;
	[tilespmem:v11+s30+$0x0] =	vst.idx.add.f32.msk vm5, v2  }
0x337: {  	v23 =	vand.u32 $0x7F, v33;
	v19 =	vand.u32 $0x7F, v35;
	v17 =	vor.u32 v36, v26;
	[tilespmem:v11+s31+$0x0] =	vst.idx.add.f32.msk vm5, v3;
	v3 =	vmovc v22  }
0x338: {  	v24 =	vand.u32 $0x7F, v38;
	v22 =	vor.u32 v37, v27;
	v11 =	vor.u32 v31, v29;
	[tilespmem:v10+s30+$0x0] =	vst.idx.add.f32.msk vm4, v2  }
0x339: {  	s7 =	sadd.s32 $0x80, s7;
	v25 =	vand.u32 $0x7F, v40;
	v18 =	vor.u32 v18, v30;
	v20 =	vand.u32 $0x7F, v41;
	[tilespmem:v10+s31+$0x0] =	vst.idx.add.f32.msk vm4, v5;
	v5 =	vmovc v13  }
0x33a: {  	vm4 =	vgt.f32 v9, $0.0e+00  }
0x33b: {  	v10 =	vor.u32 v16, v14;
	vm0 =	vmmov vm0  }
0x33c: {  	v12 =	vor.u32 v21, v12;
	vm1 =	vmmov vm1  }
0x33d: {  	v13 =	vor.u32 v23, v15;
	vm2 =	vmmov vm2  }
0x33e: {  	v60 =	vor.u32 v19, v17;
	vm3 =	vmmov vm3  }
0x33f: {  	v61 =	vor.u32 v24, v22;
	vm14 =	vgt.f32 v3, $0.0e+00  }
0x340: {  	v62 =	vor.u32 v25, v11;
	vm15 =	vgt.f32 v5, $0.0e+00;
	[tilespmem:v10+s30+$0x0] =	vst.idx.add.f32.msk vm4, v2  }
0x341: {  	v63 =	vor.u32 v20, v18;
	[tilespmem:v12+s30+$0x0] =	vst.idx.add.f32.msk vm0, v2  }
0x342: {  	[tilespmem:v13+s30+$0x0] =	vst.idx.add.f32.msk vm1, v2  }
0x343: {  	[tilespmem:v60+s30+$0x0] =	vst.idx.add.f32.msk vm2, v2  }
0x344: {  	[tilespmem:v61+s30+$0x0] =	vst.idx.add.f32.msk vm3, v2  }
0x345: {  	[tilespmem:v62+s30+$0x0] =	vst.idx.add.f32.msk vm14, v2  }
0x346: {  	[tilespmem:v63+s30+$0x0] =	vst.idx.add.f32.msk vm15, v2  }
0x347: {  	[tilespmem:v10+s31+$0x0] =	vst.idx.add.f32.msk vm4, v9  }
0x348: {  	[tilespmem:v12+s31+$0x0] =	vst.idx.add.f32.msk vm0, v7  }
0x349: {  	[tilespmem:v13+s31+$0x0] =	vst.idx.add.f32.msk vm1, v8  }
0x34a: {  	[tilespmem:v60+s31+$0x0] =	vst.idx.add.f32.msk vm2, v6  }
0x34b: {  	[tilespmem:v61+s31+$0x0] =	vst.idx.add.f32.msk vm3, v4  }
0x34c: {  	[tilespmem:v62+s31+$0x0] =	vst.idx.add.f32.msk vm14, v3  }
0x34d: {  	[tilespmem:v63+s31+$0x0] =	vst.idx.add.f32.msk vm15, v5  }
.LBB2_28:
0x34e: {  	s5 =	sshra.s32 s8, $0x2  }
0x34f: {  	v3 =	vld [tilespmem:s5+$0x7500];
	_ =	sdelay $0x4  }
0x350: {  	v4 =	vmul.f32 $1.500000000e+01, v3  }
0x351: {  	v5 =	vld [tilespmem:s5+$0x16000]  }
0x352: {  	v4 =	vtrunc.f32 v4  }
0x353: {  	v4 =	vcvt.f32.s32 v4;
	_ =	sdelay $0x1  }
0x354: {  	v4 =	vshll.u32 v4, $0x4  }
0x355: {  	v5 =	vshll.u32 v5, $0x8;
	v6 =	vor.u32 v1, v4;
	v4 =	vand.u32 $0xFFFFFF80, v4  }
0x356: {  	vm0 =	vgt.f32 v3, $0.0e+00;
	v4 =	vor.u32 v5, v4;
	v63 =	vand.u32 $0x7F, v6  }
0x357: {  	v4 =	vor.u32 v63, v4  }
0x358: {  	p0 =	sne.s32 s8, $0x80  }
.Ltmp13:
0x359: {  	_ = 	snop;
	(pc) =	sbr.rel @p0 .LBB2_28-.Ltmp13, $3  }
0x35a: {  	_ =	sdelay $0x1  }
0x35b: {  	[tilespmem:v4+s30+$0x0] =	vst.idx.add.f32.msk vm0, v2  }
0x35c: {  	s8 =	sadd.s32 $0x40, s8;
	[tilespmem:v4+s31+$0x0] =	vst.idx.add.f32.msk vm0, v3  }
0x35d: {  	_ =	swait.ge [sflag:s1], $0x7530  }
0x35e: {  	[sflag:s1] =	ssyncset.done $0x0  }
0x35f: {  	[sflag:s1] =	ssyncadd.s32 $0xFFFF8AD0  }
0x360: {  	_ =	swait.ge [sflag:s0], $0x7530  }
0x361: {  	[sflag:s0] =	ssyncset.done $0x0  }
0x362: {  	[sflag:s0] =	ssyncadd.s32 $0xFFFF8AD0  }
0x363: {  	[tilespmem:s2], [sflag:$0x1] =	stream.linear.gather [hbm4b:s19+s2], $0x2710, $0x38;
	[tilespmem:$0x1DA00] =	vst v63  }
0x364: {  	s6 =	simm.s32 $0x75C0  }
0x365: {  	[tilespmem:s24], [sflag:$0x3] =	stream.linear.gather [hbm4b:s20+s2], $0x2710, $0x38;
	[tilespmem:$0x1DA00] =	vst v63  }
0x366: {  	v10 =	vld [tilespmem:s6+$0x30]  }
0x367: {  	v7 =	vld [tilespmem:s6+$0xFFFFFFD0]  }
0x368: {  	v8 =	vld [tilespmem:s6+$0xFFFFFFE0]  }
0x369: {  	v6 =	vld [tilespmem:s6+$0xFFFFFFF0]  }
0x36a: {  	v4 =	vld [tilespmem:s6+$0x0]  }
0x36b: {  	v3 =	vld [tilespmem:s6+$0x10]  }
0x36c: {  	s5 =	simm.s32 $0x160C0;
	v5 =	vld [tilespmem:s6+$0x20]  }
0x36d: {  	v12 =	vld [tilespmem:s5+$0x30]  }
0x36e: {  	v22 =	vld [tilespmem:s5+$0xFFFFFFF0];
	v9 =	vmul.f32 $1.500000000e+01, v10;
	v11 =	vmul.f32 $1.500000000e+01, v7;
	vm0 =	vgt.f32 v7, $0.0e+00  }
0x36f: {  	v24 =	vld [tilespmem:s5+$0x10];
	v13 =	vmul.f32 $1.500000000e+01, v8;
	vm1 =	vgt.f32 v8, $0.0e+00;
	v15 =	vmul.f32 $1.500000000e+01, v6  }
0x370: {  	v27 =	vld [tilespmem:s5+$0x20];
	vm2 =	vgt.f32 v6, $0.0e+00;
	v17 =	vmul.f32 $1.500000000e+01, v4;
	v19 =	vmul.f32 $1.500000000e+01, v3  }
0x371: {  	vm3 =	vgt.f32 v4, $0.0e+00;
	v23 =	vmul.f32 $1.500000000e+01, v5;
	v14 =	vtrunc.f32 v9  }
0x372: {  	v12 =	vshll.u32 v12, $0x8;
	v11 =	vtrunc.f32 v11;
	v13 =	vtrunc.f32 v13  }
0x373: {  	vm4 =	vgt.f32 v10, $0.0e+00;
	v9 =	vld [tilespmem:s6+$0xFFFFFFC0];
	v14 =	vcvt.f32.s32 v14;
	v11 =	vcvt.f32.s32 v11  }
0x374: {  	v18 =	vld [tilespmem:s5+$0xFFFFFFD0];
	v22 =	vshll.u32 v22, $0x8;
	v34 =	vshll.u32 v24, $0x8;
	v13 =	vcvt.f32.s32 v13  }
0x375: {  	v20 =	vld [tilespmem:s5+$0xFFFFFFE0];
	v27 =	vshll.u32 v27, $0x8;
	v14 =	vshll.u32 v14, $0x4;
	v11 =	vshll.u32 v11, $0x4  }
0x376: {  	v16 =	vld [tilespmem:s5+$0xFFFFFFC0];
	v13 =	vshll.u32 v13, $0x4;
	v21 =	vor.u32 v1, v14;
	v14 =	vand.u32 $0xFFFFFF80, v14  }
0x377: {  	v26 =	vor.u32 v1, v11;
	v12 =	vor.u32 v12, v14;
	v14 =	vand.u32 $0x7F, v21  }
0x378: {  	v11 =	vand.u32 $0xFFFFFF80, v11;
	v21 =	vmul.f32 $1.500000000e+01, v9;
	v25 =	vor.u32 v14, v12  }
0x379: {  	v14 =	vtrunc.f32 v15;
	v15 =	vtrunc.f32 v17;
	v17 =	vshll.u32 v18, $0x8  }
0x37a: {  	v18 =	vtrunc.f32 v19;
	v19 =	vshll.u32 v20, $0x8;
	v20 =	vtrunc.f32 v23  }
0x37b: {  	v12 =	vshll.u32 v16, $0x8;
	v16 =	vtrunc.f32 v21;
	v14 =	vcvt.f32.s32 v14  }
0x37c: {  	v28 =	vor.u32 v1, v13;
	v15 =	vcvt.f32.s32 v15;
	v18 =	vcvt.f32.s32 v18  }
0x37d: {  	v13 =	vand.u32 $0xFFFFFF80, v13;
	v20 =	vcvt.f32.s32 v20;
	v16 =	vcvt.f32.s32 v16  }
0x37e: {  	v14 =	vshll.u32 v14, $0x4;
	v15 =	vshll.u32 v15, $0x4;
	v18 =	vshll.u32 v18, $0x4  }
0x37f: {  	v21 =	vld [tilespmem:s5+$0x0];
	v20 =	vshll.u32 v20, $0x4;
	v16 =	vshll.u32 v16, $0x4;
	v29 =	vor.u32 v1, v14  }
0x380: {  	v30 =	vand.u32 $0xFFFFFF80, v14;
	v31 =	vor.u32 v1, v15;
	v32 =	vand.u32 $0xFFFFFF80, v15  }
0x381: {  	v33 =	vor.u32 v1, v18;
	v15 =	vor.u32 v19, v13;
	v13 =	vor.u32 v1, v20  }
0x382: {  	v20 =	vand.u32 $0xFFFFFF80, v20;
	v23 =	vor.u32 v1, v16;
	v16 =	vand.u32 $0xFFFFFF80, v16  }
0x383: {  	v19 =	vand.u32 $0x7F, v29;
	v24 =	vand.u32 $0x7F, v31;
	v14 =	vor.u32 v12, v16  }
0x384: {  	v12 =	vor.u32 v17, v11;
	v11 =	vand.u32 $0xFFFFFF80, v18;
	v18 =	vshll.u32 v21, $0x8  }
0x385: {  	[tilespmem:v25+s30+$0x0] =	vst.idx.add.f32.msk vm4, v2;
	v16 =	vand.u32 $0x7F, v23;
	v21 =	vand.u32 $0x7F, v26;
	v23 =	vand.u32 $0x7F, v28  }
0x386: {  	v17 =	vor.u32 v22, v30;
	[tilespmem:v25+s31+$0x0] =	vst.idx.add.f32.msk vm4, v10;
	v25 =	vand.u32 $0x7F, v33;
	v22 =	vor.u32 v18, v32  }
0x387: {  	s7 =	simm.s32 $0x7640;
	s6 =	simm.s32 $0x0;
	v11 =	vor.u32 v34, v11;
	v18 =	vor.u32 v27, v20;
	v20 =	vand.u32 $0x7F, v13  }
.LBB2_30:
0x388: {  	v26 =	vld [tilespmem:s7+$0x30];
	v14 =	vor.u32 v16, v14;
	v16 =	vor.u32 v21, v12;
	v15 =	vor.u32 v23, v15  }
0x389: {  	s6 =	sadd.s32 $0x8, s6;
	v17 =	vor.u32 v19, v17;
	v12 =	vor.u32 v24, v22;
	v11 =	vor.u32 v25, v11;
	v21 =	vld [tilespmem:s7+$0xFFFFFFD0]  }
0x38a: {  	vm10 =	vgt.f32 v9, $0.0e+00;
	vm5 =	vgt.f32 v3, $0.0e+00;
	v10 =	vor.u32 v20, v18;
	p0 =	slt.u32 s6, $0x748;
	v19 =	vld [tilespmem:s7+$0xFFFFFFE0]  }
0x38b: {  	vm4 =	vgt.f32 v5, $0.0e+00;
	vm9 =	vmmov vm0;
	vm8 =	vmmov vm1;
	v18 =	vld [tilespmem:s7+$0xFFFFFFF0]  }
0x38c: {  	vm7 =	vmmov vm2;
	vm6 =	vmmov vm3;
	v20 =	vld [tilespmem:s7+$0x0]  }
0x38d: {  	s5 =	sadd.s32 $0x80, s5;
	v22 =	vld [tilespmem:s7+$0x10];
	v23 =	vmul.f32 $1.500000000e+01, v26  }
0x38e: {  	v24 =	vmul.f32 $1.500000000e+01, v21;
	vm0 =	vgt.f32 v21, $0.0e+00;
	v25 =	vld [tilespmem:s5+$0x30]  }
0x38f: {  	v27 =	vmul.f32 $1.500000000e+01, v19;
	vm1 =	vgt.f32 v19, $0.0e+00;
	v13 =	vld [tilespmem:s7+$0x20];
	v23 =	vtrunc.f32 v23  }
0x390: {  	v28 =	vld [tilespmem:s7+$0xFFFFFFC0];
	v29 =	vmul.f32 $1.500000000e+01, v18;
	vm2 =	vgt.f32 v18, $0.0e+00;
	v23 =	vcvt.f32.s32 v23  }
0x391: {  	v24 =	vtrunc.f32 v24;
	v30 =	vld [tilespmem:s5+$0xFFFFFFC0];
	v31 =	vmul.f32 $1.500000000e+01, v20;
	vm3 =	vgt.f32 v20, $0.0e+00  }
0x392: {  	v27 =	vtrunc.f32 v27;
	v32 =	vld [tilespmem:s5+$0xFFFFFFD0];
	v33 =	vmul.f32 $1.500000000e+01, v22;
	v23 =	vshll.u32 v23, $0x4  }
0x393: {  	v34 =	vld [tilespmem:s5+$0xFFFFFFE0];
	v25 =	vshll.u32 v25, $0x8;
	v35 =	vor.u32 v1, v23;
	v23 =	vand.u32 $0xFFFFFF80, v23  }
0x394: {  	vm11 =	vgt.f32 v26, $0.0e+00;
	v36 =	vld [tilespmem:s5+$0xFFFFFFF0];
	v23 =	vor.u32 v25, v23;
	v25 =	vand.u32 $0x7F, v35  }
0x395: {  	v38 =	vmul.f32 $1.500000000e+01, v13;
	v35 =	vmul.f32 $1.500000000e+01, v28;
	v37 =	vld [tilespmem:s5+$0x0];
	v23 =	vor.u32 v25, v23  }
0x396: {  	v29 =	vtrunc.f32 v29;
	v25 =	vshll.u32 v30, $0x8;
	v30 =	vtrunc.f32 v31;
	v31 =	vld [tilespmem:s5+$0x10]  }
0x397: {  	v33 =	vtrunc.f32 v33;
	v35 =	vtrunc.f32 v35;
	v32 =	vshll.u32 v32, $0x8;
	v39 =	vld [tilespmem:s5+$0x20]  }
0x398: {  	v38 =	vtrunc.f32 v38;
	v35 =	vcvt.f32.s32 v35;
	v34 =	vshll.u32 v34, $0x8;
	[tilespmem:v14+s30+$0x0] =	vst.idx.add.f32.msk vm10, v2  }
0x399: {  	v24 =	vcvt.f32.s32 v24;
	v27 =	vcvt.f32.s32 v27;
	v36 =	vshll.u32 v36, $0x8;
	[tilespmem:v14+s31+$0x0] =	vst.idx.add.f32.msk vm10, v9;
	v9 =	vmovc v28  }
0x39a: {  	v28 =	vcvt.f32.s32 v29;
	v29 =	vcvt.f32.s32 v30;
	v14 =	vshll.u32 v35, $0x4;
	[tilespmem:v23+s30+$0x0] =	vst.idx.add.f32.msk vm11, v2  }
0x39b: {  	s8 =	simm.s32 $0x0;
	v24 =	vshll.u32 v24, $0x4;
	v30 =	vcvt.f32.s32 v33;
	v33 =	vcvt.f32.s32 v38;
	[tilespmem:v23+s31+$0x0] =	vst.idx.add.f32.msk vm11, v26  }
0x39c: {  	v23 =	vshll.u32 v27, $0x4;
	v26 =	vshll.u32 v28, $0x4;
	v27 =	vshll.u32 v29, $0x4;
	[tilespmem:v16+s30+$0x0] =	vst.idx.add.f32.msk vm9, v2  }
0x39d: {  	v28 =	vor.u32 v1, v14;
	v29 =	vshll.u32 v30, $0x4;
	v30 =	vshll.u32 v33, $0x4;
	[tilespmem:v16+s31+$0x0] =	vst.idx.add.f32.msk vm9, v7;
	v7 =	vmovc v21  }
0x39e: {  	v14 =	vand.u32 $0xFFFFFF80, v14;
	v21 =	vor.u32 v1, v24;
	v24 =	vand.u32 $0xFFFFFF80, v24;
	[tilespmem:v15+s30+$0x0] =	vst.idx.add.f32.msk vm8, v2  }
0x39f: {  	v33 =	vor.u32 v1, v23;
	v23 =	vand.u32 $0xFFFFFF80, v23;
	v35 =	vor.u32 v1, v26;
	[tilespmem:v15+s31+$0x0] =	vst.idx.add.f32.msk vm8, v8  }
0x3a0: {  	v26 =	vand.u32 $0xFFFFFF80, v26;
	v38 =	vor.u32 v1, v27;
	v27 =	vand.u32 $0xFFFFFF80, v27;
	v8 =	vmovc v19;
	[tilespmem:v17+s30+$0x0] =	vst.idx.add.f32.msk vm7, v2  }
0x3a1: {  	v40 =	vor.u32 v1, v29;
	v29 =	vand.u32 $0xFFFFFF80, v29;
	v41 =	vor.u32 v1, v30;
	[tilespmem:v17+s31+$0x0] =	vst.idx.add.f32.msk vm7, v6  }
0x3a2: {  	v37 =	vshll.u32 v37, $0x8;
	v31 =	vshll.u32 v31, $0x8;
	v30 =	vand.u32 $0xFFFFFF80, v30;
	v6 =	vmovc v18;
	[tilespmem:v12+s30+$0x0] =	vst.idx.add.f32.msk vm6, v2  }
.Ltmp14:
0x3a3: {  	v14 =	vor.u32 v25, v14;
	v16 =	vand.u32 $0x7F, v28;
	v18 =	vshll.u32 v39, $0x8;
	[tilespmem:v12+s31+$0x0] =	vst.idx.add.f32.msk vm6, v4;
	v4 =	vmovc v20;
	(pc) =	sbr.rel @p0 .LBB2_30-.Ltmp14, $4  }
0x3a4: {  	v21 =	vand.u32 $0x7F, v21;
	v15 =	vor.u32 v34, v23;
	v12 =	vor.u32 v32, v24;
	[tilespmem:v11+s30+$0x0] =	vst.idx.add.f32.msk vm5, v2  }
0x3a5: {  	v23 =	vand.u32 $0x7F, v33;
	v19 =	vand.u32 $0x7F, v35;
	v17 =	vor.u32 v36, v26;
	[tilespmem:v11+s31+$0x0] =	vst.idx.add.f32.msk vm5, v3;
	v3 =	vmovc v22  }
0x3a6: {  	v24 =	vand.u32 $0x7F, v38;
	v22 =	vor.u32 v37, v27;
	v11 =	vor.u32 v31, v29;
	[tilespmem:v10+s30+$0x0] =	vst.idx.add.f32.msk vm4, v2  }
0x3a7: {  	s7 =	sadd.s32 $0x80, s7;
	v25 =	vand.u32 $0x7F, v40;
	v18 =	vor.u32 v18, v30;
	v20 =	vand.u32 $0x7F, v41;
	[tilespmem:v10+s31+$0x0] =	vst.idx.add.f32.msk vm4, v5;
	v5 =	vmovc v13  }
0x3a8: {  	vm4 =	vgt.f32 v9, $0.0e+00  }
0x3a9: {  	v10 =	vor.u32 v16, v14;
	vm0 =	vmmov vm0  }
0x3aa: {  	v12 =	vor.u32 v21, v12;
	vm1 =	vmmov vm1  }
0x3ab: {  	v13 =	vor.u32 v23, v15;
	vm2 =	vmmov vm2  }
0x3ac: {  	v60 =	vor.u32 v19, v17;
	vm3 =	vmmov vm3  }
0x3ad: {  	v61 =	vor.u32 v24, v22;
	vm14 =	vgt.f32 v3, $0.0e+00  }
0x3ae: {  	v62 =	vor.u32 v25, v11;
	vm15 =	vgt.f32 v5, $0.0e+00;
	[tilespmem:v10+s30+$0x0] =	vst.idx.add.f32.msk vm4, v2  }
0x3af: {  	v63 =	vor.u32 v20, v18;
	[tilespmem:v12+s30+$0x0] =	vst.idx.add.f32.msk vm0, v2  }
0x3b0: {  	[tilespmem:v13+s30+$0x0] =	vst.idx.add.f32.msk vm1, v2  }
0x3b1: {  	[tilespmem:v60+s30+$0x0] =	vst.idx.add.f32.msk vm2, v2  }
0x3b2: {  	[tilespmem:v61+s30+$0x0] =	vst.idx.add.f32.msk vm3, v2  }
0x3b3: {  	[tilespmem:v62+s30+$0x0] =	vst.idx.add.f32.msk vm14, v2  }
0x3b4: {  	[tilespmem:v63+s30+$0x0] =	vst.idx.add.f32.msk vm15, v2  }
0x3b5: {  	[tilespmem:v10+s31+$0x0] =	vst.idx.add.f32.msk vm4, v9  }
0x3b6: {  	[tilespmem:v12+s31+$0x0] =	vst.idx.add.f32.msk vm0, v7  }
0x3b7: {  	[tilespmem:v13+s31+$0x0] =	vst.idx.add.f32.msk vm1, v8  }
0x3b8: {  	[tilespmem:v60+s31+$0x0] =	vst.idx.add.f32.msk vm2, v6  }
0x3b9: {  	[tilespmem:v61+s31+$0x0] =	vst.idx.add.f32.msk vm3, v4  }
0x3ba: {  	[tilespmem:v62+s31+$0x0] =	vst.idx.add.f32.msk vm14, v3  }
0x3bb: {  	[tilespmem:v63+s31+$0x0] =	vst.idx.add.f32.msk vm15, v5  }
.LBB2_32:
0x3bc: {  	s5 =	sshra.s32 s8, $0x2  }
0x3bd: {  	v3 =	vld [tilespmem:s5+$0xEA80];
	_ =	sdelay $0x4  }
0x3be: {  	v4 =	vmul.f32 $1.500000000e+01, v3  }
0x3bf: {  	v5 =	vld [tilespmem:s5+$0x1D580]  }
0x3c0: {  	v4 =	vtrunc.f32 v4  }
0x3c1: {  	v4 =	vcvt.f32.s32 v4;
	_ =	sdelay $0x1  }
0x3c2: {  	v4 =	vshll.u32 v4, $0x4  }
0x3c3: {  	v5 =	vshll.u32 v5, $0x8;
	v6 =	vor.u32 v1, v4;
	v4 =	vand.u32 $0xFFFFFF80, v4  }
0x3c4: {  	vm0 =	vgt.f32 v3, $0.0e+00;
	v4 =	vor.u32 v5, v4;
	v63 =	vand.u32 $0x7F, v6  }
0x3c5: {  	v4 =	vor.u32 v63, v4  }
0x3c6: {  	p0 =	sne.s32 s8, $0x80  }
.Ltmp15:
0x3c7: {  	_ = 	snop;
	(pc) =	sbr.rel @p0 .LBB2_32-.Ltmp15, $3  }
0x3c8: {  	_ =	sdelay $0x1  }
0x3c9: {  	[tilespmem:v4+s30+$0x0] =	vst.idx.add.f32.msk vm0, v2  }
0x3ca: {  	s8 =	sadd.s32 $0x40, s8;
	[tilespmem:v4+s31+$0x0] =	vst.idx.add.f32.msk vm0, v3  }
0x3cb: {  	_ =	swait.ge [sflag:s25], $0x2710  }
0x3cc: {  	[sflag:s25] =	ssyncset.done $0x0  }
0x3cd: {  	[sflag:s25] =	ssyncadd.s32 $0xFFFFD8F0  }
0x3ce: {  	_ =	swait.ge [sflag:s26], $0x2710  }
0x3cf: {  	[sflag:s26] =	ssyncset.done $0x0  }
0x3d0: {  	s6 =	simm.s32 $0x40;
	[sflag:s26] =	ssyncadd.s32 $0xFFFFD8F0  }
0x3d1: {  	v10 =	vld [tilespmem:s6+$0x30]  }
0x3d2: {  	v7 =	vld [tilespmem:s6+$0xFFFFFFD0]  }
0x3d3: {  	v8 =	vld [tilespmem:s6+$0xFFFFFFE0]  }
0x3d4: {  	v6 =	vld [tilespmem:s6+$0xFFFFFFF0]  }
0x3d5: {  	v4 =	vld [tilespmem:s6+$0x0]  }
0x3d6: {  	v3 =	vld [tilespmem:s6+$0x10]  }
0x3d7: {  	s5 =	simm.s32 $0xEB40;
	v5 =	vld [tilespmem:s6+$0x20]  }
0x3d8: {  	v12 =	vld [tilespmem:s5+$0x30]  }
0x3d9: {  	v22 =	vld [tilespmem:s5+$0xFFFFFFF0];
	v9 =	vmul.f32 $1.500000000e+01, v10;
	v11 =	vmul.f32 $1.500000000e+01, v7;
	vm0 =	vgt.f32 v7, $0.0e+00  }
0x3da: {  	v24 =	vld [tilespmem:s5+$0x10];
	v13 =	vmul.f32 $1.500000000e+01, v8;
	vm1 =	vgt.f32 v8, $0.0e+00;
	v15 =	vmul.f32 $1.500000000e+01, v6  }
0x3db: {  	v27 =	vld [tilespmem:s5+$0x20];
	vm2 =	vgt.f32 v6, $0.0e+00;
	v17 =	vmul.f32 $1.500000000e+01, v4;
	v19 =	vmul.f32 $1.500000000e+01, v3  }
0x3dc: {  	vm3 =	vgt.f32 v4, $0.0e+00;
	v23 =	vmul.f32 $1.500000000e+01, v5;
	v14 =	vtrunc.f32 v9  }
0x3dd: {  	v12 =	vshll.u32 v12, $0x8;
	v11 =	vtrunc.f32 v11;
	v13 =	vtrunc.f32 v13  }
0x3de: {  	vm4 =	vgt.f32 v10, $0.0e+00;
	v9 =	vld [tilespmem:s6+$0xFFFFFFC0];
	v14 =	vcvt.f32.s32 v14;
	v11 =	vcvt.f32.s32 v11  }
0x3df: {  	v18 =	vld [tilespmem:s5+$0xFFFFFFD0];
	v22 =	vshll.u32 v22, $0x8;
	v34 =	vshll.u32 v24, $0x8;
	v13 =	vcvt.f32.s32 v13  }
0x3e0: {  	v20 =	vld [tilespmem:s5+$0xFFFFFFE0];
	v27 =	vshll.u32 v27, $0x8;
	v14 =	vshll.u32 v14, $0x4;
	v11 =	vshll.u32 v11, $0x4  }
0x3e1: {  	v16 =	vld [tilespmem:s5+$0xFFFFFFC0];
	v13 =	vshll.u32 v13, $0x4;
	v21 =	vor.u32 v1, v14;
	v14 =	vand.u32 $0xFFFFFF80, v14  }
0x3e2: {  	v26 =	vor.u32 v1, v11;
	v12 =	vor.u32 v12, v14;
	v14 =	vand.u32 $0x7F, v21  }
0x3e3: {  	v11 =	vand.u32 $0xFFFFFF80, v11;
	v21 =	vmul.f32 $1.500000000e+01, v9;
	v25 =	vor.u32 v14, v12  }
0x3e4: {  	v14 =	vtrunc.f32 v15;
	v15 =	vtrunc.f32 v17;
	v17 =	vshll.u32 v18, $0x8  }
0x3e5: {  	v18 =	vtrunc.f32 v19;
	v19 =	vshll.u32 v20, $0x8;
	v20 =	vtrunc.f32 v23  }
0x3e6: {  	v12 =	vshll.u32 v16, $0x8;
	v16 =	vtrunc.f32 v21;
	v14 =	vcvt.f32.s32 v14  }
0x3e7: {  	v28 =	vor.u32 v1, v13;
	v15 =	vcvt.f32.s32 v15;
	v18 =	vcvt.f32.s32 v18  }
0x3e8: {  	v13 =	vand.u32 $0xFFFFFF80, v13;
	v20 =	vcvt.f32.s32 v20;
	v16 =	vcvt.f32.s32 v16  }
0x3e9: {  	v14 =	vshll.u32 v14, $0x4;
	v15 =	vshll.u32 v15, $0x4;
	v18 =	vshll.u32 v18, $0x4  }
0x3ea: {  	v21 =	vld [tilespmem:s5+$0x0];
	v20 =	vshll.u32 v20, $0x4;
	v16 =	vshll.u32 v16, $0x4;
	v29 =	vor.u32 v1, v14  }
0x3eb: {  	v30 =	vand.u32 $0xFFFFFF80, v14;
	v31 =	vor.u32 v1, v15;
	v32 =	vand.u32 $0xFFFFFF80, v15  }
0x3ec: {  	v33 =	vor.u32 v1, v18;
	v15 =	vor.u32 v19, v13;
	v13 =	vor.u32 v1, v20  }
0x3ed: {  	v20 =	vand.u32 $0xFFFFFF80, v20;
	v23 =	vor.u32 v1, v16;
	v16 =	vand.u32 $0xFFFFFF80, v16  }
0x3ee: {  	v19 =	vand.u32 $0x7F, v29;
	v24 =	vand.u32 $0x7F, v31;
	v14 =	vor.u32 v12, v16  }
0x3ef: {  	v12 =	vor.u32 v17, v11;
	v11 =	vand.u32 $0xFFFFFF80, v18;
	v18 =	vshll.u32 v21, $0x8  }
0x3f0: {  	[tilespmem:v25+s30+$0x0] =	vst.idx.add.f32.msk vm4, v2;
	v16 =	vand.u32 $0x7F, v23;
	v21 =	vand.u32 $0x7F, v26;
	v23 =	vand.u32 $0x7F, v28  }
0x3f1: {  	v17 =	vor.u32 v22, v30;
	[tilespmem:v25+s31+$0x0] =	vst.idx.add.f32.msk vm4, v10;
	v25 =	vand.u32 $0x7F, v33;
	v22 =	vor.u32 v18, v32  }
0x3f2: {  	s7 =	simm.s32 $0xC0;
	s6 =	simm.s32 $0x0;
	v11 =	vor.u32 v34, v11;
	v18 =	vor.u32 v27, v20;
	v20 =	vand.u32 $0x7F, v13  }
.LBB2_34:
0x3f3: {  	v26 =	vld [tilespmem:s7+$0x30];
	v14 =	vor.u32 v16, v14;
	v16 =	vor.u32 v21, v12;
	v15 =	vor.u32 v23, v15  }
0x3f4: {  	s6 =	sadd.s32 $0x8, s6;
	v17 =	vor.u32 v19, v17;
	v12 =	vor.u32 v24, v22;
	v11 =	vor.u32 v25, v11;
	v21 =	vld [tilespmem:s7+$0xFFFFFFD0]  }
0x3f5: {  	vm10 =	vgt.f32 v9, $0.0e+00;
	vm5 =	vgt.f32 v3, $0.0e+00;
	v10 =	vor.u32 v20, v18;
	p0 =	slt.u32 s6, $0x268;
	v19 =	vld [tilespmem:s7+$0xFFFFFFE0]  }
0x3f6: {  	vm4 =	vgt.f32 v5, $0.0e+00;
	vm9 =	vmmov vm0;
	vm8 =	vmmov vm1;
	v18 =	vld [tilespmem:s7+$0xFFFFFFF0]  }
0x3f7: {  	vm7 =	vmmov vm2;
	vm6 =	vmmov vm3;
	v20 =	vld [tilespmem:s7+$0x0]  }
0x3f8: {  	s5 =	sadd.s32 $0x80, s5;
	v22 =	vld [tilespmem:s7+$0x10];
	v23 =	vmul.f32 $1.500000000e+01, v26  }
0x3f9: {  	v24 =	vmul.f32 $1.500000000e+01, v21;
	vm0 =	vgt.f32 v21, $0.0e+00;
	v25 =	vld [tilespmem:s5+$0x30]  }
0x3fa: {  	v27 =	vmul.f32 $1.500000000e+01, v19;
	vm1 =	vgt.f32 v19, $0.0e+00;
	v13 =	vld [tilespmem:s7+$0x20];
	v23 =	vtrunc.f32 v23  }
0x3fb: {  	v28 =	vld [tilespmem:s7+$0xFFFFFFC0];
	v29 =	vmul.f32 $1.500000000e+01, v18;
	vm2 =	vgt.f32 v18, $0.0e+00;
	v23 =	vcvt.f32.s32 v23  }
0x3fc: {  	v24 =	vtrunc.f32 v24;
	v30 =	vld [tilespmem:s5+$0xFFFFFFC0];
	v31 =	vmul.f32 $1.500000000e+01, v20;
	vm3 =	vgt.f32 v20, $0.0e+00  }
0x3fd: {  	v27 =	vtrunc.f32 v27;
	v32 =	vld [tilespmem:s5+$0xFFFFFFD0];
	v33 =	vmul.f32 $1.500000000e+01, v22;
	v23 =	vshll.u32 v23, $0x4  }
0x3fe: {  	v34 =	vld [tilespmem:s5+$0xFFFFFFE0];
	v25 =	vshll.u32 v25, $0x8;
	v35 =	vor.u32 v1, v23;
	v23 =	vand.u32 $0xFFFFFF80, v23  }
0x3ff: {  	vm11 =	vgt.f32 v26, $0.0e+00;
	v36 =	vld [tilespmem:s5+$0xFFFFFFF0];
	v23 =	vor.u32 v25, v23;
	v25 =	vand.u32 $0x7F, v35  }
0x400: {  	v38 =	vmul.f32 $1.500000000e+01, v13;
	v35 =	vmul.f32 $1.500000000e+01, v28;
	v37 =	vld [tilespmem:s5+$0x0];
	v23 =	vor.u32 v25, v23  }
0x401: {  	v29 =	vtrunc.f32 v29;
	v25 =	vshll.u32 v30, $0x8;
	v30 =	vtrunc.f32 v31;
	v31 =	vld [tilespmem:s5+$0x10]  }
0x402: {  	v33 =	vtrunc.f32 v33;
	v35 =	vtrunc.f32 v35;
	v32 =	vshll.u32 v32, $0x8;
	v39 =	vld [tilespmem:s5+$0x20]  }
0x403: {  	v38 =	vtrunc.f32 v38;
	v35 =	vcvt.f32.s32 v35;
	v34 =	vshll.u32 v34, $0x8;
	[tilespmem:v14+s30+$0x0] =	vst.idx.add.f32.msk vm10, v2  }
0x404: {  	v24 =	vcvt.f32.s32 v24;
	v27 =	vcvt.f32.s32 v27;
	v36 =	vshll.u32 v36, $0x8;
	[tilespmem:v14+s31+$0x0] =	vst.idx.add.f32.msk vm10, v9;
	v9 =	vmovc v28  }
0x405: {  	v28 =	vcvt.f32.s32 v29;
	v29 =	vcvt.f32.s32 v30;
	v14 =	vshll.u32 v35, $0x4;
	[tilespmem:v23+s30+$0x0] =	vst.idx.add.f32.msk vm11, v2  }
0x406: {  	v24 =	vshll.u32 v24, $0x4;
	v30 =	vcvt.f32.s32 v33;
	v33 =	vcvt.f32.s32 v38;
	[tilespmem:v23+s31+$0x0] =	vst.idx.add.f32.msk vm11, v26  }
0x407: {  	v23 =	vshll.u32 v27, $0x4;
	v26 =	vshll.u32 v28, $0x4;
	v27 =	vshll.u32 v29, $0x4;
	[tilespmem:v16+s30+$0x0] =	vst.idx.add.f32.msk vm9, v2  }
0x408: {  	v28 =	vor.u32 v1, v14;
	v29 =	vshll.u32 v30, $0x4;
	v30 =	vshll.u32 v33, $0x4;
	[tilespmem:v16+s31+$0x0] =	vst.idx.add.f32.msk vm9, v7;
	v7 =	vmovc v21  }
0x409: {  	v14 =	vand.u32 $0xFFFFFF80, v14;
	v21 =	vor.u32 v1, v24;
	v24 =	vand.u32 $0xFFFFFF80, v24;
	[tilespmem:v15+s30+$0x0] =	vst.idx.add.f32.msk vm8, v2  }
0x40a: {  	v33 =	vor.u32 v1, v23;
	v23 =	vand.u32 $0xFFFFFF80, v23;
	v35 =	vor.u32 v1, v26;
	[tilespmem:v15+s31+$0x0] =	vst.idx.add.f32.msk vm8, v8  }
0x40b: {  	v26 =	vand.u32 $0xFFFFFF80, v26;
	v38 =	vor.u32 v1, v27;
	v27 =	vand.u32 $0xFFFFFF80, v27;
	v8 =	vmovc v19;
	[tilespmem:v17+s30+$0x0] =	vst.idx.add.f32.msk vm7, v2  }
0x40c: {  	v40 =	vor.u32 v1, v29;
	v29 =	vand.u32 $0xFFFFFF80, v29;
	v41 =	vor.u32 v1, v30;
	[tilespmem:v17+s31+$0x0] =	vst.idx.add.f32.msk vm7, v6  }
0x40d: {  	v37 =	vshll.u32 v37, $0x8;
	v31 =	vshll.u32 v31, $0x8;
	v30 =	vand.u32 $0xFFFFFF80, v30;
	v6 =	vmovc v18;
	[tilespmem:v12+s30+$0x0] =	vst.idx.add.f32.msk vm6, v2  }
.Ltmp16:
0x40e: {  	v14 =	vor.u32 v25, v14;
	v16 =	vand.u32 $0x7F, v28;
	v18 =	vshll.u32 v39, $0x8;
	[tilespmem:v12+s31+$0x0] =	vst.idx.add.f32.msk vm6, v4;
	v4 =	vmovc v20;
	(pc) =	sbr.rel @p0 .LBB2_34-.Ltmp16, $4  }
0x40f: {  	v21 =	vand.u32 $0x7F, v21;
	v15 =	vor.u32 v34, v23;
	v12 =	vor.u32 v32, v24;
	[tilespmem:v11+s30+$0x0] =	vst.idx.add.f32.msk vm5, v2  }
0x410: {  	v23 =	vand.u32 $0x7F, v33;
	v19 =	vand.u32 $0x7F, v35;
	v17 =	vor.u32 v36, v26;
	[tilespmem:v11+s31+$0x0] =	vst.idx.add.f32.msk vm5, v3;
	v3 =	vmovc v22  }
0x411: {  	v24 =	vand.u32 $0x7F, v38;
	v22 =	vor.u32 v37, v27;
	v11 =	vor.u32 v31, v29;
	[tilespmem:v10+s30+$0x0] =	vst.idx.add.f32.msk vm4, v2  }
0x412: {  	s7 =	sadd.s32 $0x80, s7;
	v25 =	vand.u32 $0x7F, v40;
	v18 =	vor.u32 v18, v30;
	v20 =	vand.u32 $0x7F, v41;
	[tilespmem:v10+s31+$0x0] =	vst.idx.add.f32.msk vm4, v5;
	v5 =	vmovc v13  }
0x413: {  	vm4 =	vgt.f32 v9, $0.0e+00  }
0x414: {  	v10 =	vor.u32 v16, v14;
	vm0 =	vmmov vm0  }
0x415: {  	v12 =	vor.u32 v21, v12;
	vm1 =	vmmov vm1  }
0x416: {  	v13 =	vor.u32 v23, v15;
	vm2 =	vmmov vm2  }
0x417: {  	v57 =	vor.u32 v19, v17;
	vm3 =	vmmov vm3  }
0x418: {  	v58 =	vor.u32 v24, v22;
	vm13 =	vgt.f32 v3, $0.0e+00  }
0x419: {  	v59 =	vor.u32 v25, v11;
	vm14 =	vgt.f32 v5, $0.0e+00;
	[tilespmem:v10+s30+$0x0] =	vst.idx.add.f32.msk vm4, v2  }
0x41a: {  	v60 =	vor.u32 v20, v18;
	[tilespmem:v12+s30+$0x0] =	vst.idx.add.f32.msk vm0, v2  }
0x41b: {  	[tilespmem:v13+s30+$0x0] =	vst.idx.add.f32.msk vm1, v2  }
0x41c: {  	[tilespmem:v57+s30+$0x0] =	vst.idx.add.f32.msk vm2, v2  }
0x41d: {  	[tilespmem:v58+s30+$0x0] =	vst.idx.add.f32.msk vm3, v2  }
0x41e: {  	[tilespmem:v59+s30+$0x0] =	vst.idx.add.f32.msk vm13, v2  }
0x41f: {  	[tilespmem:v60+s30+$0x0] =	vst.idx.add.f32.msk vm14, v2  }
0x420: {  	[tilespmem:v10+s31+$0x0] =	vst.idx.add.f32.msk vm4, v9  }
0x421: {  	[tilespmem:v12+s31+$0x0] =	vst.idx.add.f32.msk vm0, v7  }
0x422: {  	[tilespmem:v13+s31+$0x0] =	vst.idx.add.f32.msk vm1, v8  }
0x423: {  	[tilespmem:v57+s31+$0x0] =	vst.idx.add.f32.msk vm2, v6  }
0x424: {  	[tilespmem:v58+s31+$0x0] =	vst.idx.add.f32.msk vm3, v4  }
0x425: {  	[tilespmem:v59+s31+$0x0] =	vst.idx.add.f32.msk vm13, v3  }
0x426: {  	[tilespmem:v60+s31+$0x0] =	vst.idx.add.f32.msk vm14, v5  }
0x427: {  	v3 =	vld [tilespmem:$0x2700];
	_ =	sdelay $0x4  }
0x428: {  	v61 =	vmul.f32 $1.500000000e+01, v3  }
0x429: {  	v5 =	vld [tilespmem:$0x11200]  }
0x42a: {  	v4 =	vtrunc.f32 v61  }
0x42b: {  	v4 =	vcvt.f32.s32 v4;
	_ =	sdelay $0x1  }
0x42c: {  	v4 =	vshll.u32 v4, $0x4  }
0x42d: {  	v5 =	vshll.u32 v5, $0x8;
	v62 =	vor.u32 v1, v4;
	v4 =	vand.u32 $0xFFFFFF80, v4  }
0x42e: {  	vm15 =	vgt.f32 v3, $0.0e+00;
	v4 =	vor.u32 v5, v4;
	v63 =	vand.u32 $0x7F, v62  }
0x42f: {  	v4 =	vor.u32 v63, v4;
	_ =	sdelay $0x4  }
0x430: {  	[tilespmem:v4+s30+$0x0] =	vst.idx.add.f32.msk vm15, v2  }
0x431: {  	s5 =	simm.s32 $0x80;
	s6 =	simm.s32 $0x400;
	[tilespmem:v4+s31+$0x0] =	vst.idx.add.f32.msk vm15, v3  }
0x432: {  	[hbm4b:s21+s5] =	stream.strided.scatter [tilespmem:s30], [sflag:$0x5], $0x200, s6, s5, $0x38;
	[tilespmem:$0x1DA00] =	vst v63  }
0x433: {  	s4 =	sadd.s32 $0x1, s4;
	_ =	swait.ge [sflag:s3], $0x200  }
0x434: {  	p0 =	sne.s32 s4, s23;
	[sflag:s3] =	ssyncset.done $0x0  }
.Ltmp17:
0x435: {  	[sflag:s3] =	ssyncadd.s32 $0xFFFFFE00;
	(pc) =	sbr.rel @p0 .LBB2_1-.Ltmp17, $4  }
0x436: {  	[hbm4b:s22+s5] =	stream.strided.scatter [tilespmem:s31], [sflag:$0x5], $0x200, s6, s5, $0x38;
	[tilespmem:$0x1DA00] =	vst v63  }
0x437: {  	_ =	swait.ge [sflag:s3], $0x200  }
0x438: {  	[sflag:s3] =	ssyncset.done $0x0  }
0x439: {  	[sflag:s3] =	ssyncadd.s32 $0xFFFFFE00  }
0x43a: {  	_ =	sfence.sel $0x180000  }
0x43b: {  	[bflag:$0x0] =	sbarrier.arrive $0xFFFF  }
0x43c: {  	_ =	strace $0x90000047  }
0x43d: {  	s0 =	stileid.u32;
	[bflag:$0x2] =	sbarrier.arrive $0xFFFF  }
0x43e: {  	p0 =	sne.s32 s0, $0x0;
	s0 =	rddreg [dreg:$0x3]  }
0x43f: {  	s0 =	sadd.s32 @!p0 $0x100000, s0  }
0x440: {  	[sflag:s0] =	ssyncadd.tile.s32 @!p0 $0x1;
	_ =	shalt  }
.Lfunc_end2:
_tile_overlayer_lowered:
.L_overlay_start_2:
0x441: {  	(tag) =	ssettag $0x2  }
0x442: {  	s0 =	rddreg [dreg:$0x0];
	s2 =	stileid.u32  }
0x443: {  	s1 =	rddreg [dreg:$0x1];
	p0 =	sne.s32 s2, $0x0  }
0x444: {  	s3 =	rddreg [dreg:$0x2];
	[bflag:$0x3] =	sbarrier.arrive $0xFFFF;
	s2 =	simm.s32 @!p0 $0x1C05  }
0x445: {  	[timem:s3], [sflag:s2] =	dma.local @!p0 [hbm:s0], s1  }
0x446: {  	s0 =	simm.s32 @!p0 $0x5  }
0x447: {  	_ =	swait.ge @!p0 [sflag:s0], s1  }
0x448: {  	s1 =	ssub.s32 @!p0 $0x0, s1;
	[sflag:s0] =	ssyncset.done @!p0 $0x0  }
0x449: {  	[sflag:s0] =	ssyncadd.s32 @!p0 s1  }
0x44a: {  	[bflag:$0x3] =	sbarrier.arrive $0xFFFF  }
0x44b: {  	_ =	shalt  }

</sc_bundles>
